<compile_context>
chip_gen: v7x
topology: tpu7x:2x2x1
jax: 0.10.2.dev20260603
libtpu: 0.0.44.dev20260713+nightly
codegen_flags: <defaults>
</compile_context>

<pallas_src>
import functools

import jax
import jax.numpy as jnp
from jax import lax
from jax.experimental import pallas as pl
from jax.experimental.pallas import tpu as pltpu
from jax.experimental.pallas import tpu_sc as plsc


def _lane_shuffle(x, idx):
    dnums = lax.GatherDimensionNumbers(
        offset_dims=(), collapsed_slice_dims=(0,), start_index_map=(0,))
    return lax.gather(x, idx[:, None], dnums, slice_sizes=(1,),
                      mode=lax.GatherScatterMode.PROMISE_IN_BOUNDS)


def _widen(u):
    lo = lax.bitcast_convert_type(u << 16, jnp.float32)
    hi = lax.bitcast_convert_type(u & jnp.int32(-65536), jnp.float32)
    return lo, hi


def _narrow(a, b):
    ua = lax.shift_right_logical(
        lax.bitcast_convert_type(a, jnp.int32) + jnp.int32(0x8000), 16)
    ub = (lax.bitcast_convert_type(b, jnp.int32) + jnp.int32(0x8000)) \
        & jnp.int32(-65536)
    return ub | (ua & jnp.int32(0xFFFF))


N_NODES_ = 10000
N_EDGES_ = 320000
D_ = 128

NC_ = 2
NS_ = 16
C_ = 64
NBUF_ = 4
NCHUNKS_ = N_EDGES_ // C_
CH_A_ = 190
CH_B_ = NCHUNKS_ // NS_ - CH_A_ - 1
_FAST_TOTAL_ = NS_ * CH_A_ + 8
CH_B_ = (NCHUNKS_ - _FAST_TOTAL_) // NS_
T_SRC_A_, T_DST_A_ = 8, 8
T_SRC_B_, T_DST_B_ = 8, 8
ROWS_T_ = N_NODES_ // NS_
RPK_ = 25


def _sc_kernel(hs, hd, ei, out, hpk_s, hpk_d,
               idx_s, idx_d, rows_s, rows_d, score, pin, pout, sh_s, sh_d,
               sem_i, sem_s, sem_d, sem_o):
    c = lax.axis_index("c")
    s = lax.axis_index("s")
    n = jnp.where(c == 0, CH_A_ + (s < 8), CH_B_).astype(jnp.int32)
    base = jnp.where(c == 0, s * CH_A_ + jnp.minimum(s, 8),
                     _FAST_TOTAL_ + s * CH_B_).astype(jnp.int32)
    t_src = jnp.where(c == 0, T_SRC_A_, T_SRC_B_).astype(jnp.int32)
    t_dst = jnp.where(c == 0, T_DST_A_, T_DST_B_).astype(jnp.int32)

    row0 = s * ROWS_T_

    def _pack(src_tab, dst_sh, dst_hbm):
        @pl.loop(0, ROWS_T_ // RPK_)
        def _blk(bk):
            r0 = row0 + bk * RPK_
            pltpu.sync_copy(src_tab.at[pl.ds(r0, RPK_)], pin)

            @pl.loop(0, RPK_)
            def _row(i):
                for q in range(4):
                    a = pin[i, 32 * q:32 * q + 16]
                    b = pin[i, 32 * q + 16:32 * q + 32]
                    pout[i, 16 * q:16 * (q + 1)] = _narrow(a, b)

            pltpu.sync_copy(pout, dst_sh.at[pl.ds(r0, RPK_)])
            pltpu.sync_copy(pout, dst_hbm.at[c, pl.ds(r0, RPK_)])

    _pack(hs, sh_s, hpk_s)
    _pack(hd, sh_d, hpk_d)
    plsc.subcore_barrier()

    lane = lax.iota(jnp.int32, 16)
    perms = [(lane + sh) & 15 for sh in (8, 4, 2, 1)]

    def _issue_idx(k):
        slot = k % NBUF_
        off = (base + k) * C_
        pltpu.async_copy(ei.at[0, pl.ds(off, C_)], idx_s.at[slot],
                         sem_i.at[slot])
        pltpu.async_copy(ei.at[1, pl.ds(off, C_)], idx_d.at[slot],
                         sem_i.at[slot])

    def _wait_idx(k):
        slot = k % NBUF_
        pltpu.make_async_copy(ei.at[0, pl.ds((base + k) * C_, C_)],
                              idx_s.at[slot], sem_i.at[slot]).wait()
        pltpu.make_async_copy(ei.at[1, pl.ds((base + k) * C_, C_)],
                              idx_d.at[slot], sem_i.at[slot]).wait()

    def _routes(k):
        sp_src = ((k * t_src) % 8) < t_src
        sp_dst = ((k * t_dst) % 8) < t_dst
        return sp_src, sp_dst

    def _issue_gather(k):
        slot = k % NBUF_
        sp_src, sp_dst = _routes(k)

        @pl.when(sp_src)
        def _():
            pltpu.async_copy(sh_s.at[idx_s.at[slot]], rows_s.at[slot],
                             sem_s.at[slot])

        @pl.when(jnp.logical_not(sp_src))
        def _():
            pltpu.async_copy(hpk_s.at[c].at[idx_s.at[slot]], rows_s.at[slot],
                             sem_s.at[slot])

        @pl.when(sp_dst)
        def _():
            pltpu.async_copy(sh_d.at[idx_d.at[slot]], rows_d.at[slot],
                             sem_d.at[slot])

        @pl.when(jnp.logical_not(sp_dst))
        def _():
            pltpu.async_copy(hpk_d.at[c].at[idx_d.at[slot]], rows_d.at[slot],
                             sem_d.at[slot])

    def _wait_gather(k):
        slot = k % NBUF_
        sp_src, sp_dst = _routes(k)

        @pl.when(sp_src)
        def _():
            pltpu.make_async_copy(sh_s.at[idx_s.at[slot]], rows_s.at[slot],
                                  sem_s.at[slot]).wait()

        @pl.when(jnp.logical_not(sp_src))
        def _():
            pltpu.make_async_copy(hpk_s.at[c].at[idx_s.at[slot]],
                                  rows_s.at[slot], sem_s.at[slot]).wait()

        @pl.when(sp_dst)
        def _():
            pltpu.make_async_copy(sh_d.at[idx_d.at[slot]], rows_d.at[slot],
                                  sem_d.at[slot]).wait()

        @pl.when(jnp.logical_not(sp_dst))
        def _():
            pltpu.make_async_copy(hpk_d.at[c].at[idx_d.at[slot]],
                                  rows_d.at[slot], sem_d.at[slot]).wait()

    def _issue_out(k):
        slot = k % NBUF_
        pltpu.async_copy(score.at[slot], out.at[pl.ds((base + k) * C_, C_)],
                         sem_o.at[slot])

    def _wait_out(k):
        slot = k % NBUF_
        pltpu.make_async_copy(score.at[slot],
                              out.at[pl.ds((base + k) * C_, C_)],
                              sem_o.at[slot]).wait()

    for j in range(NBUF_):
        _issue_idx(j)
    for j in range(NBUF_ - 1):
        _wait_idx(j)
        _issue_gather(j)

    @pl.loop(0, n)
    def _chunk(k):
        slot = k % NBUF_
        _wait_gather(k)

        @pl.when(k >= NBUF_)
        def _drain_out():
            _wait_out(k - NBUF_)

        @pl.loop(0, C_ // 16)
        def _group(g):
            @pl.loop(0, 16, init_carry=jnp.zeros((16,), jnp.float32))
            def _edge(u, sc_vec):
                e = g * 16 + u
                p = []
                for f in range(4):
                    a0, a1 = _widen(rows_s[slot, e, 16 * f:16 * (f + 1)])
                    b0, b1 = _widen(rows_d[slot, e, 16 * f:16 * (f + 1)])
                    p.append(a0 * b0)
                    p.append(a1 * b1)
                acc = ((p[0] + p[1]) + (p[2] + p[3])) + \
                      ((p[4] + p[5]) + (p[6] + p[7]))
                for pm in perms:
                    acc = acc + _lane_shuffle(acc, pm)
                return jnp.where(lane == u, acc, sc_vec)
            score[slot, pl.ds(g * 16, 16)] = _edge

        _issue_out(k)

        @pl.when(k + NBUF_ < n)
        def _refill_idx():
            _issue_idx(k + NBUF_)

        @pl.when(k + NBUF_ - 1 < n)
        def _refill_gather():
            _wait_idx(k + NBUF_ - 1)
            _issue_gather(k + NBUF_ - 1)

    for j in range(NBUF_):
        _wait_out(n - NBUF_ + j)


@jax.jit
def kernel(h_src, h_dst, edge_index):
    ei = edge_index.astype(jnp.int32)

    mesh = plsc.VectorSubcoreMesh(core_axis_name="c", subcore_axis_name="s")
    sck = functools.partial(
        pl.kernel,
        out_type=(
            jax.ShapeDtypeStruct((N_EDGES_,), jnp.float32),
            jax.ShapeDtypeStruct((NC_, N_NODES_, D_ // 2), jnp.int32),
            jax.ShapeDtypeStruct((NC_, N_NODES_, D_ // 2), jnp.int32),
        ),
        mesh=mesh,
        compiler_params=pltpu.CompilerParams(use_tc_tiling_on_sc=False),
        scratch_types=[
            pltpu.VMEM((NBUF_, C_), jnp.int32),
            pltpu.VMEM((NBUF_, C_), jnp.int32),
            pltpu.VMEM((NBUF_, C_, D_ // 2), jnp.int32),
            pltpu.VMEM((NBUF_, C_, D_ // 2), jnp.int32),
            pltpu.VMEM((NBUF_, C_), jnp.float32),
            pltpu.VMEM((RPK_, D_), jnp.float32),
            pltpu.VMEM((RPK_, D_ // 2), jnp.int32),
            pltpu.VMEM_SHARED((N_NODES_, D_ // 2), jnp.int32),
            pltpu.VMEM_SHARED((N_NODES_, D_ // 2), jnp.int32),
            pltpu.SemaphoreType.DMA((NBUF_,)),
            pltpu.SemaphoreType.DMA((NBUF_,)),
            pltpu.SemaphoreType.DMA((NBUF_,)),
            pltpu.SemaphoreType.DMA((NBUF_,)),
        ],
    )(_sc_kernel)
    out, _, _ = sck(h_src, h_dst, ei)
    return out.reshape(N_EDGES_, 1)

# --- scband reference (transcript-rebuilt; emitter-appended) ---
"""Pipeline reference for scband-hetero-dot-predictor-60430189854750 (READ-ONLY COPY).

The authoritative reference and input builder live on the scoring server;
editing this copy changes nothing except your own understanding.
"""

import jax, jax.numpy as jnp
import numpy as np

N_NODES = 10000
N_EDGES = 320000
D_FEAT = 128

def setup_inputs(seed: int = 0) -> dict:
    key = jax.random.key(seed)
    k1, k2, k3 = jax.random.split(key, 3)
    h_src = jax.random.normal(k1, (N_NODES, D_FEAT), dtype=jnp.float32)
    h_dst = jax.random.normal(k2, (N_NODES, D_FEAT), dtype=jnp.float32)
    edge_index = jax.random.randint(k3, (2, N_EDGES), 0, N_NODES, dtype=jnp.int64)
    return {"h_src": h_src, "h_dst": h_dst, "edge_index": edge_index}

def reference(h_src, h_dst, edge_index):
    # HeteroDotPredictor: apply_edges(fn.u_dot_v('h','h','score'), etype=etype)
    # For each edge e of the given etype: score[e] = dot(h[src[e]], h[dst[e]])
    # dgl's u_dot_v produces shape [E, 1].
    src = edge_index[0]
    dst = edge_index[1]
    hu = jnp.take(h_src, src, axis=0)  # gather source node features [E, d]
    hv = jnp.take(h_dst, dst, axis=0)  # gather destination node features [E, d]
    score = jnp.sum(hu * hv, axis=-1, keepdims=True)  # [E, 1]
    return score

if __name__ == "__main__":
    import jax
    _d = setup_inputs()
    print(jax.jit(kernel)(*tuple(_d.values())))

</pallas_src>

<mosaic_0001>
#map = affine_map<(d0, d1) -> (0, 0)>
#map1 = affine_map<(d0, d1) -> (0)>
#map2 = affine_map<(d0, d1) -> (0, 0, 0)>
module attributes {stable_mosaic.version = 14 : i64} {
  func.func @_sc_kernel(%arg0: i32, %arg1: i32, %arg2: memref<10000x128xf32, #tpu.memory_space<hbm>>, %arg3: memref<10000x128xf32, #tpu.memory_space<hbm>>, %arg4: memref<2x320000xi32, #tpu.memory_space<hbm>>, %arg5: memref<320000xf32, #tpu.memory_space<hbm>>, %arg6: memref<2x10000x64xi32, #tpu.memory_space<hbm>>, %arg7: memref<2x10000x64xi32, #tpu.memory_space<hbm>>, %arg8: memref<4x64xi32, #tpu.memory_space<vmem>>, %arg9: memref<4x64xi32, #tpu.memory_space<vmem>>, %arg10: memref<4x64x64xi32, #tpu.memory_space<vmem>>, %arg11: memref<4x64x64xi32, #tpu.memory_space<vmem>>, %arg12: memref<4x64xf32, #tpu.memory_space<vmem>>, %arg13: memref<25x128xf32, #tpu.memory_space<vmem>>, %arg14: memref<25x64xi32, #tpu.memory_space<vmem>>, %arg15: memref<10000x64xi32, #tpu.memory_space<vmem_shared>>, %arg16: memref<10000x64xi32, #tpu.memory_space<vmem_shared>>, %arg17: memref<4x!tpu.dma_semaphore, #tpu.memory_space<semaphore_mem>>, %arg18: memref<4x!tpu.dma_semaphore, #tpu.memory_space<semaphore_mem>>, %arg19: memref<4x!tpu.dma_semaphore, #tpu.memory_space<semaphore_mem>>, %arg20: memref<4x!tpu.dma_semaphore, #tpu.memory_space<semaphore_mem>>) attributes {dimension_semantics = [#tpu.dimension_semantics<core_parallel>, #tpu.dimension_semantics<subcore_parallel>], iteration_bounds = array<i64: 2, 16>, scalar_prefetch = 0 : i64, scratch_operands = 13 : i64, tpu.core_type = #tpu.core_type<sc_vector_subcore>, window_params = [{transform_indices = #map}, {transform_indices = #map}, {transform_indices = #map}, {transform_indices = #map1}, {transform_indices = #map2}, {transform_indices = #map2}]} {
    %eq3A = arith.constant 0 : i32
    %eq3A_0 = arith.cmpi eq, %arg0, %eq3A : i32
    %lt3A = arith.constant 8 : i32
    %lt3A_1 = arith.cmpi slt, %arg1, %lt3A : i32
    %convert_element_type3A = arith.extui %lt3A_1 : i1 to i32
    %add3A = arith.constant 190 : i32
    %add3A_2 = arith.addi %add3A, %convert_element_type3A : i32
    %jit3A = arith.constant 122 : i32
    %select_n3A = arith.select %eq3A_0, %add3A_2, %jit3A : i32
    %eq3A_3 = arith.constant 0 : i32
    %eq3A_4 = arith.cmpi eq, %arg0, %eq3A_3 : i32
    %mul3A = arith.constant 190 : i32
    %mul3A_5 = arith.muli %arg1, %mul3A : i32
    %min3A = arith.constant 8 : i32
    %min3A_6 = arith.minsi %arg1, %min3A : i32
    %add3A_7 = arith.addi %mul3A_5, %min3A_6 : i32
    %mul3A_8 = arith.constant 122 : i32
    %mul3A_9 = arith.muli %arg1, %mul3A_8 : i32
    %add3A_10 = arith.constant 3048 : i32
    %add3A_11 = arith.addi %add3A_10, %mul3A_9 : i32
    %select_n3A_12 = arith.select %eq3A_4, %add3A_7, %add3A_11 : i32
    %eq3A_13 = arith.constant 0 : i32
    %eq3A_14 = arith.cmpi eq, %arg0, %eq3A_13 : i32
    %jit3A_15 = arith.constant 8 : i32
    %jit3A_16 = arith.constant 8 : i32
    %select_n3A_17 = arith.select %eq3A_14, %jit3A_15, %jit3A_16 : i32
    %eq3A_18 = arith.constant 0 : i32
    %eq3A_19 = arith.cmpi eq, %arg0, %eq3A_18 : i32
    %jit3A_20 = arith.constant 8 : i32
    %jit3A_21 = arith.constant 8 : i32
    %select_n3A_22 = arith.select %eq3A_19, %jit3A_20, %jit3A_21 : i32
    %mul3A_23 = arith.constant 625 : i32
    %mul3A_24 = arith.muli %arg1, %mul3A_23 : i32
    %scan3A = arith.constant 0 : i32
    %scan3A_25 = arith.constant 25 : i32
    %scan3A_26 = arith.addi %scan3A, %scan3A_25 : i32
    %scan3A_27 = arith.constant 1 : i32
    scf.for %scan3A_611 = %scan3A to %scan3A_26 step %scan3A_27  : i32 {
      %mul3A_612 = arith.constant 1 : i32
      %mul3A_613 = arith.muli %scan3A_611, %mul3A_612 : i32
      %add3A_614 = arith.constant 0 : i32
      %add3A_615 = arith.addi %add3A_614, %mul3A_613 : i32
      %mul3A_616 = arith.constant 25 : i32
      %mul3A_617 = arith.muli %add3A_615, %mul3A_616 : i32
      %add3A_618 = arith.addi %mul3A_24, %mul3A_617 : i32
      "tpu.region"() ({
        %run_scoped3A = tpu.sem_alloc : memref<!tpu.dma_semaphore, #tpu.memory_space<semaphore_mem>>
        %dma_start3A_624 = arith.constant 0 : i32
        %dma_start3A_625 = tpu.memref_slice %arg2[%add3A_618, %dma_start3A_624] : memref<10000x128xf32, #tpu.memory_space<hbm>> -> memref<25x128xf32, #tpu.memory_space<hbm>>
        %dma_start3A_626 = arith.constant 0 : i32
        %dma_start3A_627 = tpu.memref_slice %arg2[%add3A_618, %dma_start3A_626] : memref<10000x128xf32, #tpu.memory_space<hbm>> -> memref<25x128xf32, #tpu.memory_space<hbm>>
        tpu.enqueue_dma source(%dma_start3A_627 : memref<25x128xf32, #tpu.memory_space<hbm>>) target(%arg13 : memref<25x128xf32, #tpu.memory_space<vmem>>) target_semaphore(%run_scoped3A : memref<!tpu.dma_semaphore, #tpu.memory_space<semaphore_mem>>)
        %dma_wait3A_628 = arith.constant 0 : i32
        %dma_wait3A_629 = tpu.memref_slice %arg2[%add3A_618, %dma_wait3A_628] : memref<10000x128xf32, #tpu.memory_space<hbm>> -> memref<25x128xf32, #tpu.memory_space<hbm>>
        %dma_wait3A_630 = arith.constant 0 : i32
        %dma_wait3A_631 = tpu.memref_slice %arg2[%add3A_618, %dma_wait3A_630] : memref<10000x128xf32, #tpu.memory_space<hbm>> -> memref<25x128xf32, #tpu.memory_space<hbm>>
        tpu.wait_dma2 semaphore(%run_scoped3A : memref<!tpu.dma_semaphore, #tpu.memory_space<semaphore_mem>>) src(%dma_wait3A_631 : memref<25x128xf32, #tpu.memory_space<hbm>>) dst(%arg13 : memref<25x128xf32, #tpu.memory_space<vmem>>)
        tpu.yield
      }) : () -> ()
      %scan3A_619 = arith.constant 0 : i32
      %scan3A_620 = arith.constant 25 : i32
      %scan3A_621 = arith.addi %scan3A_619, %scan3A_620 : i32
      %scan3A_622 = arith.constant 1 : i32
      scf.for %scan3A_624 = %scan3A_619 to %scan3A_621 step %scan3A_622  : i32 {
        %mul3A_625 = arith.constant 1 : i32
        %mul3A_626 = arith.muli %scan3A_624, %mul3A_625 : i32
        %add3A_627 = arith.constant 0 : i32
        %add3A_628 = arith.addi %add3A_627, %mul3A_626 : i32
        %get3A = arith.index_cast %add3A_628 : i32 to index
        %get3A_629 = arith.constant 0 : index
        %get3A_630 = tpu.vector_load %arg13[%get3A, %get3A_629] {strides = array<i32>} : memref<25x128xf32, #tpu.memory_space<vmem>>, vector<1x16xf32>,
        %get3A_631 = vector.shape_cast %get3A_630 : vector<1x16xf32> to vector<16xf32>
        %get3A_632 = arith.index_cast %add3A_628 : i32 to index
        %get3A_633 = arith.constant 16 : index
        %get3A_634 = tpu.vector_load %arg13[%get3A_632, %get3A_633] {strides = array<i32>} : memref<25x128xf32, #tpu.memory_space<vmem>>, vector<1x16xf32>,
        %get3A_635 = vector.shape_cast %get3A_634 : vector<1x16xf32> to vector<16xf32>
        %bitcast_convert_type3A = tpu.bitcast %get3A_631 : vector<16xf32> -> vector<16xi32>
        %add3A_636 = arith.constant 32768 : i32
        %add3A_637 = vector.broadcast %add3A_636 : i32 to vector<16xi32>
        %add3A_638 = arith.addi %bitcast_convert_type3A, %add3A_637 : vector<16xi32>
        %shift_right_logical3A = arith.constant 16 : i32
        %shift_right_logical3A_639 = vector.broadcast %shift_right_logical3A : i32 to vector<16xi32>
        %shift_right_logical3A_640 = arith.shrui %add3A_638, %shift_right_logical3A_639 : vector<16xi32>
        %bitcast_convert_type3A_641 = tpu.bitcast %get3A_635 : vector<16xf32> -> vector<16xi32>
        %add3A_642 = arith.constant 32768 : i32
        %add3A_643 = vector.broadcast %add3A_642 : i32 to vector<16xi32>
        %add3A_644 = arith.addi %bitcast_convert_type3A_641, %add3A_643 : vector<16xi32>
        %and3A_645 = arith.constant -65536 : i32
        %and3A_646 = vector.broadcast %and3A_645 : i32 to vector<16xi32>
        %and3A_647 = arith.andi %add3A_644, %and3A_646 : vector<16xi32>
        %and3A_648 = arith.constant 65535 : i32
        %and3A_649 = vector.broadcast %and3A_648 : i32 to vector<16xi32>
        %and3A_650 = arith.andi %shift_right_logical3A_640, %and3A_649 : vector<16xi32>
        %or3A = arith.ori %and3A_647, %and3A_650 : vector<16xi32>
        %swap3A = arith.index_cast %add3A_628 : i32 to index
        %swap3A_651 = arith.constant 0 : index
        %swap3A_652 = tpu.vector_load %arg14[%swap3A, %swap3A_651] {strides = array<i32>} : memref<25x64xi32, #tpu.memory_space<vmem>>, vector<1x16xi32>,
        %swap3A_653 = vector.shape_cast %swap3A_652 : vector<1x16xi32> to vector<16xi32>
        %swap3A_654 = vector.shape_cast %or3A : vector<16xi32> to vector<1x16xi32>
        tpu.vector_store %arg14[%swap3A, %swap3A_651], %swap3A_654 {strides = array<i32>} : memref<25x64xi32, #tpu.memory_space<vmem>>, vector<1x16xi32>,
        %get3A_655 = arith.index_cast %add3A_628 : i32 to index
        %get3A_656 = arith.constant 32 : index
        %get3A_657 = tpu.vector_load %arg13[%get3A_655, %get3A_656] {strides = array<i32>} : memref<25x128xf32, #tpu.memory_space<vmem>>, vector<1x16xf32>,
        %get3A_658 = vector.shape_cast %get3A_657 : vector<1x16xf32> to vector<16xf32>
        %get3A_659 = arith.index_cast %add3A_628 : i32 to index
        %get3A_660 = arith.constant 48 : index
        %get3A_661 = tpu.vector_load %arg13[%get3A_659, %get3A_660] {strides = array<i32>} : memref<25x128xf32, #tpu.memory_space<vmem>>, vector<1x16xf32>,
        %get3A_662 = vector.shape_cast %get3A_661 : vector<1x16xf32> to vector<16xf32>
        %bitcast_convert_type3A_663 = tpu.bitcast %get3A_658 : vector<16xf32> -> vector<16xi32>
        %add3A_664 = arith.constant 32768 : i32
        %add3A_665 = vector.broadcast %add3A_664 : i32 to vector<16xi32>
        %add3A_666 = arith.addi %bitcast_convert_type3A_663, %add3A_665 : vector<16xi32>
        %shift_right_logical3A_667 = arith.constant 16 : i32
        %shift_right_logical3A_668 = vector.broadcast %shift_right_logical3A_667 : i32 to vector<16xi32>
        %shift_right_logical3A_669 = arith.shrui %add3A_666, %shift_right_logical3A_668 : vector<16xi32>
        %bitcast_convert_type3A_670 = tpu.bitcast %get3A_662 : vector<16xf32> -> vector<16xi32>
        %add3A_671 = arith.constant 32768 : i32
        %add3A_672 = vector.broadcast %add3A_671 : i32 to vector<16xi32>
        %add3A_673 = arith.addi %bitcast_convert_type3A_670, %add3A_672 : vector<16xi32>
        %and3A_674 = arith.constant -65536 : i32
        %and3A_675 = vector.broadcast %and3A_674 : i32 to vector<16xi32>
        %and3A_676 = arith.andi %add3A_673, %and3A_675 : vector<16xi32>
        %and3A_677 = arith.constant 65535 : i32
        %and3A_678 = vector.broadcast %and3A_677 : i32 to vector<16xi32>
        %and3A_679 = arith.andi %shift_right_logical3A_669, %and3A_678 : vector<16xi32>
        %or3A_680 = arith.ori %and3A_676, %and3A_679 : vector<16xi32>
        %swap3A_681 = arith.index_cast %add3A_628 : i32 to index
        %swap3A_682 = arith.constant 16 : index
        %swap3A_683 = tpu.vector_load %arg14[%swap3A_681, %swap3A_682] {strides = array<i32>} : memref<25x64xi32, #tpu.memory_space<vmem>>, vector<1x16xi32>,
        %swap3A_684 = vector.shape_cast %swap3A_683 : vector<1x16xi32> to vector<16xi32>
        %swap3A_685 = vector.shape_cast %or3A_680 : vector<16xi32> to vector<1x16xi32>
        tpu.vector_store %arg14[%swap3A_681, %swap3A_682], %swap3A_685 {strides = array<i32>} : memref<25x64xi32, #tpu.memory_space<vmem>>, vector<1x16xi32>,
        %get3A_686 = arith.index_cast %add3A_628 : i32 to index
        %get3A_687 = arith.constant 64 : index
        %get3A_688 = tpu.vector_load %arg13[%get3A_686, %get3A_687] {strides = array<i32>} : memref<25x128xf32, #tpu.memory_space<vmem>>, vector<1x16xf32>,
        %get3A_689 = vector.shape_cast %get3A_688 : vector<1x16xf32> to vector<16xf32>
        %get3A_690 = arith.index_cast %add3A_628 : i32 to index
        %get3A_691 = arith.constant 80 : index
        %get3A_692 = tpu.vector_load %arg13[%get3A_690, %get3A_691] {strides = array<i32>} : memref<25x128xf32, #tpu.memory_space<vmem>>, vector<1x16xf32>,
        %get3A_693 = vector.shape_cast %get3A_692 : vector<1x16xf32> to vector<16xf32>
        %bitcast_convert_type3A_694 = tpu.bitcast %get3A_689 : vector<16xf32> -> vector<16xi32>
        %add3A_695 = arith.constant 32768 : i32
        %add3A_696 = vector.broadcast %add3A_695 : i32 to vector<16xi32>
        %add3A_697 = arith.addi %bitcast_convert_type3A_694, %add3A_696 : vector<16xi32>
        %shift_right_logical3A_698 = arith.constant 16 : i32
        %shift_right_logical3A_699 = vector.broadcast %shift_right_logical3A_698 : i32 to vector<16xi32>
        %shift_right_logical3A_700 = arith.shrui %add3A_697, %shift_right_logical3A_699 : vector<16xi32>
        %bitcast_convert_type3A_701 = tpu.bitcast %get3A_693 : vector<16xf32> -> vector<16xi32>
        %add3A_702 = arith.constant 32768 : i32
        %add3A_703 = vector.broadcast %add3A_702 : i32 to vector<16xi32>
        %add3A_704 = arith.addi %bitcast_convert_type3A_701, %add3A_703 : vector<16xi32>
        %and3A_705 = arith.constant -65536 : i32
        %and3A_706 = vector.broadcast %and3A_705 : i32 to vector<16xi32>
        %and3A_707 = arith.andi %add3A_704, %and3A_706 : vector<16xi32>
        %and3A_708 = arith.constant 65535 : i32
        %and3A_709 = vector.broadcast %and3A_708 : i32 to vector<16xi32>
        %and3A_710 = arith.andi %shift_right_logical3A_700, %and3A_709 : vector<16xi32>
        %or3A_711 = arith.ori %and3A_707, %and3A_710 : vector<16xi32>
        %swap3A_712 = arith.index_cast %add3A_628 : i32 to index
        %swap3A_713 = arith.constant 32 : index
        %swap3A_714 = tpu.vector_load %arg14[%swap3A_712, %swap3A_713] {strides = array<i32>} : memref<25x64xi32, #tpu.memory_space<vmem>>, vector<1x16xi32>,
        %swap3A_715 = vector.shape_cast %swap3A_714 : vector<1x16xi32> to vector<16xi32>
        %swap3A_716 = vector.shape_cast %or3A_711 : vector<16xi32> to vector<1x16xi32>
        tpu.vector_store %arg14[%swap3A_712, %swap3A_713], %swap3A_716 {strides = array<i32>} : memref<25x64xi32, #tpu.memory_space<vmem>>, vector<1x16xi32>,
        %get3A_717 = arith.index_cast %add3A_628 : i32 to index
        %get3A_718 = arith.constant 96 : index
        %get3A_719 = tpu.vector_load %arg13[%get3A_717, %get3A_718] {strides = array<i32>} : memref<25x128xf32, #tpu.memory_space<vmem>>, vector<1x16xf32>,
        %get3A_720 = vector.shape_cast %get3A_719 : vector<1x16xf32> to vector<16xf32>
        %get3A_721 = arith.index_cast %add3A_628 : i32 to index
        %get3A_722 = arith.constant 112 : index
        %get3A_723 = tpu.vector_load %arg13[%get3A_721, %get3A_722] {strides = array<i32>} : memref<25x128xf32, #tpu.memory_space<vmem>>, vector<1x16xf32>,
        %get3A_724 = vector.shape_cast %get3A_723 : vector<1x16xf32> to vector<16xf32>
        %bitcast_convert_type3A_725 = tpu.bitcast %get3A_720 : vector<16xf32> -> vector<16xi32>
        %add3A_726 = arith.constant 32768 : i32
        %add3A_727 = vector.broadcast %add3A_726 : i32 to vector<16xi32>
        %add3A_728 = arith.addi %bitcast_convert_type3A_725, %add3A_727 : vector<16xi32>
        %shift_right_logical3A_729 = arith.constant 16 : i32
        %shift_right_logical3A_730 = vector.broadcast %shift_right_logical3A_729 : i32 to vector<16xi32>
        %shift_right_logical3A_731 = arith.shrui %add3A_728, %shift_right_logical3A_730 : vector<16xi32>
        %bitcast_convert_type3A_732 = tpu.bitcast %get3A_724 : vector<16xf32> -> vector<16xi32>
        %add3A_733 = arith.constant 32768 : i32
        %add3A_734 = vector.broadcast %add3A_733 : i32 to vector<16xi32>
        %add3A_735 = arith.addi %bitcast_convert_type3A_732, %add3A_734 : vector<16xi32>
        %and3A_736 = arith.constant -65536 : i32
        %and3A_737 = vector.broadcast %and3A_736 : i32 to vector<16xi32>
        %and3A_738 = arith.andi %add3A_735, %and3A_737 : vector<16xi32>
        %and3A_739 = arith.constant 65535 : i32
        %and3A_740 = vector.broadcast %and3A_739 : i32 to vector<16xi32>
        %and3A_741 = arith.andi %shift_right_logical3A_731, %and3A_740 : vector<16xi32>
        %or3A_742 = arith.ori %and3A_738, %and3A_741 : vector<16xi32>
        %swap3A_743 = arith.index_cast %add3A_628 : i32 to index
        %swap3A_744 = arith.constant 48 : index
        %swap3A_745 = tpu.vector_load %arg14[%swap3A_743, %swap3A_744] {strides = array<i32>} : memref<25x64xi32, #tpu.memory_space<vmem>>, vector<1x16xi32>,
        %swap3A_746 = vector.shape_cast %swap3A_745 : vector<1x16xi32> to vector<16xi32>
        %swap3A_747 = vector.shape_cast %or3A_742 : vector<16xi32> to vector<1x16xi32>
        tpu.vector_store %arg14[%swap3A_743, %swap3A_744], %swap3A_747 {strides = array<i32>} : memref<25x64xi32, #tpu.memory_space<vmem>>, vector<1x16xi32>,
      }
      %scan3A_623 = arith.constant 25 : i32
      "tpu.region"() ({
        %run_scoped3A = tpu.sem_alloc : memref<!tpu.dma_semaphore, #tpu.memory_space<semaphore_mem>>
        %dma_start3A_624 = arith.constant 0 : i32
        %dma_start3A_625 = tpu.memref_slice %arg15[%add3A_618, %dma_start3A_624] : memref<10000x64xi32, #tpu.memory_space<vmem_shared>> -> memref<25x64xi32, #tpu.memory_space<vmem_shared>>
        %dma_start3A_626 = arith.constant 0 : i32
        %dma_start3A_627 = tpu.memref_slice %arg15[%add3A_618, %dma_start3A_626] : memref<10000x64xi32, #tpu.memory_space<vmem_shared>> -> memref<25x64xi32, #tpu.memory_space<vmem_shared>>
        tpu.enqueue_dma source(%arg14 : memref<25x64xi32, #tpu.memory_space<vmem>>) target(%dma_start3A_627 : memref<25x64xi32, #tpu.memory_space<vmem_shared>>) target_semaphore(%run_scoped3A : memref<!tpu.dma_semaphore, #tpu.memory_space<semaphore_mem>>)
        %dma_wait3A_628 = arith.constant 0 : i32
        %dma_wait3A_629 = tpu.memref_slice %arg15[%add3A_618, %dma_wait3A_628] : memref<10000x64xi32, #tpu.memory_space<vmem_shared>> -> memref<25x64xi32, #tpu.memory_space<vmem_shared>>
        %dma_wait3A_630 = arith.constant 0 : i32
        %dma_wait3A_631 = tpu.memref_slice %arg15[%add3A_618, %dma_wait3A_630] : memref<10000x64xi32, #tpu.memory_space<vmem_shared>> -> memref<25x64xi32, #tpu.memory_space<vmem_shared>>
        tpu.wait_dma2 semaphore(%run_scoped3A : memref<!tpu.dma_semaphore, #tpu.memory_space<semaphore_mem>>) src(%arg14 : memref<25x64xi32, #tpu.memory_space<vmem>>) dst(%dma_wait3A_631 : memref<25x64xi32, #tpu.memory_space<vmem_shared>>)
        tpu.yield
      }) : () -> ()
      "tpu.region"() ({
        %run_scoped3A = tpu.sem_alloc : memref<!tpu.dma_semaphore, #tpu.memory_space<semaphore_mem>>
        %dma_start3A_624 = arith.constant 0 : i32
        %dma_start3A_625 = tpu.memref_slice %arg6[%arg0, %add3A_618, %dma_start3A_624] : memref<2x10000x64xi32, #tpu.memory_space<hbm>> -> memref<1x25x64xi32, #tpu.memory_space<hbm>>
        %dma_start3A_626 = tpu.memref_squeeze %dma_start3A_625 : memref<1x25x64xi32, #tpu.memory_space<hbm>> -> memref<25x64xi32, #tpu.memory_space<hbm>>
        %dma_start3A_627 = arith.constant 0 : i32
        %dma_start3A_628 = tpu.memref_slice %arg6[%arg0, %add3A_618, %dma_start3A_627] : memref<2x10000x64xi32, #tpu.memory_space<hbm>> -> memref<1x25x64xi32, #tpu.memory_space<hbm>>
        %dma_start3A_629 = tpu.memref_squeeze %dma_start3A_628 : memref<1x25x64xi32, #tpu.memory_space<hbm>> -> memref<25x64xi32, #tpu.memory_space<hbm>>
        tpu.enqueue_dma source(%arg14 : memref<25x64xi32, #tpu.memory_space<vmem>>) target(%dma_start3A_629 : memref<25x64xi32, #tpu.memory_space<hbm>>) target_semaphore(%run_scoped3A : memref<!tpu.dma_semaphore, #tpu.memory_space<semaphore_mem>>)
        %dma_wait3A_630 = arith.constant 0 : i32
        %dma_wait3A_631 = tpu.memref_slice %arg6[%arg0, %add3A_618, %dma_wait3A_630] : memref<2x10000x64xi32, #tpu.memory_space<hbm>> -> memref<1x25x64xi32, #tpu.memory_space<hbm>>
        %dma_wait3A_632 = tpu.memref_squeeze %dma_wait3A_631 : memref<1x25x64xi32, #tpu.memory_space<hbm>> -> memref<25x64xi32, #tpu.memory_space<hbm>>
        %dma_wait3A_633 = arith.constant 0 : i32
        %dma_wait3A_634 = tpu.memref_slice %arg6[%arg0, %add3A_618, %dma_wait3A_633] : memref<2x10000x64xi32, #tpu.memory_space<hbm>> -> memref<1x25x64xi32, #tpu.memory_space<hbm>>
        %dma_wait3A_635 = tpu.memref_squeeze %dma_wait3A_634 : memref<1x25x64xi32, #tpu.memory_space<hbm>> -> memref<25x64xi32, #tpu.memory_space<hbm>>
        tpu.wait_dma2 semaphore(%run_scoped3A : memref<!tpu.dma_semaphore, #tpu.memory_space<semaphore_mem>>) src(%arg14 : memref<25x64xi32, #tpu.memory_space<vmem>>) dst(%dma_wait3A_635 : memref<25x64xi32, #tpu.memory_space<hbm>>)
        tpu.yield
      }) : () -> ()
    }
    %scan3A_28 = arith.constant 25 : i32
    %scan3A_29 = arith.constant 0 : i32
    %scan3A_30 = arith.constant 25 : i32
    %scan3A_31 = arith.addi %scan3A_29, %scan3A_30 : i32
    %scan3A_32 = arith.constant 1 : i32
    scf.for %scan3A_611 = %scan3A_29 to %scan3A_31 step %scan3A_32  : i32 {
      %mul3A_612 = arith.constant 1 : i32
      %mul3A_613 = arith.muli %scan3A_611, %mul3A_612 : i32
      %add3A_614 = arith.constant 0 : i32
      %add3A_615 = arith.addi %add3A_614, %mul3A_613 : i32
      %mul3A_616 = arith.constant 25 : i32
      %mul3A_617 = arith.muli %add3A_615, %mul3A_616 : i32
      %add3A_618 = arith.addi %mul3A_24, %mul3A_617 : i32
      "tpu.region"() ({
        %run_scoped3A = tpu.sem_alloc : memref<!tpu.dma_semaphore, #tpu.memory_space<semaphore_mem>>
        %dma_start3A_624 = arith.constant 0 : i32
        %dma_start3A_625 = tpu.memref_slice %arg3[%add3A_618, %dma_start3A_624] : memref<10000x128xf32, #tpu.memory_space<hbm>> -> memref<25x128xf32, #tpu.memory_space<hbm>>
        %dma_start3A_626 = arith.constant 0 : i32
        %dma_start3A_627 = tpu.memref_slice %arg3[%add3A_618, %dma_start3A_626] : memref<10000x128xf32, #tpu.memory_space<hbm>> -> memref<25x128xf32, #tpu.memory_space<hbm>>
        tpu.enqueue_dma source(%dma_start3A_627 : memref<25x128xf32, #tpu.memory_space<hbm>>) target(%arg13 : memref<25x128xf32, #tpu.memory_space<vmem>>) target_semaphore(%run_scoped3A : memref<!tpu.dma_semaphore, #tpu.memory_space<semaphore_mem>>)
        %dma_wait3A_628 = arith.constant 0 : i32
        %dma_wait3A_629 = tpu.memref_slice %arg3[%add3A_618, %dma_wait3A_628] : memref<10000x128xf32, #tpu.memory_space<hbm>> -> memref<25x128xf32, #tpu.memory_space<hbm>>
        %dma_wait3A_630 = arith.constant 0 : i32
        %dma_wait3A_631 = tpu.memref_slice %arg3[%add3A_618, %dma_wait3A_630] : memref<10000x128xf32, #tpu.memory_space<hbm>> -> memref<25x128xf32, #tpu.memory_space<hbm>>
        tpu.wait_dma2 semaphore(%run_scoped3A : memref<!tpu.dma_semaphore, #tpu.memory_space<semaphore_mem>>) src(%dma_wait3A_631 : memref<25x128xf32, #tpu.memory_space<hbm>>) dst(%arg13 : memref<25x128xf32, #tpu.memory_space<vmem>>)
        tpu.yield
      }) : () -> ()
      %scan3A_619 = arith.constant 0 : i32
      %scan3A_620 = arith.constant 25 : i32
      %scan3A_621 = arith.addi %scan3A_619, %scan3A_620 : i32
      %scan3A_622 = arith.constant 1 : i32
      scf.for %scan3A_624 = %scan3A_619 to %scan3A_621 step %scan3A_622  : i32 {
        %mul3A_625 = arith.constant 1 : i32
        %mul3A_626 = arith.muli %scan3A_624, %mul3A_625 : i32
        %add3A_627 = arith.constant 0 : i32
        %add3A_628 = arith.addi %add3A_627, %mul3A_626 : i32
        %get3A = arith.index_cast %add3A_628 : i32 to index
        %get3A_629 = arith.constant 0 : index
        %get3A_630 = tpu.vector_load %arg13[%get3A, %get3A_629] {strides = array<i32>} : memref<25x128xf32, #tpu.memory_space<vmem>>, vector<1x16xf32>,
        %get3A_631 = vector.shape_cast %get3A_630 : vector<1x16xf32> to vector<16xf32>
        %get3A_632 = arith.index_cast %add3A_628 : i32 to index
        %get3A_633 = arith.constant 16 : index
        %get3A_634 = tpu.vector_load %arg13[%get3A_632, %get3A_633] {strides = array<i32>} : memref<25x128xf32, #tpu.memory_space<vmem>>, vector<1x16xf32>,
        %get3A_635 = vector.shape_cast %get3A_634 : vector<1x16xf32> to vector<16xf32>
        %bitcast_convert_type3A = tpu.bitcast %get3A_631 : vector<16xf32> -> vector<16xi32>
        %add3A_636 = arith.constant 32768 : i32
        %add3A_637 = vector.broadcast %add3A_636 : i32 to vector<16xi32>
        %add3A_638 = arith.addi %bitcast_convert_type3A, %add3A_637 : vector<16xi32>
        %shift_right_logical3A = arith.constant 16 : i32
        %shift_right_logical3A_639 = vector.broadcast %shift_right_logical3A : i32 to vector<16xi32>
        %shift_right_logical3A_640 = arith.shrui %add3A_638, %shift_right_logical3A_639 : vector<16xi32>
        %bitcast_convert_type3A_641 = tpu.bitcast %get3A_635 : vector<16xf32> -> vector<16xi32>
        %add3A_642 = arith.constant 32768 : i32
        %add3A_643 = vector.broadcast %add3A_642 : i32 to vector<16xi32>
        %add3A_644 = arith.addi %bitcast_convert_type3A_641, %add3A_643 : vector<16xi32>
        %and3A_645 = arith.constant -65536 : i32
        %and3A_646 = vector.broadcast %and3A_645 : i32 to vector<16xi32>
        %and3A_647 = arith.andi %add3A_644, %and3A_646 : vector<16xi32>
        %and3A_648 = arith.constant 65535 : i32
        %and3A_649 = vector.broadcast %and3A_648 : i32 to vector<16xi32>
        %and3A_650 = arith.andi %shift_right_logical3A_640, %and3A_649 : vector<16xi32>
        %or3A = arith.ori %and3A_647, %and3A_650 : vector<16xi32>
        %swap3A = arith.index_cast %add3A_628 : i32 to index
        %swap3A_651 = arith.constant 0 : index
        %swap3A_652 = tpu.vector_load %arg14[%swap3A, %swap3A_651] {strides = array<i32>} : memref<25x64xi32, #tpu.memory_space<vmem>>, vector<1x16xi32>,
        %swap3A_653 = vector.shape_cast %swap3A_652 : vector<1x16xi32> to vector<16xi32>
        %swap3A_654 = vector.shape_cast %or3A : vector<16xi32> to vector<1x16xi32>
        tpu.vector_store %arg14[%swap3A, %swap3A_651], %swap3A_654 {strides = array<i32>} : memref<25x64xi32, #tpu.memory_space<vmem>>, vector<1x16xi32>,
        %get3A_655 = arith.index_cast %add3A_628 : i32 to index
        %get3A_656 = arith.constant 32 : index
        %get3A_657 = tpu.vector_load %arg13[%get3A_655, %get3A_656] {strides = array<i32>} : memref<25x128xf32, #tpu.memory_space<vmem>>, vector<1x16xf32>,
        %get3A_658 = vector.shape_cast %get3A_657 : vector<1x16xf32> to vector<16xf32>
        %get3A_659 = arith.index_cast %add3A_628 : i32 to index
        %get3A_660 = arith.constant 48 : index
        %get3A_661 = tpu.vector_load %arg13[%get3A_659, %get3A_660] {strides = array<i32>} : memref<25x128xf32, #tpu.memory_space<vmem>>, vector<1x16xf32>,
        %get3A_662 = vector.shape_cast %get3A_661 : vector<1x16xf32> to vector<16xf32>
        %bitcast_convert_type3A_663 = tpu.bitcast %get3A_658 : vector<16xf32> -> vector<16xi32>
        %add3A_664 = arith.constant 32768 : i32
        %add3A_665 = vector.broadcast %add3A_664 : i32 to vector<16xi32>
        %add3A_666 = arith.addi %bitcast_convert_type3A_663, %add3A_665 : vector<16xi32>
        %shift_right_logical3A_667 = arith.constant 16 : i32
        %shift_right_logical3A_668 = vector.broadcast %shift_right_logical3A_667 : i32 to vector<16xi32>
        %shift_right_logical3A_669 = arith.shrui %add3A_666, %shift_right_logical3A_668 : vector<16xi32>
        %bitcast_convert_type3A_670 = tpu.bitcast %get3A_662 : vector<16xf32> -> vector<16xi32>
        %add3A_671 = arith.constant 32768 : i32
        %add3A_672 = vector.broadcast %add3A_671 : i32 to vector<16xi32>
        %add3A_673 = arith.addi %bitcast_convert_type3A_670, %add3A_672 : vector<16xi32>
        %and3A_674 = arith.constant -65536 : i32
        %and3A_675 = vector.broadcast %and3A_674 : i32 to vector<16xi32>
        %and3A_676 = arith.andi %add3A_673, %and3A_675 : vector<16xi32>
        %and3A_677 = arith.constant 65535 : i32
        %and3A_678 = vector.broadcast %and3A_677 : i32 to vector<16xi32>
        %and3A_679 = arith.andi %shift_right_logical3A_669, %and3A_678 : vector<16xi32>
        %or3A_680 = arith.ori %and3A_676, %and3A_679 : vector<16xi32>
        %swap3A_681 = arith.index_cast %add3A_628 : i32 to index
        %swap3A_682 = arith.constant 16 : index
        %swap3A_683 = tpu.vector_load %arg14[%swap3A_681, %swap3A_682] {strides = array<i32>} : memref<25x64xi32, #tpu.memory_space<vmem>>, vector<1x16xi32>,
        %swap3A_684 = vector.shape_cast %swap3A_683 : vector<1x16xi32> to vector<16xi32>
        %swap3A_685 = vector.shape_cast %or3A_680 : vector<16xi32> to vector<1x16xi32>
        tpu.vector_store %arg14[%swap3A_681, %swap3A_682], %swap3A_685 {strides = array<i32>} : memref<25x64xi32, #tpu.memory_space<vmem>>, vector<1x16xi32>,
        %get3A_686 = arith.index_cast %add3A_628 : i32 to index
        %get3A_687 = arith.constant 64 : index
        %get3A_688 = tpu.vector_load %arg13[%get3A_686, %get3A_687] {strides = array<i32>} : memref<25x128xf32, #tpu.memory_space<vmem>>, vector<1x16xf32>,
        %get3A_689 = vector.shape_cast %get3A_688 : vector<1x16xf32> to vector<16xf32>
        %get3A_690 = arith.index_cast %add3A_628 : i32 to index
        %get3A_691 = arith.constant 80 : index
        %get3A_692 = tpu.vector_load %arg13[%get3A_690, %get3A_691] {strides = array<i32>} : memref<25x128xf32, #tpu.memory_space<vmem>>, vector<1x16xf32>,
        %get3A_693 = vector.shape_cast %get3A_692 : vector<1x16xf32> to vector<16xf32>
        %bitcast_convert_type3A_694 = tpu.bitcast %get3A_689 : vector<16xf32> -> vector<16xi32>
        %add3A_695 = arith.constant 32768 : i32
        %add3A_696 = vector.broadcast %add3A_695 : i32 to vector<16xi32>
        %add3A_697 = arith.addi %bitcast_convert_type3A_694, %add3A_696 : vector<16xi32>
        %shift_right_logical3A_698 = arith.constant 16 : i32
        %shift_right_logical3A_699 = vector.broadcast %shift_right_logical3A_698 : i32 to vector<16xi32>
        %shift_right_logical3A_700 = arith.shrui %add3A_697, %shift_right_logical3A_699 : vector<16xi32>
        %bitcast_convert_type3A_701 = tpu.bitcast %get3A_693 : vector<16xf32> -> vector<16xi32>
        %add3A_702 = arith.constant 32768 : i32
        %add3A_703 = vector.broadcast %add3A_702 : i32 to vector<16xi32>
        %add3A_704 = arith.addi %bitcast_convert_type3A_701, %add3A_703 : vector<16xi32>
        %and3A_705 = arith.constant -65536 : i32
        %and3A_706 = vector.broadcast %and3A_705 : i32 to vector<16xi32>
        %and3A_707 = arith.andi %add3A_704, %and3A_706 : vector<16xi32>
        %and3A_708 = arith.constant 65535 : i32
        %and3A_709 = vector.broadcast %and3A_708 : i32 to vector<16xi32>
        %and3A_710 = arith.andi %shift_right_logical3A_700, %and3A_709 : vector<16xi32>
        %or3A_711 = arith.ori %and3A_707, %and3A_710 : vector<16xi32>
        %swap3A_712 = arith.index_cast %add3A_628 : i32 to index
        %swap3A_713 = arith.constant 32 : index
        %swap3A_714 = tpu.vector_load %arg14[%swap3A_712, %swap3A_713] {strides = array<i32>} : memref<25x64xi32, #tpu.memory_space<vmem>>, vector<1x16xi32>,
        %swap3A_715 = vector.shape_cast %swap3A_714 : vector<1x16xi32> to vector<16xi32>
        %swap3A_716 = vector.shape_cast %or3A_711 : vector<16xi32> to vector<1x16xi32>
        tpu.vector_store %arg14[%swap3A_712, %swap3A_713], %swap3A_716 {strides = array<i32>} : memref<25x64xi32, #tpu.memory_space<vmem>>, vector<1x16xi32>,
        %get3A_717 = arith.index_cast %add3A_628 : i32 to index
        %get3A_718 = arith.constant 96 : index
        %get3A_719 = tpu.vector_load %arg13[%get3A_717, %get3A_718] {strides = array<i32>} : memref<25x128xf32, #tpu.memory_space<vmem>>, vector<1x16xf32>,
        %get3A_720 = vector.shape_cast %get3A_719 : vector<1x16xf32> to vector<16xf32>
        %get3A_721 = arith.index_cast %add3A_628 : i32 to index
        %get3A_722 = arith.constant 112 : index
        %get3A_723 = tpu.vector_load %arg13[%get3A_721, %get3A_722] {strides = array<i32>} : memref<25x128xf32, #tpu.memory_space<vmem>>, vector<1x16xf32>,
        %get3A_724 = vector.shape_cast %get3A_723 : vector<1x16xf32> to vector<16xf32>
        %bitcast_convert_type3A_725 = tpu.bitcast %get3A_720 : vector<16xf32> -> vector<16xi32>
        %add3A_726 = arith.constant 32768 : i32
        %add3A_727 = vector.broadcast %add3A_726 : i32 to vector<16xi32>
        %add3A_728 = arith.addi %bitcast_convert_type3A_725, %add3A_727 : vector<16xi32>
        %shift_right_logical3A_729 = arith.constant 16 : i32
        %shift_right_logical3A_730 = vector.broadcast %shift_right_logical3A_729 : i32 to vector<16xi32>
        %shift_right_logical3A_731 = arith.shrui %add3A_728, %shift_right_logical3A_730 : vector<16xi32>
        %bitcast_convert_type3A_732 = tpu.bitcast %get3A_724 : vector<16xf32> -> vector<16xi32>
        %add3A_733 = arith.constant 32768 : i32
        %add3A_734 = vector.broadcast %add3A_733 : i32 to vector<16xi32>
        %add3A_735 = arith.addi %bitcast_convert_type3A_732, %add3A_734 : vector<16xi32>
        %and3A_736 = arith.constant -65536 : i32
        %and3A_737 = vector.broadcast %and3A_736 : i32 to vector<16xi32>
        %and3A_738 = arith.andi %add3A_735, %and3A_737 : vector<16xi32>
        %and3A_739 = arith.constant 65535 : i32
        %and3A_740 = vector.broadcast %and3A_739 : i32 to vector<16xi32>
        %and3A_741 = arith.andi %shift_right_logical3A_731, %and3A_740 : vector<16xi32>
        %or3A_742 = arith.ori %and3A_738, %and3A_741 : vector<16xi32>
        %swap3A_743 = arith.index_cast %add3A_628 : i32 to index
        %swap3A_744 = arith.constant 48 : index
        %swap3A_745 = tpu.vector_load %arg14[%swap3A_743, %swap3A_744] {strides = array<i32>} : memref<25x64xi32, #tpu.memory_space<vmem>>, vector<1x16xi32>,
        %swap3A_746 = vector.shape_cast %swap3A_745 : vector<1x16xi32> to vector<16xi32>
        %swap3A_747 = vector.shape_cast %or3A_742 : vector<16xi32> to vector<1x16xi32>
        tpu.vector_store %arg14[%swap3A_743, %swap3A_744], %swap3A_747 {strides = array<i32>} : memref<25x64xi32, #tpu.memory_space<vmem>>, vector<1x16xi32>,
      }
      %scan3A_623 = arith.constant 25 : i32
      "tpu.region"() ({
        %run_scoped3A = tpu.sem_alloc : memref<!tpu.dma_semaphore, #tpu.memory_space<semaphore_mem>>
        %dma_start3A_624 = arith.constant 0 : i32
        %dma_start3A_625 = tpu.memref_slice %arg16[%add3A_618, %dma_start3A_624] : memref<10000x64xi32, #tpu.memory_space<vmem_shared>> -> memref<25x64xi32, #tpu.memory_space<vmem_shared>>
        %dma_start3A_626 = arith.constant 0 : i32
        %dma_start3A_627 = tpu.memref_slice %arg16[%add3A_618, %dma_start3A_626] : memref<10000x64xi32, #tpu.memory_space<vmem_shared>> -> memref<25x64xi32, #tpu.memory_space<vmem_shared>>
        tpu.enqueue_dma source(%arg14 : memref<25x64xi32, #tpu.memory_space<vmem>>) target(%dma_start3A_627 : memref<25x64xi32, #tpu.memory_space<vmem_shared>>) target_semaphore(%run_scoped3A : memref<!tpu.dma_semaphore, #tpu.memory_space<semaphore_mem>>)
        %dma_wait3A_628 = arith.constant 0 : i32
        %dma_wait3A_629 = tpu.memref_slice %arg16[%add3A_618, %dma_wait3A_628] : memref<10000x64xi32, #tpu.memory_space<vmem_shared>> -> memref<25x64xi32, #tpu.memory_space<vmem_shared>>
        %dma_wait3A_630 = arith.constant 0 : i32
        %dma_wait3A_631 = tpu.memref_slice %arg16[%add3A_618, %dma_wait3A_630] : memref<10000x64xi32, #tpu.memory_space<vmem_shared>> -> memref<25x64xi32, #tpu.memory_space<vmem_shared>>
        tpu.wait_dma2 semaphore(%run_scoped3A : memref<!tpu.dma_semaphore, #tpu.memory_space<semaphore_mem>>) src(%arg14 : memref<25x64xi32, #tpu.memory_space<vmem>>) dst(%dma_wait3A_631 : memref<25x64xi32, #tpu.memory_space<vmem_shared>>)
        tpu.yield
      }) : () -> ()
      "tpu.region"() ({
        %run_scoped3A = tpu.sem_alloc : memref<!tpu.dma_semaphore, #tpu.memory_space<semaphore_mem>>
        %dma_start3A_624 = arith.constant 0 : i32
        %dma_start3A_625 = tpu.memref_slice %arg7[%arg0, %add3A_618, %dma_start3A_624] : memref<2x10000x64xi32, #tpu.memory_space<hbm>> -> memref<1x25x64xi32, #tpu.memory_space<hbm>>
        %dma_start3A_626 = tpu.memref_squeeze %dma_start3A_625 : memref<1x25x64xi32, #tpu.memory_space<hbm>> -> memref<25x64xi32, #tpu.memory_space<hbm>>
        %dma_start3A_627 = arith.constant 0 : i32
        %dma_start3A_628 = tpu.memref_slice %arg7[%arg0, %add3A_618, %dma_start3A_627] : memref<2x10000x64xi32, #tpu.memory_space<hbm>> -> memref<1x25x64xi32, #tpu.memory_space<hbm>>
        %dma_start3A_629 = tpu.memref_squeeze %dma_start3A_628 : memref<1x25x64xi32, #tpu.memory_space<hbm>> -> memref<25x64xi32, #tpu.memory_space<hbm>>
        tpu.enqueue_dma source(%arg14 : memref<25x64xi32, #tpu.memory_space<vmem>>) target(%dma_start3A_629 : memref<25x64xi32, #tpu.memory_space<hbm>>) target_semaphore(%run_scoped3A : memref<!tpu.dma_semaphore, #tpu.memory_space<semaphore_mem>>)
        %dma_wait3A_630 = arith.constant 0 : i32
        %dma_wait3A_631 = tpu.memref_slice %arg7[%arg0, %add3A_618, %dma_wait3A_630] : memref<2x10000x64xi32, #tpu.memory_space<hbm>> -> memref<1x25x64xi32, #tpu.memory_space<hbm>>
        %dma_wait3A_632 = tpu.memref_squeeze %dma_wait3A_631 : memref<1x25x64xi32, #tpu.memory_space<hbm>> -> memref<25x64xi32, #tpu.memory_space<hbm>>
        %dma_wait3A_633 = arith.constant 0 : i32
        %dma_wait3A_634 = tpu.memref_slice %arg7[%arg0, %add3A_618, %dma_wait3A_633] : memref<2x10000x64xi32, #tpu.memory_space<hbm>> -> memref<1x25x64xi32, #tpu.memory_space<hbm>>
        %dma_wait3A_635 = tpu.memref_squeeze %dma_wait3A_634 : memref<1x25x64xi32, #tpu.memory_space<hbm>> -> memref<25x64xi32, #tpu.memory_space<hbm>>
        tpu.wait_dma2 semaphore(%run_scoped3A : memref<!tpu.dma_semaphore, #tpu.memory_space<semaphore_mem>>) src(%arg14 : memref<25x64xi32, #tpu.memory_space<vmem>>) dst(%dma_wait3A_635 : memref<25x64xi32, #tpu.memory_space<hbm>>)
        tpu.yield
      }) : () -> ()
    }
    %scan3A_33 = arith.constant 25 : i32
    %barrier3A = arith.constant 0 : index
    tpu.barrier barrier_id(%barrier3A)
    %iota3A = tpu.iota {dimensions = array<i32: 0>} : vector<16xi32>
    %add3A_34 = arith.constant 8 : i32
    %add3A_35 = vector.broadcast %add3A_34 : i32 to vector<16xi32>
    %add3A_36 = arith.addi %iota3A, %add3A_35 : vector<16xi32>
    %and3A = arith.constant 15 : i32
    %and3A_37 = vector.broadcast %and3A : i32 to vector<16xi32>
    %and3A_38 = arith.andi %add3A_36, %and3A_37 : vector<16xi32>
    %add3A_39 = arith.constant 4 : i32
    %add3A_40 = vector.broadcast %add3A_39 : i32 to vector<16xi32>
    %add3A_41 = arith.addi %iota3A, %add3A_40 : vector<16xi32>
    %and3A_42 = arith.constant 15 : i32
    %and3A_43 = vector.broadcast %and3A_42 : i32 to vector<16xi32>
    %and3A_44 = arith.andi %add3A_41, %and3A_43 : vector<16xi32>
    %add3A_45 = arith.constant 2 : i32
    %add3A_46 = vector.broadcast %add3A_45 : i32 to vector<16xi32>
    %add3A_47 = arith.addi %iota3A, %add3A_46 : vector<16xi32>
    %and3A_48 = arith.constant 15 : i32
    %and3A_49 = vector.broadcast %and3A_48 : i32 to vector<16xi32>
    %and3A_50 = arith.andi %add3A_47, %and3A_49 : vector<16xi32>
    %add3A_51 = arith.constant 1 : i32
    %add3A_52 = vector.broadcast %add3A_51 : i32 to vector<16xi32>
    %add3A_53 = arith.addi %iota3A, %add3A_52 : vector<16xi32>
    %and3A_54 = arith.constant 15 : i32
    %and3A_55 = vector.broadcast %and3A_54 : i32 to vector<16xi32>
    %and3A_56 = arith.andi %add3A_53, %and3A_55 : vector<16xi32>
    %add3A_57 = arith.constant 0 : i32
    %add3A_58 = arith.addi %select_n3A_12, %add3A_57 : i32
    %mul3A_59 = arith.constant 64 : i32
    %mul3A_60 = arith.muli %add3A_58, %mul3A_59 : i32
    %dma_start3A = arith.constant 0 : i32
    %dma_start3A_61 = arith.constant 0 : i32
    %dma_start3A_62 = arith.constant 0 : i32
    %dma_start3A_63 = arith.constant 0 : i32
    %dma_start3A_64 = tpu.memref_slice %arg8[%dma_start3A_61, %dma_start3A_63] : memref<4x64xi32, #tpu.memory_space<vmem>> -> memref<1x64xi32, #tpu.memory_space<vmem>>
    %dma_start3A_65 = tpu.memref_squeeze %dma_start3A_64 : memref<1x64xi32, #tpu.memory_space<vmem>> -> memref<64xi32, #tpu.memory_space<vmem>>
    %dma_start3A_66 = tpu.memref_slice %arg4[%dma_start3A, %mul3A_60] : memref<2x320000xi32, #tpu.memory_space<hbm>> -> memref<1x64xi32, #tpu.memory_space<hbm>>
    %dma_start3A_67 = tpu.memref_squeeze %dma_start3A_66 : memref<1x64xi32, #tpu.memory_space<hbm>> -> memref<64xi32, #tpu.memory_space<hbm>>
    %dma_start3A_68 = tpu.memref_slice %arg17[%dma_start3A_62] : memref<4x!tpu.dma_semaphore, #tpu.memory_space<semaphore_mem>> -> memref<1x!tpu.dma_semaphore, #tpu.memory_space<semaphore_mem>>
    %dma_start3A_69 = tpu.memref_squeeze %dma_start3A_68 : memref<1x!tpu.dma_semaphore, #tpu.memory_space<semaphore_mem>> -> memref<!tpu.dma_semaphore, #tpu.memory_space<semaphore_mem>>
    %dma_start3A_70 = arith.constant 0 : i32
    %dma_start3A_71 = tpu.memref_slice %arg8[%dma_start3A_61, %dma_start3A_70] : memref<4x64xi32, #tpu.memory_space<vmem>> -> memref<1x64xi32, #tpu.memory_space<vmem>>
    %dma_start3A_72 = tpu.memref_squeeze %dma_start3A_71 : memref<1x64xi32, #tpu.memory_space<vmem>> -> memref<64xi32, #tpu.memory_space<vmem>>
    %dma_start3A_73 = tpu.memref_slice %arg4[%dma_start3A, %mul3A_60] : memref<2x320000xi32, #tpu.memory_space<hbm>> -> memref<1x64xi32, #tpu.memory_space<hbm>>
    %dma_start3A_74 = tpu.memref_squeeze %dma_start3A_73 : memref<1x64xi32, #tpu.memory_space<hbm>> -> memref<64xi32, #tpu.memory_space<hbm>>
    tpu.enqueue_dma source(%dma_start3A_74 : memref<64xi32, #tpu.memory_space<hbm>>) target(%dma_start3A_72 : memref<64xi32, #tpu.memory_space<vmem>>) target_semaphore(%dma_start3A_69 : memref<!tpu.dma_semaphore, #tpu.memory_space<semaphore_mem>>)
    %dma_start3A_75 = arith.constant 1 : i32
    %dma_start3A_76 = arith.constant 0 : i32
    %dma_start3A_77 = arith.constant 0 : i32
    %dma_start3A_78 = arith.constant 0 : i32
    %dma_start3A_79 = tpu.memref_slice %arg9[%dma_start3A_76, %dma_start3A_78] : memref<4x64xi32, #tpu.memory_space<vmem>> -> memref<1x64xi32, #tpu.memory_space<vmem>>
    %dma_start3A_80 = tpu.memref_squeeze %dma_start3A_79 : memref<1x64xi32, #tpu.memory_space<vmem>> -> memref<64xi32, #tpu.memory_space<vmem>>
    %dma_start3A_81 = tpu.memref_slice %arg4[%dma_start3A_75, %mul3A_60] : memref<2x320000xi32, #tpu.memory_space<hbm>> -> memref<1x64xi32, #tpu.memory_space<hbm>>
    %dma_start3A_82 = tpu.memref_squeeze %dma_start3A_81 : memref<1x64xi32, #tpu.memory_space<hbm>> -> memref<64xi32, #tpu.memory_space<hbm>>
    %dma_start3A_83 = tpu.memref_slice %arg17[%dma_start3A_77] : memref<4x!tpu.dma_semaphore, #tpu.memory_space<semaphore_mem>> -> memref<1x!tpu.dma_semaphore, #tpu.memory_space<semaphore_mem>>
    %dma_start3A_84 = tpu.memref_squeeze %dma_start3A_83 : memref<1x!tpu.dma_semaphore, #tpu.memory_space<semaphore_mem>> -> memref<!tpu.dma_semaphore, #tpu.memory_space<semaphore_mem>>
    %dma_start3A_85 = arith.constant 0 : i32
    %dma_start3A_86 = tpu.memref_slice %arg9[%dma_start3A_76, %dma_start3A_85] : memref<4x64xi32, #tpu.memory_space<vmem>> -> memref<1x64xi32, #tpu.memory_space<vmem>>
    %dma_start3A_87 = tpu.memref_squeeze %dma_start3A_86 : memref<1x64xi32, #tpu.memory_space<vmem>> -> memref<64xi32, #tpu.memory_space<vmem>>
    %dma_start3A_88 = tpu.memref_slice %arg4[%dma_start3A_75, %mul3A_60] : memref<2x320000xi32, #tpu.memory_space<hbm>> -> memref<1x64xi32, #tpu.memory_space<hbm>>
    %dma_start3A_89 = tpu.memref_squeeze %dma_start3A_88 : memref<1x64xi32, #tpu.memory_space<hbm>> -> memref<64xi32, #tpu.memory_space<hbm>>
    tpu.enqueue_dma source(%dma_start3A_89 : memref<64xi32, #tpu.memory_space<hbm>>) target(%dma_start3A_87 : memref<64xi32, #tpu.memory_space<vmem>>) target_semaphore(%dma_start3A_84 : memref<!tpu.dma_semaphore, #tpu.memory_space<semaphore_mem>>)
    %add3A_90 = arith.constant 1 : i32
    %add3A_91 = arith.addi %select_n3A_12, %add3A_90 : i32
    %mul3A_92 = arith.constant 64 : i32
    %mul3A_93 = arith.muli %add3A_91, %mul3A_92 : i32
    %dma_start3A_94 = arith.constant 0 : i32
    %dma_start3A_95 = arith.constant 1 : i32
    %dma_start3A_96 = arith.constant 1 : i32
    %dma_start3A_97 = arith.constant 0 : i32
    %dma_start3A_98 = tpu.memref_slice %arg8[%dma_start3A_95, %dma_start3A_97] : memref<4x64xi32, #tpu.memory_space<vmem>> -> memref<1x64xi32, #tpu.memory_space<vmem>>
    %dma_start3A_99 = tpu.memref_squeeze %dma_start3A_98 : memref<1x64xi32, #tpu.memory_space<vmem>> -> memref<64xi32, #tpu.memory_space<vmem>>
    %dma_start3A_100 = tpu.memref_slice %arg4[%dma_start3A_94, %mul3A_93] : memref<2x320000xi32, #tpu.memory_space<hbm>> -> memref<1x64xi32, #tpu.memory_space<hbm>>
    %dma_start3A_101 = tpu.memref_squeeze %dma_start3A_100 : memref<1x64xi32, #tpu.memory_space<hbm>> -> memref<64xi32, #tpu.memory_space<hbm>>
    %dma_start3A_102 = tpu.memref_slice %arg17[%dma_start3A_96] : memref<4x!tpu.dma_semaphore, #tpu.memory_space<semaphore_mem>> -> memref<1x!tpu.dma_semaphore, #tpu.memory_space<semaphore_mem>>
    %dma_start3A_103 = tpu.memref_squeeze %dma_start3A_102 : memref<1x!tpu.dma_semaphore, #tpu.memory_space<semaphore_mem>> -> memref<!tpu.dma_semaphore, #tpu.memory_space<semaphore_mem>>
    %dma_start3A_104 = arith.constant 0 : i32
    %dma_start3A_105 = tpu.memref_slice %arg8[%dma_start3A_95, %dma_start3A_104] : memref<4x64xi32, #tpu.memory_space<vmem>> -> memref<1x64xi32, #tpu.memory_space<vmem>>
    %dma_start3A_106 = tpu.memref_squeeze %dma_start3A_105 : memref<1x64xi32, #tpu.memory_space<vmem>> -> memref<64xi32, #tpu.memory_space<vmem>>
    %dma_start3A_107 = tpu.memref_slice %arg4[%dma_start3A_94, %mul3A_93] : memref<2x320000xi32, #tpu.memory_space<hbm>> -> memref<1x64xi32, #tpu.memory_space<hbm>>
    %dma_start3A_108 = tpu.memref_squeeze %dma_start3A_107 : memref<1x64xi32, #tpu.memory_space<hbm>> -> memref<64xi32, #tpu.memory_space<hbm>>
    tpu.enqueue_dma source(%dma_start3A_108 : memref<64xi32, #tpu.memory_space<hbm>>) target(%dma_start3A_106 : memref<64xi32, #tpu.memory_space<vmem>>) target_semaphore(%dma_start3A_103 : memref<!tpu.dma_semaphore, #tpu.memory_space<semaphore_mem>>)
    %dma_start3A_109 = arith.constant 1 : i32
    %dma_start3A_110 = arith.constant 1 : i32
    %dma_start3A_111 = arith.constant 1 : i32
    %dma_start3A_112 = arith.constant 0 : i32
    %dma_start3A_113 = tpu.memref_slice %arg9[%dma_start3A_110, %dma_start3A_112] : memref<4x64xi32, #tpu.memory_space<vmem>> -> memref<1x64xi32, #tpu.memory_space<vmem>>
    %dma_start3A_114 = tpu.memref_squeeze %dma_start3A_113 : memref<1x64xi32, #tpu.memory_space<vmem>> -> memref<64xi32, #tpu.memory_space<vmem>>
    %dma_start3A_115 = tpu.memref_slice %arg4[%dma_start3A_109, %mul3A_93] : memref<2x320000xi32, #tpu.memory_space<hbm>> -> memref<1x64xi32, #tpu.memory_space<hbm>>
    %dma_start3A_116 = tpu.memref_squeeze %dma_start3A_115 : memref<1x64xi32, #tpu.memory_space<hbm>> -> memref<64xi32, #tpu.memory_space<hbm>>
    %dma_start3A_117 = tpu.memref_slice %arg17[%dma_start3A_111] : memref<4x!tpu.dma_semaphore, #tpu.memory_space<semaphore_mem>> -> memref<1x!tpu.dma_semaphore, #tpu.memory_space<semaphore_mem>>
    %dma_start3A_118 = tpu.memref_squeeze %dma_start3A_117 : memref<1x!tpu.dma_semaphore, #tpu.memory_space<semaphore_mem>> -> memref<!tpu.dma_semaphore, #tpu.memory_space<semaphore_mem>>
    %dma_start3A_119 = arith.constant 0 : i32
    %dma_start3A_120 = tpu.memref_slice %arg9[%dma_start3A_110, %dma_start3A_119] : memref<4x64xi32, #tpu.memory_space<vmem>> -> memref<1x64xi32, #tpu.memory_space<vmem>>
    %dma_start3A_121 = tpu.memref_squeeze %dma_start3A_120 : memref<1x64xi32, #tpu.memory_space<vmem>> -> memref<64xi32, #tpu.memory_space<vmem>>
    %dma_start3A_122 = tpu.memref_slice %arg4[%dma_start3A_109, %mul3A_93] : memref<2x320000xi32, #tpu.memory_space<hbm>> -> memref<1x64xi32, #tpu.memory_space<hbm>>
    %dma_start3A_123 = tpu.memref_squeeze %dma_start3A_122 : memref<1x64xi32, #tpu.memory_space<hbm>> -> memref<64xi32, #tpu.memory_space<hbm>>
    tpu.enqueue_dma source(%dma_start3A_123 : memref<64xi32, #tpu.memory_space<hbm>>) target(%dma_start3A_121 : memref<64xi32, #tpu.memory_space<vmem>>) target_semaphore(%dma_start3A_118 : memref<!tpu.dma_semaphore, #tpu.memory_space<semaphore_mem>>)
    %add3A_124 = arith.constant 2 : i32
    %add3A_125 = arith.addi %select_n3A_12, %add3A_124 : i32
    %mul3A_126 = arith.constant 64 : i32
    %mul3A_127 = arith.muli %add3A_125, %mul3A_126 : i32
    %dma_start3A_128 = arith.constant 0 : i32
    %dma_start3A_129 = arith.constant 2 : i32
    %dma_start3A_130 = arith.constant 2 : i32
    %dma_start3A_131 = arith.constant 0 : i32
    %dma_start3A_132 = tpu.memref_slice %arg8[%dma_start3A_129, %dma_start3A_131] : memref<4x64xi32, #tpu.memory_space<vmem>> -> memref<1x64xi32, #tpu.memory_space<vmem>>
    %dma_start3A_133 = tpu.memref_squeeze %dma_start3A_132 : memref<1x64xi32, #tpu.memory_space<vmem>> -> memref<64xi32, #tpu.memory_space<vmem>>
    %dma_start3A_134 = tpu.memref_slice %arg4[%dma_start3A_128, %mul3A_127] : memref<2x320000xi32, #tpu.memory_space<hbm>> -> memref<1x64xi32, #tpu.memory_space<hbm>>
    %dma_start3A_135 = tpu.memref_squeeze %dma_start3A_134 : memref<1x64xi32, #tpu.memory_space<hbm>> -> memref<64xi32, #tpu.memory_space<hbm>>
    %dma_start3A_136 = tpu.memref_slice %arg17[%dma_start3A_130] : memref<4x!tpu.dma_semaphore, #tpu.memory_space<semaphore_mem>> -> memref<1x!tpu.dma_semaphore, #tpu.memory_space<semaphore_mem>>
    %dma_start3A_137 = tpu.memref_squeeze %dma_start3A_136 : memref<1x!tpu.dma_semaphore, #tpu.memory_space<semaphore_mem>> -> memref<!tpu.dma_semaphore, #tpu.memory_space<semaphore_mem>>
    %dma_start3A_138 = arith.constant 0 : i32
    %dma_start3A_139 = tpu.memref_slice %arg8[%dma_start3A_129, %dma_start3A_138] : memref<4x64xi32, #tpu.memory_space<vmem>> -> memref<1x64xi32, #tpu.memory_space<vmem>>
    %dma_start3A_140 = tpu.memref_squeeze %dma_start3A_139 : memref<1x64xi32, #tpu.memory_space<vmem>> -> memref<64xi32, #tpu.memory_space<vmem>>
    %dma_start3A_141 = tpu.memref_slice %arg4[%dma_start3A_128, %mul3A_127] : memref<2x320000xi32, #tpu.memory_space<hbm>> -> memref<1x64xi32, #tpu.memory_space<hbm>>
    %dma_start3A_142 = tpu.memref_squeeze %dma_start3A_141 : memref<1x64xi32, #tpu.memory_space<hbm>> -> memref<64xi32, #tpu.memory_space<hbm>>
    tpu.enqueue_dma source(%dma_start3A_142 : memref<64xi32, #tpu.memory_space<hbm>>) target(%dma_start3A_140 : memref<64xi32, #tpu.memory_space<vmem>>) target_semaphore(%dma_start3A_137 : memref<!tpu.dma_semaphore, #tpu.memory_space<semaphore_mem>>)
    %dma_start3A_143 = arith.constant 1 : i32
    %dma_start3A_144 = arith.constant 2 : i32
    %dma_start3A_145 = arith.constant 2 : i32
    %dma_start3A_146 = arith.constant 0 : i32
    %dma_start3A_147 = tpu.memref_slice %arg9[%dma_start3A_144, %dma_start3A_146] : memref<4x64xi32, #tpu.memory_space<vmem>> -> memref<1x64xi32, #tpu.memory_space<vmem>>
    %dma_start3A_148 = tpu.memref_squeeze %dma_start3A_147 : memref<1x64xi32, #tpu.memory_space<vmem>> -> memref<64xi32, #tpu.memory_space<vmem>>
    %dma_start3A_149 = tpu.memref_slice %arg4[%dma_start3A_143, %mul3A_127] : memref<2x320000xi32, #tpu.memory_space<hbm>> -> memref<1x64xi32, #tpu.memory_space<hbm>>
    %dma_start3A_150 = tpu.memref_squeeze %dma_start3A_149 : memref<1x64xi32, #tpu.memory_space<hbm>> -> memref<64xi32, #tpu.memory_space<hbm>>
    %dma_start3A_151 = tpu.memref_slice %arg17[%dma_start3A_145] : memref<4x!tpu.dma_semaphore, #tpu.memory_space<semaphore_mem>> -> memref<1x!tpu.dma_semaphore, #tpu.memory_space<semaphore_mem>>
    %dma_start3A_152 = tpu.memref_squeeze %dma_start3A_151 : memref<1x!tpu.dma_semaphore, #tpu.memory_space<semaphore_mem>> -> memref<!tpu.dma_semaphore, #tpu.memory_space<semaphore_mem>>
    %dma_start3A_153 = arith.constant 0 : i32
    %dma_start3A_154 = tpu.memref_slice %arg9[%dma_start3A_144, %dma_start3A_153] : memref<4x64xi32, #tpu.memory_space<vmem>> -> memref<1x64xi32, #tpu.memory_space<vmem>>
    %dma_start3A_155 = tpu.memref_squeeze %dma_start3A_154 : memref<1x64xi32, #tpu.memory_space<vmem>> -> memref<64xi32, #tpu.memory_space<vmem>>
    %dma_start3A_156 = tpu.memref_slice %arg4[%dma_start3A_143, %mul3A_127] : memref<2x320000xi32, #tpu.memory_space<hbm>> -> memref<1x64xi32, #tpu.memory_space<hbm>>
    %dma_start3A_157 = tpu.memref_squeeze %dma_start3A_156 : memref<1x64xi32, #tpu.memory_space<hbm>> -> memref<64xi32, #tpu.memory_space<hbm>>
    tpu.enqueue_dma source(%dma_start3A_157 : memref<64xi32, #tpu.memory_space<hbm>>) target(%dma_start3A_155 : memref<64xi32, #tpu.memory_space<vmem>>) target_semaphore(%dma_start3A_152 : memref<!tpu.dma_semaphore, #tpu.memory_space<semaphore_mem>>)
    %add3A_158 = arith.constant 3 : i32
    %add3A_159 = arith.addi %select_n3A_12, %add3A_158 : i32
    %mul3A_160 = arith.constant 64 : i32
    %mul3A_161 = arith.muli %add3A_159, %mul3A_160 : i32
    %dma_start3A_162 = arith.constant 0 : i32
    %dma_start3A_163 = arith.constant 3 : i32
    %dma_start3A_164 = arith.constant 3 : i32
    %dma_start3A_165 = arith.constant 0 : i32
    %dma_start3A_166 = tpu.memref_slice %arg8[%dma_start3A_163, %dma_start3A_165] : memref<4x64xi32, #tpu.memory_space<vmem>> -> memref<1x64xi32, #tpu.memory_space<vmem>>
    %dma_start3A_167 = tpu.memref_squeeze %dma_start3A_166 : memref<1x64xi32, #tpu.memory_space<vmem>> -> memref<64xi32, #tpu.memory_space<vmem>>
    %dma_start3A_168 = tpu.memref_slice %arg4[%dma_start3A_162, %mul3A_161] : memref<2x320000xi32, #tpu.memory_space<hbm>> -> memref<1x64xi32, #tpu.memory_space<hbm>>
    %dma_start3A_169 = tpu.memref_squeeze %dma_start3A_168 : memref<1x64xi32, #tpu.memory_space<hbm>> -> memref<64xi32, #tpu.memory_space<hbm>>
    %dma_start3A_170 = tpu.memref_slice %arg17[%dma_start3A_164] : memref<4x!tpu.dma_semaphore, #tpu.memory_space<semaphore_mem>> -> memref<1x!tpu.dma_semaphore, #tpu.memory_space<semaphore_mem>>
    %dma_start3A_171 = tpu.memref_squeeze %dma_start3A_170 : memref<1x!tpu.dma_semaphore, #tpu.memory_space<semaphore_mem>> -> memref<!tpu.dma_semaphore, #tpu.memory_space<semaphore_mem>>
    %dma_start3A_172 = arith.constant 0 : i32
    %dma_start3A_173 = tpu.memref_slice %arg8[%dma_start3A_163, %dma_start3A_172] : memref<4x64xi32, #tpu.memory_space<vmem>> -> memref<1x64xi32, #tpu.memory_space<vmem>>
    %dma_start3A_174 = tpu.memref_squeeze %dma_start3A_173 : memref<1x64xi32, #tpu.memory_space<vmem>> -> memref<64xi32, #tpu.memory_space<vmem>>
    %dma_start3A_175 = tpu.memref_slice %arg4[%dma_start3A_162, %mul3A_161] : memref<2x320000xi32, #tpu.memory_space<hbm>> -> memref<1x64xi32, #tpu.memory_space<hbm>>
    %dma_start3A_176 = tpu.memref_squeeze %dma_start3A_175 : memref<1x64xi32, #tpu.memory_space<hbm>> -> memref<64xi32, #tpu.memory_space<hbm>>
    tpu.enqueue_dma source(%dma_start3A_176 : memref<64xi32, #tpu.memory_space<hbm>>) target(%dma_start3A_174 : memref<64xi32, #tpu.memory_space<vmem>>) target_semaphore(%dma_start3A_171 : memref<!tpu.dma_semaphore, #tpu.memory_space<semaphore_mem>>)
    %dma_start3A_177 = arith.constant 1 : i32
    %dma_start3A_178 = arith.constant 3 : i32
    %dma_start3A_179 = arith.constant 3 : i32
    %dma_start3A_180 = arith.constant 0 : i32
    %dma_start3A_181 = tpu.memref_slice %arg9[%dma_start3A_178, %dma_start3A_180] : memref<4x64xi32, #tpu.memory_space<vmem>> -> memref<1x64xi32, #tpu.memory_space<vmem>>
    %dma_start3A_182 = tpu.memref_squeeze %dma_start3A_181 : memref<1x64xi32, #tpu.memory_space<vmem>> -> memref<64xi32, #tpu.memory_space<vmem>>
    %dma_start3A_183 = tpu.memref_slice %arg4[%dma_start3A_177, %mul3A_161] : memref<2x320000xi32, #tpu.memory_space<hbm>> -> memref<1x64xi32, #tpu.memory_space<hbm>>
    %dma_start3A_184 = tpu.memref_squeeze %dma_start3A_183 : memref<1x64xi32, #tpu.memory_space<hbm>> -> memref<64xi32, #tpu.memory_space<hbm>>
    %dma_start3A_185 = tpu.memref_slice %arg17[%dma_start3A_179] : memref<4x!tpu.dma_semaphore, #tpu.memory_space<semaphore_mem>> -> memref<1x!tpu.dma_semaphore, #tpu.memory_space<semaphore_mem>>
    %dma_start3A_186 = tpu.memref_squeeze %dma_start3A_185 : memref<1x!tpu.dma_semaphore, #tpu.memory_space<semaphore_mem>> -> memref<!tpu.dma_semaphore, #tpu.memory_space<semaphore_mem>>
    %dma_start3A_187 = arith.constant 0 : i32
    %dma_start3A_188 = tpu.memref_slice %arg9[%dma_start3A_178, %dma_start3A_187] : memref<4x64xi32, #tpu.memory_space<vmem>> -> memref<1x64xi32, #tpu.memory_space<vmem>>
    %dma_start3A_189 = tpu.memref_squeeze %dma_start3A_188 : memref<1x64xi32, #tpu.memory_space<vmem>> -> memref<64xi32, #tpu.memory_space<vmem>>
    %dma_start3A_190 = tpu.memref_slice %arg4[%dma_start3A_177, %mul3A_161] : memref<2x320000xi32, #tpu.memory_space<hbm>> -> memref<1x64xi32, #tpu.memory_space<hbm>>
    %dma_start3A_191 = tpu.memref_squeeze %dma_start3A_190 : memref<1x64xi32, #tpu.memory_space<hbm>> -> memref<64xi32, #tpu.memory_space<hbm>>
    tpu.enqueue_dma source(%dma_start3A_191 : memref<64xi32, #tpu.memory_space<hbm>>) target(%dma_start3A_189 : memref<64xi32, #tpu.memory_space<vmem>>) target_semaphore(%dma_start3A_186 : memref<!tpu.dma_semaphore, #tpu.memory_space<semaphore_mem>>)
    %add3A_192 = arith.constant 0 : i32
    %add3A_193 = arith.addi %select_n3A_12, %add3A_192 : i32
    %mul3A_194 = arith.constant 64 : i32
    %mul3A_195 = arith.muli %add3A_193, %mul3A_194 : i32
    %dma_wait3A = arith.constant 0 : i32
    %dma_wait3A_196 = arith.constant 0 : i32
    %dma_wait3A_197 = arith.constant 0 : i32
    %dma_wait3A_198 = arith.constant 0 : i32
    %dma_wait3A_199 = tpu.memref_slice %arg8[%dma_wait3A_196, %dma_wait3A_198] : memref<4x64xi32, #tpu.memory_space<vmem>> -> memref<1x64xi32, #tpu.memory_space<vmem>>
    %dma_wait3A_200 = tpu.memref_squeeze %dma_wait3A_199 : memref<1x64xi32, #tpu.memory_space<vmem>> -> memref<64xi32, #tpu.memory_space<vmem>>
    %dma_wait3A_201 = tpu.memref_slice %arg4[%dma_wait3A, %mul3A_195] : memref<2x320000xi32, #tpu.memory_space<hbm>> -> memref<1x64xi32, #tpu.memory_space<hbm>>
    %dma_wait3A_202 = tpu.memref_squeeze %dma_wait3A_201 : memref<1x64xi32, #tpu.memory_space<hbm>> -> memref<64xi32, #tpu.memory_space<hbm>>
    %dma_wait3A_203 = tpu.memref_slice %arg17[%dma_wait3A_197] : memref<4x!tpu.dma_semaphore, #tpu.memory_space<semaphore_mem>> -> memref<1x!tpu.dma_semaphore, #tpu.memory_space<semaphore_mem>>
    %dma_wait3A_204 = tpu.memref_squeeze %dma_wait3A_203 : memref<1x!tpu.dma_semaphore, #tpu.memory_space<semaphore_mem>> -> memref<!tpu.dma_semaphore, #tpu.memory_space<semaphore_mem>>
    %dma_wait3A_205 = arith.constant 0 : i32
    %dma_wait3A_206 = tpu.memref_slice %arg8[%dma_wait3A_196, %dma_wait3A_205] : memref<4x64xi32, #tpu.memory_space<vmem>> -> memref<1x64xi32, #tpu.memory_space<vmem>>
    %dma_wait3A_207 = tpu.memref_squeeze %dma_wait3A_206 : memref<1x64xi32, #tpu.memory_space<vmem>> -> memref<64xi32, #tpu.memory_space<vmem>>
    %dma_wait3A_208 = tpu.memref_slice %arg4[%dma_wait3A, %mul3A_195] : memref<2x320000xi32, #tpu.memory_space<hbm>> -> memref<1x64xi32, #tpu.memory_space<hbm>>
    %dma_wait3A_209 = tpu.memref_squeeze %dma_wait3A_208 : memref<1x64xi32, #tpu.memory_space<hbm>> -> memref<64xi32, #tpu.memory_space<hbm>>
    tpu.wait_dma2 semaphore(%dma_wait3A_204 : memref<!tpu.dma_semaphore, #tpu.memory_space<semaphore_mem>>) src(%dma_wait3A_209 : memref<64xi32, #tpu.memory_space<hbm>>) dst(%dma_wait3A_207 : memref<64xi32, #tpu.memory_space<vmem>>)
    %add3A_210 = arith.constant 0 : i32
    %add3A_211 = arith.addi %select_n3A_12, %add3A_210 : i32
    %mul3A_212 = arith.constant 64 : i32
    %mul3A_213 = arith.muli %add3A_211, %mul3A_212 : i32
    %dma_wait3A_214 = arith.constant 1 : i32
    %dma_wait3A_215 = arith.constant 0 : i32
    %dma_wait3A_216 = arith.constant 0 : i32
    %dma_wait3A_217 = arith.constant 0 : i32
    %dma_wait3A_218 = tpu.memref_slice %arg9[%dma_wait3A_215, %dma_wait3A_217] : memref<4x64xi32, #tpu.memory_space<vmem>> -> memref<1x64xi32, #tpu.memory_space<vmem>>
    %dma_wait3A_219 = tpu.memref_squeeze %dma_wait3A_218 : memref<1x64xi32, #tpu.memory_space<vmem>> -> memref<64xi32, #tpu.memory_space<vmem>>
    %dma_wait3A_220 = tpu.memref_slice %arg4[%dma_wait3A_214, %mul3A_213] : memref<2x320000xi32, #tpu.memory_space<hbm>> -> memref<1x64xi32, #tpu.memory_space<hbm>>
    %dma_wait3A_221 = tpu.memref_squeeze %dma_wait3A_220 : memref<1x64xi32, #tpu.memory_space<hbm>> -> memref<64xi32, #tpu.memory_space<hbm>>
    %dma_wait3A_222 = tpu.memref_slice %arg17[%dma_wait3A_216] : memref<4x!tpu.dma_semaphore, #tpu.memory_space<semaphore_mem>> -> memref<1x!tpu.dma_semaphore, #tpu.memory_space<semaphore_mem>>
    %dma_wait3A_223 = tpu.memref_squeeze %dma_wait3A_222 : memref<1x!tpu.dma_semaphore, #tpu.memory_space<semaphore_mem>> -> memref<!tpu.dma_semaphore, #tpu.memory_space<semaphore_mem>>
    %dma_wait3A_224 = arith.constant 0 : i32
    %dma_wait3A_225 = tpu.memref_slice %arg9[%dma_wait3A_215, %dma_wait3A_224] : memref<4x64xi32, #tpu.memory_space<vmem>> -> memref<1x64xi32, #tpu.memory_space<vmem>>
    %dma_wait3A_226 = tpu.memref_squeeze %dma_wait3A_225 : memref<1x64xi32, #tpu.memory_space<vmem>> -> memref<64xi32, #tpu.memory_space<vmem>>
    %dma_wait3A_227 = tpu.memref_slice %arg4[%dma_wait3A_214, %mul3A_213] : memref<2x320000xi32, #tpu.memory_space<hbm>> -> memref<1x64xi32, #tpu.memory_space<hbm>>
    %dma_wait3A_228 = tpu.memref_squeeze %dma_wait3A_227 : memref<1x64xi32, #tpu.memory_space<hbm>> -> memref<64xi32, #tpu.memory_space<hbm>>
    tpu.wait_dma2 semaphore(%dma_wait3A_223 : memref<!tpu.dma_semaphore, #tpu.memory_space<semaphore_mem>>) src(%dma_wait3A_228 : memref<64xi32, #tpu.memory_space<hbm>>) dst(%dma_wait3A_226 : memref<64xi32, #tpu.memory_space<vmem>>)
    %mul3A_229 = arith.constant 0 : i32
    %mul3A_230 = arith.muli %mul3A_229, %select_n3A_17 : i32
    %jit3A_231 = arith.constant 8 : i32
    %eq3A_232 = arith.constant 0 : i32
    %eq3A_233 = arith.cmpi eq, %jit3A_231, %eq3A_232 : i32
    %jit3A_234 = arith.constant 1 : i32
    %select_n3A_235 = arith.select %eq3A_233, %jit3A_234, %jit3A_231 : i32
    %rem3A = arith.remsi %mul3A_230, %select_n3A_235 : i32
    %ne3A = arith.constant 0 : i32
    %ne3A_236 = arith.cmpi ne, %rem3A, %ne3A : i32
    %lt3A_237 = arith.constant 0 : i32
    %lt3A_238 = arith.cmpi slt, %rem3A, %lt3A_237 : i32
    %lt3A_239 = arith.constant 0 : i32
    %lt3A_240 = arith.cmpi slt, %select_n3A_235, %lt3A_239 : i32
    %ne3A_241 = arith.xori %lt3A_238, %lt3A_240 : i1
    %and3A_242 = arith.andi %ne3A_241, %ne3A_236 : i1
    %add3A_243 = arith.addi %rem3A, %select_n3A_235 : i32
    %select_n3A_244 = arith.select %and3A_242, %add3A_243, %rem3A : i32
    %lt3A_245 = arith.cmpi slt, %select_n3A_244, %select_n3A_17 : i32
    %mul3A_246 = arith.constant 0 : i32
    %mul3A_247 = arith.muli %mul3A_246, %select_n3A_22 : i32
    %jit3A_248 = arith.constant 8 : i32
    %eq3A_249 = arith.constant 0 : i32
    %eq3A_250 = arith.cmpi eq, %jit3A_248, %eq3A_249 : i32
    %jit3A_251 = arith.constant 1 : i32
    %select_n3A_252 = arith.select %eq3A_250, %jit3A_251, %jit3A_248 : i32
    %rem3A_253 = arith.remsi %mul3A_247, %select_n3A_252 : i32
    %ne3A_254 = arith.constant 0 : i32
    %ne3A_255 = arith.cmpi ne, %rem3A_253, %ne3A_254 : i32
    %lt3A_256 = arith.constant 0 : i32
    %lt3A_257 = arith.cmpi slt, %rem3A_253, %lt3A_256 : i32
    %lt3A_258 = arith.constant 0 : i32
    %lt3A_259 = arith.cmpi slt, %select_n3A_252, %lt3A_258 : i32
    %ne3A_260 = arith.xori %lt3A_257, %lt3A_259 : i1
    %and3A_261 = arith.andi %ne3A_260, %ne3A_255 : i1
    %add3A_262 = arith.addi %rem3A_253, %select_n3A_252 : i32
    %select_n3A_263 = arith.select %and3A_261, %add3A_262, %rem3A_253 : i32
    %lt3A_264 = arith.cmpi slt, %select_n3A_263, %select_n3A_22 : i32
    %convert_element_type3A_265 = arith.extui %lt3A_245 : i1 to i32
    %cond3A = arith.constant 0 : i32
    %cond3A_266 = arith.cmpi ne, %convert_element_type3A_265, %cond3A : i32
    scf.if %cond3A_266 {
      %dma_start3A_611 = arith.constant 0 : i32
      %dma_start3A_612 = arith.constant 0 : i32
      %dma_start3A_613 = arith.constant 0 : i32
      %dma_start3A_614 = arith.constant 0 : i32
      %dma_start3A_615 = arith.constant 0 : i32
      %dma_start3A_616 = tpu.memref_slice %arg10[%dma_start3A_612, %dma_start3A_614, %dma_start3A_615] : memref<4x64x64xi32, #tpu.memory_space<vmem>> -> memref<1x64x64xi32, #tpu.memory_space<vmem>>
      %dma_start3A_617 = tpu.memref_squeeze %dma_start3A_616 : memref<1x64x64xi32, #tpu.memory_space<vmem>> -> memref<64x64xi32, #tpu.memory_space<vmem>>
      %dma_start3A_618 = arith.constant 0 : i32
      %dma_start3A_619 = tpu.memref_slice %arg8[%dma_start3A_611, %dma_start3A_618] : memref<4x64xi32, #tpu.memory_space<vmem>> -> memref<1x64xi32, #tpu.memory_space<vmem>>
      %dma_start3A_620 = tpu.memref_squeeze %dma_start3A_619 : memref<1x64xi32, #tpu.memory_space<vmem>> -> memref<64xi32, #tpu.memory_space<vmem>>
      %dma_start3A_621 = arith.constant 0 : i32
      %dma_start3A_622 = arith.constant 0 : i32
      %dma_start3A_623 = tpu.memref_slice %arg15[%dma_start3A_621, %dma_start3A_622] : memref<10000x64xi32, #tpu.memory_space<vmem_shared>> -> memref<10000x64xi32, #tpu.memory_space<vmem_shared>>
      %dma_start3A_624 = tpu.memref_slice %arg18[%dma_start3A_613] : memref<4x!tpu.dma_semaphore, #tpu.memory_space<semaphore_mem>> -> memref<1x!tpu.dma_semaphore, #tpu.memory_space<semaphore_mem>>
      %dma_start3A_625 = tpu.memref_squeeze %dma_start3A_624 : memref<1x!tpu.dma_semaphore, #tpu.memory_space<semaphore_mem>> -> memref<!tpu.dma_semaphore, #tpu.memory_space<semaphore_mem>>
      tpu.enqueue_indirect_dma source(%dma_start3A_623 : memref<10000x64xi32, #tpu.memory_space<vmem_shared>>) target(%dma_start3A_617 : memref<64x64xi32, #tpu.memory_space<vmem>>) offsets(%dma_start3A_620 : memref<64xi32, #tpu.memory_space<vmem>>) semaphore(%dma_start3A_625 : memref<!tpu.dma_semaphore, #tpu.memory_space<semaphore_mem>>)
    } else {
    }
    %not3A = arith.constant true
    %not3A_267 = arith.xori %lt3A_245, %not3A : i1
    %convert_element_type3A_268 = arith.extui %not3A_267 : i1 to i32
    %cond3A_269 = arith.constant 0 : i32
    %cond3A_270 = arith.cmpi ne, %convert_element_type3A_268, %cond3A_269 : i32
    scf.if %cond3A_270 {
      %dma_start3A_611 = arith.constant 0 : i32
      %dma_start3A_612 = arith.constant 0 : i32
      %dma_start3A_613 = arith.constant 0 : i32
      %dma_start3A_614 = arith.constant 0 : i32
      %dma_start3A_615 = arith.constant 0 : i32
      %dma_start3A_616 = tpu.memref_slice %arg10[%dma_start3A_612, %dma_start3A_614, %dma_start3A_615] : memref<4x64x64xi32, #tpu.memory_space<vmem>> -> memref<1x64x64xi32, #tpu.memory_space<vmem>>
      %dma_start3A_617 = tpu.memref_squeeze %dma_start3A_616 : memref<1x64x64xi32, #tpu.memory_space<vmem>> -> memref<64x64xi32, #tpu.memory_space<vmem>>
      %dma_start3A_618 = arith.constant 0 : i32
      %dma_start3A_619 = tpu.memref_slice %arg8[%dma_start3A_611, %dma_start3A_618] : memref<4x64xi32, #tpu.memory_space<vmem>> -> memref<1x64xi32, #tpu.memory_space<vmem>>
      %dma_start3A_620 = tpu.memref_squeeze %dma_start3A_619 : memref<1x64xi32, #tpu.memory_space<vmem>> -> memref<64xi32, #tpu.memory_space<vmem>>
      %dma_start3A_621 = arith.constant 0 : i32
      %dma_start3A_622 = arith.constant 0 : i32
      %dma_start3A_623 = tpu.memref_slice %arg6[%arg0, %dma_start3A_621, %dma_start3A_622] : memref<2x10000x64xi32, #tpu.memory_space<hbm>> -> memref<1x10000x64xi32, #tpu.memory_space<hbm>>
      %dma_start3A_624 = tpu.memref_squeeze %dma_start3A_623 : memref<1x10000x64xi32, #tpu.memory_space<hbm>> -> memref<10000x64xi32, #tpu.memory_space<hbm>>
      %dma_start3A_625 = arith.constant 0 : i32
      %dma_start3A_626 = arith.constant 0 : i32
      %dma_start3A_627 = tpu.memref_slice %dma_start3A_624[%dma_start3A_625, %dma_start3A_626] : memref<10000x64xi32, #tpu.memory_space<hbm>> -> memref<10000x64xi32, #tpu.memory_space<hbm>>
      %dma_start3A_628 = tpu.memref_slice %arg18[%dma_start3A_613] : memref<4x!tpu.dma_semaphore, #tpu.memory_space<semaphore_mem>> -> memref<1x!tpu.dma_semaphore, #tpu.memory_space<semaphore_mem>>
      %dma_start3A_629 = tpu.memref_squeeze %dma_start3A_628 : memref<1x!tpu.dma_semaphore, #tpu.memory_space<semaphore_mem>> -> memref<!tpu.dma_semaphore, #tpu.memory_space<semaphore_mem>>
      tpu.enqueue_indirect_dma source(%dma_start3A_627 : memref<10000x64xi32, #tpu.memory_space<hbm>>) target(%dma_start3A_617 : memref<64x64xi32, #tpu.memory_space<vmem>>) offsets(%dma_start3A_620 : memref<64xi32, #tpu.memory_space<vmem>>) semaphore(%dma_start3A_629 : memref<!tpu.dma_semaphore, #tpu.memory_space<semaphore_mem>>)
    } else {
    }
    %convert_element_type3A_271 = arith.extui %lt3A_264 : i1 to i32
    %cond3A_272 = arith.constant 0 : i32
    %cond3A_273 = arith.cmpi ne, %convert_element_type3A_271, %cond3A_272 : i32
    scf.if %cond3A_273 {
      %dma_start3A_611 = arith.constant 0 : i32
      %dma_start3A_612 = arith.constant 0 : i32
      %dma_start3A_613 = arith.constant 0 : i32
      %dma_start3A_614 = arith.constant 0 : i32
      %dma_start3A_615 = arith.constant 0 : i32
      %dma_start3A_616 = tpu.memref_slice %arg11[%dma_start3A_612, %dma_start3A_614, %dma_start3A_615] : memref<4x64x64xi32, #tpu.memory_space<vmem>> -> memref<1x64x64xi32, #tpu.memory_space<vmem>>
      %dma_start3A_617 = tpu.memref_squeeze %dma_start3A_616 : memref<1x64x64xi32, #tpu.memory_space<vmem>> -> memref<64x64xi32, #tpu.memory_space<vmem>>
      %dma_start3A_618 = arith.constant 0 : i32
      %dma_start3A_619 = tpu.memref_slice %arg9[%dma_start3A_611, %dma_start3A_618] : memref<4x64xi32, #tpu.memory_space<vmem>> -> memref<1x64xi32, #tpu.memory_space<vmem>>
      %dma_start3A_620 = tpu.memref_squeeze %dma_start3A_619 : memref<1x64xi32, #tpu.memory_space<vmem>> -> memref<64xi32, #tpu.memory_space<vmem>>
      %dma_start3A_621 = arith.constant 0 : i32
      %dma_start3A_622 = arith.constant 0 : i32
      %dma_start3A_623 = tpu.memref_slice %arg16[%dma_start3A_621, %dma_start3A_622] : memref<10000x64xi32, #tpu.memory_space<vmem_shared>> -> memref<10000x64xi32, #tpu.memory_space<vmem_shared>>
      %dma_start3A_624 = tpu.memref_slice %arg19[%dma_start3A_613] : memref<4x!tpu.dma_semaphore, #tpu.memory_space<semaphore_mem>> -> memref<1x!tpu.dma_semaphore, #tpu.memory_space<semaphore_mem>>
      %dma_start3A_625 = tpu.memref_squeeze %dma_start3A_624 : memref<1x!tpu.dma_semaphore, #tpu.memory_space<semaphore_mem>> -> memref<!tpu.dma_semaphore, #tpu.memory_space<semaphore_mem>>
      tpu.enqueue_indirect_dma source(%dma_start3A_623 : memref<10000x64xi32, #tpu.memory_space<vmem_shared>>) target(%dma_start3A_617 : memref<64x64xi32, #tpu.memory_space<vmem>>) offsets(%dma_start3A_620 : memref<64xi32, #tpu.memory_space<vmem>>) semaphore(%dma_start3A_625 : memref<!tpu.dma_semaphore, #tpu.memory_space<semaphore_mem>>)
    } else {
    }
    %not3A_274 = arith.constant true
    %not3A_275 = arith.xori %lt3A_264, %not3A_274 : i1
    %convert_element_type3A_276 = arith.extui %not3A_275 : i1 to i32
    %cond3A_277 = arith.constant 0 : i32
    %cond3A_278 = arith.cmpi ne, %convert_element_type3A_276, %cond3A_277 : i32
    scf.if %cond3A_278 {
      %dma_start3A_611 = arith.constant 0 : i32
      %dma_start3A_612 = arith.constant 0 : i32
      %dma_start3A_613 = arith.constant 0 : i32
      %dma_start3A_614 = arith.constant 0 : i32
      %dma_start3A_615 = arith.constant 0 : i32
      %dma_start3A_616 = tpu.memref_slice %arg11[%dma_start3A_612, %dma_start3A_614, %dma_start3A_615] : memref<4x64x64xi32, #tpu.memory_space<vmem>> -> memref<1x64x64xi32, #tpu.memory_space<vmem>>
      %dma_start3A_617 = tpu.memref_squeeze %dma_start3A_616 : memref<1x64x64xi32, #tpu.memory_space<vmem>> -> memref<64x64xi32, #tpu.memory_space<vmem>>
      %dma_start3A_618 = arith.constant 0 : i32
      %dma_start3A_619 = tpu.memref_slice %arg9[%dma_start3A_611, %dma_start3A_618] : memref<4x64xi32, #tpu.memory_space<vmem>> -> memref<1x64xi32, #tpu.memory_space<vmem>>
      %dma_start3A_620 = tpu.memref_squeeze %dma_start3A_619 : memref<1x64xi32, #tpu.memory_space<vmem>> -> memref<64xi32, #tpu.memory_space<vmem>>
      %dma_start3A_621 = arith.constant 0 : i32
      %dma_start3A_622 = arith.constant 0 : i32
      %dma_start3A_623 = tpu.memref_slice %arg7[%arg0, %dma_start3A_621, %dma_start3A_622] : memref<2x10000x64xi32, #tpu.memory_space<hbm>> -> memref<1x10000x64xi32, #tpu.memory_space<hbm>>
      %dma_start3A_624 = tpu.memref_squeeze %dma_start3A_623 : memref<1x10000x64xi32, #tpu.memory_space<hbm>> -> memref<10000x64xi32, #tpu.memory_space<hbm>>
      %dma_start3A_625 = arith.constant 0 : i32
      %dma_start3A_626 = arith.constant 0 : i32
      %dma_start3A_627 = tpu.memref_slice %dma_start3A_624[%dma_start3A_625, %dma_start3A_626] : memref<10000x64xi32, #tpu.memory_space<hbm>> -> memref<10000x64xi32, #tpu.memory_space<hbm>>
      %dma_start3A_628 = tpu.memref_slice %arg19[%dma_start3A_613] : memref<4x!tpu.dma_semaphore, #tpu.memory_space<semaphore_mem>> -> memref<1x!tpu.dma_semaphore, #tpu.memory_space<semaphore_mem>>
      %dma_start3A_629 = tpu.memref_squeeze %dma_start3A_628 : memref<1x!tpu.dma_semaphore, #tpu.memory_space<semaphore_mem>> -> memref<!tpu.dma_semaphore, #tpu.memory_space<semaphore_mem>>
      tpu.enqueue_indirect_dma source(%dma_start3A_627 : memref<10000x64xi32, #tpu.memory_space<hbm>>) target(%dma_start3A_617 : memref<64x64xi32, #tpu.memory_space<vmem>>) offsets(%dma_start3A_620 : memref<64xi32, #tpu.memory_space<vmem>>) semaphore(%dma_start3A_629 : memref<!tpu.dma_semaphore, #tpu.memory_space<semaphore_mem>>)
    } else {
    }
    %add3A_279 = arith.constant 1 : i32
    %add3A_280 = arith.addi %select_n3A_12, %add3A_279 : i32
    %mul3A_281 = arith.constant 64 : i32
    %mul3A_282 = arith.muli %add3A_280, %mul3A_281 : i32
    %dma_wait3A_283 = arith.constant 0 : i32
    %dma_wait3A_284 = arith.constant 1 : i32
    %dma_wait3A_285 = arith.constant 1 : i32
    %dma_wait3A_286 = arith.constant 0 : i32
    %dma_wait3A_287 = tpu.memref_slice %arg8[%dma_wait3A_284, %dma_wait3A_286] : memref<4x64xi32, #tpu.memory_space<vmem>> -> memref<1x64xi32, #tpu.memory_space<vmem>>
    %dma_wait3A_288 = tpu.memref_squeeze %dma_wait3A_287 : memref<1x64xi32, #tpu.memory_space<vmem>> -> memref<64xi32, #tpu.memory_space<vmem>>
    %dma_wait3A_289 = tpu.memref_slice %arg4[%dma_wait3A_283, %mul3A_282] : memref<2x320000xi32, #tpu.memory_space<hbm>> -> memref<1x64xi32, #tpu.memory_space<hbm>>
    %dma_wait3A_290 = tpu.memref_squeeze %dma_wait3A_289 : memref<1x64xi32, #tpu.memory_space<hbm>> -> memref<64xi32, #tpu.memory_space<hbm>>
    %dma_wait3A_291 = tpu.memref_slice %arg17[%dma_wait3A_285] : memref<4x!tpu.dma_semaphore, #tpu.memory_space<semaphore_mem>> -> memref<1x!tpu.dma_semaphore, #tpu.memory_space<semaphore_mem>>
    %dma_wait3A_292 = tpu.memref_squeeze %dma_wait3A_291 : memref<1x!tpu.dma_semaphore, #tpu.memory_space<semaphore_mem>> -> memref<!tpu.dma_semaphore, #tpu.memory_space<semaphore_mem>>
    %dma_wait3A_293 = arith.constant 0 : i32
    %dma_wait3A_294 = tpu.memref_slice %arg8[%dma_wait3A_284, %dma_wait3A_293] : memref<4x64xi32, #tpu.memory_space<vmem>> -> memref<1x64xi32, #tpu.memory_space<vmem>>
    %dma_wait3A_295 = tpu.memref_squeeze %dma_wait3A_294 : memref<1x64xi32, #tpu.memory_space<vmem>> -> memref<64xi32, #tpu.memory_space<vmem>>
    %dma_wait3A_296 = tpu.memref_slice %arg4[%dma_wait3A_283, %mul3A_282] : memref<2x320000xi32, #tpu.memory_space<hbm>> -> memref<1x64xi32, #tpu.memory_space<hbm>>
    %dma_wait3A_297 = tpu.memref_squeeze %dma_wait3A_296 : memref<1x64xi32, #tpu.memory_space<hbm>> -> memref<64xi32, #tpu.memory_space<hbm>>
    tpu.wait_dma2 semaphore(%dma_wait3A_292 : memref<!tpu.dma_semaphore, #tpu.memory_space<semaphore_mem>>) src(%dma_wait3A_297 : memref<64xi32, #tpu.memory_space<hbm>>) dst(%dma_wait3A_295 : memref<64xi32, #tpu.memory_space<vmem>>)
    %add3A_298 = arith.constant 1 : i32
    %add3A_299 = arith.addi %select_n3A_12, %add3A_298 : i32
    %mul3A_300 = arith.constant 64 : i32
    %mul3A_301 = arith.muli %add3A_299, %mul3A_300 : i32
    %dma_wait3A_302 = arith.constant 1 : i32
    %dma_wait3A_303 = arith.constant 1 : i32
    %dma_wait3A_304 = arith.constant 1 : i32
    %dma_wait3A_305 = arith.constant 0 : i32
    %dma_wait3A_306 = tpu.memref_slice %arg9[%dma_wait3A_303, %dma_wait3A_305] : memref<4x64xi32, #tpu.memory_space<vmem>> -> memref<1x64xi32, #tpu.memory_space<vmem>>
    %dma_wait3A_307 = tpu.memref_squeeze %dma_wait3A_306 : memref<1x64xi32, #tpu.memory_space<vmem>> -> memref<64xi32, #tpu.memory_space<vmem>>
    %dma_wait3A_308 = tpu.memref_slice %arg4[%dma_wait3A_302, %mul3A_301] : memref<2x320000xi32, #tpu.memory_space<hbm>> -> memref<1x64xi32, #tpu.memory_space<hbm>>
    %dma_wait3A_309 = tpu.memref_squeeze %dma_wait3A_308 : memref<1x64xi32, #tpu.memory_space<hbm>> -> memref<64xi32, #tpu.memory_space<hbm>>
    %dma_wait3A_310 = tpu.memref_slice %arg17[%dma_wait3A_304] : memref<4x!tpu.dma_semaphore, #tpu.memory_space<semaphore_mem>> -> memref<1x!tpu.dma_semaphore, #tpu.memory_space<semaphore_mem>>
    %dma_wait3A_311 = tpu.memref_squeeze %dma_wait3A_310 : memref<1x!tpu.dma_semaphore, #tpu.memory_space<semaphore_mem>> -> memref<!tpu.dma_semaphore, #tpu.memory_space<semaphore_mem>>
    %dma_wait3A_312 = arith.constant 0 : i32
    %dma_wait3A_313 = tpu.memref_slice %arg9[%dma_wait3A_303, %dma_wait3A_312] : memref<4x64xi32, #tpu.memory_space<vmem>> -> memref<1x64xi32, #tpu.memory_space<vmem>>
    %dma_wait3A_314 = tpu.memref_squeeze %dma_wait3A_313 : memref<1x64xi32, #tpu.memory_space<vmem>> -> memref<64xi32, #tpu.memory_space<vmem>>
    %dma_wait3A_315 = tpu.memref_slice %arg4[%dma_wait3A_302, %mul3A_301] : memref<2x320000xi32, #tpu.memory_space<hbm>> -> memref<1x64xi32, #tpu.memory_space<hbm>>
    %dma_wait3A_316 = tpu.memref_squeeze %dma_wait3A_315 : memref<1x64xi32, #tpu.memory_space<hbm>> -> memref<64xi32, #tpu.memory_space<hbm>>
    tpu.wait_dma2 semaphore(%dma_wait3A_311 : memref<!tpu.dma_semaphore, #tpu.memory_space<semaphore_mem>>) src(%dma_wait3A_316 : memref<64xi32, #tpu.memory_space<hbm>>) dst(%dma_wait3A_314 : memref<64xi32, #tpu.memory_space<vmem>>)
    %mul3A_317 = arith.constant 1 : i32
    %mul3A_318 = arith.muli %mul3A_317, %select_n3A_17 : i32
    %jit3A_319 = arith.constant 8 : i32
    %eq3A_320 = arith.constant 0 : i32
    %eq3A_321 = arith.cmpi eq, %jit3A_319, %eq3A_320 : i32
    %jit3A_322 = arith.constant 1 : i32
    %select_n3A_323 = arith.select %eq3A_321, %jit3A_322, %jit3A_319 : i32
    %rem3A_324 = arith.remsi %mul3A_318, %select_n3A_323 : i32
    %ne3A_325 = arith.constant 0 : i32
    %ne3A_326 = arith.cmpi ne, %rem3A_324, %ne3A_325 : i32
    %lt3A_327 = arith.constant 0 : i32
    %lt3A_328 = arith.cmpi slt, %rem3A_324, %lt3A_327 : i32
    %lt3A_329 = arith.constant 0 : i32
    %lt3A_330 = arith.cmpi slt, %select_n3A_323, %lt3A_329 : i32
    %ne3A_331 = arith.xori %lt3A_328, %lt3A_330 : i1
    %and3A_332 = arith.andi %ne3A_331, %ne3A_326 : i1
    %add3A_333 = arith.addi %rem3A_324, %select_n3A_323 : i32
    %select_n3A_334 = arith.select %and3A_332, %add3A_333, %rem3A_324 : i32
    %lt3A_335 = arith.cmpi slt, %select_n3A_334, %select_n3A_17 : i32
    %mul3A_336 = arith.constant 1 : i32
    %mul3A_337 = arith.muli %mul3A_336, %select_n3A_22 : i32
    %jit3A_338 = arith.constant 8 : i32
    %eq3A_339 = arith.constant 0 : i32
    %eq3A_340 = arith.cmpi eq, %jit3A_338, %eq3A_339 : i32
    %jit3A_341 = arith.constant 1 : i32
    %select_n3A_342 = arith.select %eq3A_340, %jit3A_341, %jit3A_338 : i32
    %rem3A_343 = arith.remsi %mul3A_337, %select_n3A_342 : i32
    %ne3A_344 = arith.constant 0 : i32
    %ne3A_345 = arith.cmpi ne, %rem3A_343, %ne3A_344 : i32
    %lt3A_346 = arith.constant 0 : i32
    %lt3A_347 = arith.cmpi slt, %rem3A_343, %lt3A_346 : i32
    %lt3A_348 = arith.constant 0 : i32
    %lt3A_349 = arith.cmpi slt, %select_n3A_342, %lt3A_348 : i32
    %ne3A_350 = arith.xori %lt3A_347, %lt3A_349 : i1
    %and3A_351 = arith.andi %ne3A_350, %ne3A_345 : i1
    %add3A_352 = arith.addi %rem3A_343, %select_n3A_342 : i32
    %select_n3A_353 = arith.select %and3A_351, %add3A_352, %rem3A_343 : i32
    %lt3A_354 = arith.cmpi slt, %select_n3A_353, %select_n3A_22 : i32
    %convert_element_type3A_355 = arith.extui %lt3A_335 : i1 to i32
    %cond3A_356 = arith.constant 0 : i32
    %cond3A_357 = arith.cmpi ne, %convert_element_type3A_355, %cond3A_356 : i32
    scf.if %cond3A_357 {
      %dma_start3A_611 = arith.constant 1 : i32
      %dma_start3A_612 = arith.constant 1 : i32
      %dma_start3A_613 = arith.constant 1 : i32
      %dma_start3A_614 = arith.constant 0 : i32
      %dma_start3A_615 = arith.constant 0 : i32
      %dma_start3A_616 = tpu.memref_slice %arg10[%dma_start3A_612, %dma_start3A_614, %dma_start3A_615] : memref<4x64x64xi32, #tpu.memory_space<vmem>> -> memref<1x64x64xi32, #tpu.memory_space<vmem>>
      %dma_start3A_617 = tpu.memref_squeeze %dma_start3A_616 : memref<1x64x64xi32, #tpu.memory_space<vmem>> -> memref<64x64xi32, #tpu.memory_space<vmem>>
      %dma_start3A_618 = arith.constant 0 : i32
      %dma_start3A_619 = tpu.memref_slice %arg8[%dma_start3A_611, %dma_start3A_618] : memref<4x64xi32, #tpu.memory_space<vmem>> -> memref<1x64xi32, #tpu.memory_space<vmem>>
      %dma_start3A_620 = tpu.memref_squeeze %dma_start3A_619 : memref<1x64xi32, #tpu.memory_space<vmem>> -> memref<64xi32, #tpu.memory_space<vmem>>
      %dma_start3A_621 = arith.constant 0 : i32
      %dma_start3A_622 = arith.constant 0 : i32
      %dma_start3A_623 = tpu.memref_slice %arg15[%dma_start3A_621, %dma_start3A_622] : memref<10000x64xi32, #tpu.memory_space<vmem_shared>> -> memref<10000x64xi32, #tpu.memory_space<vmem_shared>>
      %dma_start3A_624 = tpu.memref_slice %arg18[%dma_start3A_613] : memref<4x!tpu.dma_semaphore, #tpu.memory_space<semaphore_mem>> -> memref<1x!tpu.dma_semaphore, #tpu.memory_space<semaphore_mem>>
      %dma_start3A_625 = tpu.memref_squeeze %dma_start3A_624 : memref<1x!tpu.dma_semaphore, #tpu.memory_space<semaphore_mem>> -> memref<!tpu.dma_semaphore, #tpu.memory_space<semaphore_mem>>
      tpu.enqueue_indirect_dma source(%dma_start3A_623 : memref<10000x64xi32, #tpu.memory_space<vmem_shared>>) target(%dma_start3A_617 : memref<64x64xi32, #tpu.memory_space<vmem>>) offsets(%dma_start3A_620 : memref<64xi32, #tpu.memory_space<vmem>>) semaphore(%dma_start3A_625 : memref<!tpu.dma_semaphore, #tpu.memory_space<semaphore_mem>>)
    } else {
    }
    %not3A_358 = arith.constant true
    %not3A_359 = arith.xori %lt3A_335, %not3A_358 : i1
    %convert_element_type3A_360 = arith.extui %not3A_359 : i1 to i32
    %cond3A_361 = arith.constant 0 : i32
    %cond3A_362 = arith.cmpi ne, %convert_element_type3A_360, %cond3A_361 : i32
    scf.if %cond3A_362 {
      %dma_start3A_611 = arith.constant 1 : i32
      %dma_start3A_612 = arith.constant 1 : i32
      %dma_start3A_613 = arith.constant 1 : i32
      %dma_start3A_614 = arith.constant 0 : i32
      %dma_start3A_615 = arith.constant 0 : i32
      %dma_start3A_616 = tpu.memref_slice %arg10[%dma_start3A_612, %dma_start3A_614, %dma_start3A_615] : memref<4x64x64xi32, #tpu.memory_space<vmem>> -> memref<1x64x64xi32, #tpu.memory_space<vmem>>
      %dma_start3A_617 = tpu.memref_squeeze %dma_start3A_616 : memref<1x64x64xi32, #tpu.memory_space<vmem>> -> memref<64x64xi32, #tpu.memory_space<vmem>>
      %dma_start3A_618 = arith.constant 0 : i32
      %dma_start3A_619 = tpu.memref_slice %arg8[%dma_start3A_611, %dma_start3A_618] : memref<4x64xi32, #tpu.memory_space<vmem>> -> memref<1x64xi32, #tpu.memory_space<vmem>>
      %dma_start3A_620 = tpu.memref_squeeze %dma_start3A_619 : memref<1x64xi32, #tpu.memory_space<vmem>> -> memref<64xi32, #tpu.memory_space<vmem>>
      %dma_start3A_621 = arith.constant 0 : i32
      %dma_start3A_622 = arith.constant 0 : i32
      %dma_start3A_623 = tpu.memref_slice %arg6[%arg0, %dma_start3A_621, %dma_start3A_622] : memref<2x10000x64xi32, #tpu.memory_space<hbm>> -> memref<1x10000x64xi32, #tpu.memory_space<hbm>>
      %dma_start3A_624 = tpu.memref_squeeze %dma_start3A_623 : memref<1x10000x64xi32, #tpu.memory_space<hbm>> -> memref<10000x64xi32, #tpu.memory_space<hbm>>
      %dma_start3A_625 = arith.constant 0 : i32
      %dma_start3A_626 = arith.constant 0 : i32
      %dma_start3A_627 = tpu.memref_slice %dma_start3A_624[%dma_start3A_625, %dma_start3A_626] : memref<10000x64xi32, #tpu.memory_space<hbm>> -> memref<10000x64xi32, #tpu.memory_space<hbm>>
      %dma_start3A_628 = tpu.memref_slice %arg18[%dma_start3A_613] : memref<4x!tpu.dma_semaphore, #tpu.memory_space<semaphore_mem>> -> memref<1x!tpu.dma_semaphore, #tpu.memory_space<semaphore_mem>>
      %dma_start3A_629 = tpu.memref_squeeze %dma_start3A_628 : memref<1x!tpu.dma_semaphore, #tpu.memory_space<semaphore_mem>> -> memref<!tpu.dma_semaphore, #tpu.memory_space<semaphore_mem>>
      tpu.enqueue_indirect_dma source(%dma_start3A_627 : memref<10000x64xi32, #tpu.memory_space<hbm>>) target(%dma_start3A_617 : memref<64x64xi32, #tpu.memory_space<vmem>>) offsets(%dma_start3A_620 : memref<64xi32, #tpu.memory_space<vmem>>) semaphore(%dma_start3A_629 : memref<!tpu.dma_semaphore, #tpu.memory_space<semaphore_mem>>)
    } else {
    }
    %convert_element_type3A_363 = arith.extui %lt3A_354 : i1 to i32
    %cond3A_364 = arith.constant 0 : i32
    %cond3A_365 = arith.cmpi ne, %convert_element_type3A_363, %cond3A_364 : i32
    scf.if %cond3A_365 {
      %dma_start3A_611 = arith.constant 1 : i32
      %dma_start3A_612 = arith.constant 1 : i32
      %dma_start3A_613 = arith.constant 1 : i32
      %dma_start3A_614 = arith.constant 0 : i32
      %dma_start3A_615 = arith.constant 0 : i32
      %dma_start3A_616 = tpu.memref_slice %arg11[%dma_start3A_612, %dma_start3A_614, %dma_start3A_615] : memref<4x64x64xi32, #tpu.memory_space<vmem>> -> memref<1x64x64xi32, #tpu.memory_space<vmem>>
      %dma_start3A_617 = tpu.memref_squeeze %dma_start3A_616 : memref<1x64x64xi32, #tpu.memory_space<vmem>> -> memref<64x64xi32, #tpu.memory_space<vmem>>
      %dma_start3A_618 = arith.constant 0 : i32
      %dma_start3A_619 = tpu.memref_slice %arg9[%dma_start3A_611, %dma_start3A_618] : memref<4x64xi32, #tpu.memory_space<vmem>> -> memref<1x64xi32, #tpu.memory_space<vmem>>
      %dma_start3A_620 = tpu.memref_squeeze %dma_start3A_619 : memref<1x64xi32, #tpu.memory_space<vmem>> -> memref<64xi32, #tpu.memory_space<vmem>>
      %dma_start3A_621 = arith.constant 0 : i32
      %dma_start3A_622 = arith.constant 0 : i32
      %dma_start3A_623 = tpu.memref_slice %arg16[%dma_start3A_621, %dma_start3A_622] : memref<10000x64xi32, #tpu.memory_space<vmem_shared>> -> memref<10000x64xi32, #tpu.memory_space<vmem_shared>>
      %dma_start3A_624 = tpu.memref_slice %arg19[%dma_start3A_613] : memref<4x!tpu.dma_semaphore, #tpu.memory_space<semaphore_mem>> -> memref<1x!tpu.dma_semaphore, #tpu.memory_space<semaphore_mem>>
      %dma_start3A_625 = tpu.memref_squeeze %dma_start3A_624 : memref<1x!tpu.dma_semaphore, #tpu.memory_space<semaphore_mem>> -> memref<!tpu.dma_semaphore, #tpu.memory_space<semaphore_mem>>
      tpu.enqueue_indirect_dma source(%dma_start3A_623 : memref<10000x64xi32, #tpu.memory_space<vmem_shared>>) target(%dma_start3A_617 : memref<64x64xi32, #tpu.memory_space<vmem>>) offsets(%dma_start3A_620 : memref<64xi32, #tpu.memory_space<vmem>>) semaphore(%dma_start3A_625 : memref<!tpu.dma_semaphore, #tpu.memory_space<semaphore_mem>>)
    } else {
    }
    %not3A_366 = arith.constant true
    %not3A_367 = arith.xori %lt3A_354, %not3A_366 : i1
    %convert_element_type3A_368 = arith.extui %not3A_367 : i1 to i32
    %cond3A_369 = arith.constant 0 : i32
    %cond3A_370 = arith.cmpi ne, %convert_element_type3A_368, %cond3A_369 : i32
    scf.if %cond3A_370 {
      %dma_start3A_611 = arith.constant 1 : i32
      %dma_start3A_612 = arith.constant 1 : i32
      %dma_start3A_613 = arith.constant 1 : i32
      %dma_start3A_614 = arith.constant 0 : i32
      %dma_start3A_615 = arith.constant 0 : i32
      %dma_start3A_616 = tpu.memref_slice %arg11[%dma_start3A_612, %dma_start3A_614, %dma_start3A_615] : memref<4x64x64xi32, #tpu.memory_space<vmem>> -> memref<1x64x64xi32, #tpu.memory_space<vmem>>
      %dma_start3A_617 = tpu.memref_squeeze %dma_start3A_616 : memref<1x64x64xi32, #tpu.memory_space<vmem>> -> memref<64x64xi32, #tpu.memory_space<vmem>>
      %dma_start3A_618 = arith.constant 0 : i32
      %dma_start3A_619 = tpu.memref_slice %arg9[%dma_start3A_611, %dma_start3A_618] : memref<4x64xi32, #tpu.memory_space<vmem>> -> memref<1x64xi32, #tpu.memory_space<vmem>>
      %dma_start3A_620 = tpu.memref_squeeze %dma_start3A_619 : memref<1x64xi32, #tpu.memory_space<vmem>> -> memref<64xi32, #tpu.memory_space<vmem>>
      %dma_start3A_621 = arith.constant 0 : i32
      %dma_start3A_622 = arith.constant 0 : i32
      %dma_start3A_623 = tpu.memref_slice %arg7[%arg0, %dma_start3A_621, %dma_start3A_622] : memref<2x10000x64xi32, #tpu.memory_space<hbm>> -> memref<1x10000x64xi32, #tpu.memory_space<hbm>>
      %dma_start3A_624 = tpu.memref_squeeze %dma_start3A_623 : memref<1x10000x64xi32, #tpu.memory_space<hbm>> -> memref<10000x64xi32, #tpu.memory_space<hbm>>
      %dma_start3A_625 = arith.constant 0 : i32
      %dma_start3A_626 = arith.constant 0 : i32
      %dma_start3A_627 = tpu.memref_slice %dma_start3A_624[%dma_start3A_625, %dma_start3A_626] : memref<10000x64xi32, #tpu.memory_space<hbm>> -> memref<10000x64xi32, #tpu.memory_space<hbm>>
      %dma_start3A_628 = tpu.memref_slice %arg19[%dma_start3A_613] : memref<4x!tpu.dma_semaphore, #tpu.memory_space<semaphore_mem>> -> memref<1x!tpu.dma_semaphore, #tpu.memory_space<semaphore_mem>>
      %dma_start3A_629 = tpu.memref_squeeze %dma_start3A_628 : memref<1x!tpu.dma_semaphore, #tpu.memory_space<semaphore_mem>> -> memref<!tpu.dma_semaphore, #tpu.memory_space<semaphore_mem>>
      tpu.enqueue_indirect_dma source(%dma_start3A_627 : memref<10000x64xi32, #tpu.memory_space<hbm>>) target(%dma_start3A_617 : memref<64x64xi32, #tpu.memory_space<vmem>>) offsets(%dma_start3A_620 : memref<64xi32, #tpu.memory_space<vmem>>) semaphore(%dma_start3A_629 : memref<!tpu.dma_semaphore, #tpu.memory_space<semaphore_mem>>)
    } else {
    }
    %add3A_371 = arith.constant 2 : i32
    %add3A_372 = arith.addi %select_n3A_12, %add3A_371 : i32
    %mul3A_373 = arith.constant 64 : i32
    %mul3A_374 = arith.muli %add3A_372, %mul3A_373 : i32
    %dma_wait3A_375 = arith.constant 0 : i32
    %dma_wait3A_376 = arith.constant 2 : i32
    %dma_wait3A_377 = arith.constant 2 : i32
    %dma_wait3A_378 = arith.constant 0 : i32
    %dma_wait3A_379 = tpu.memref_slice %arg8[%dma_wait3A_376, %dma_wait3A_378] : memref<4x64xi32, #tpu.memory_space<vmem>> -> memref<1x64xi32, #tpu.memory_space<vmem>>
    %dma_wait3A_380 = tpu.memref_squeeze %dma_wait3A_379 : memref<1x64xi32, #tpu.memory_space<vmem>> -> memref<64xi32, #tpu.memory_space<vmem>>
    %dma_wait3A_381 = tpu.memref_slice %arg4[%dma_wait3A_375, %mul3A_374] : memref<2x320000xi32, #tpu.memory_space<hbm>> -> memref<1x64xi32, #tpu.memory_space<hbm>>
    %dma_wait3A_382 = tpu.memref_squeeze %dma_wait3A_381 : memref<1x64xi32, #tpu.memory_space<hbm>> -> memref<64xi32, #tpu.memory_space<hbm>>
    %dma_wait3A_383 = tpu.memref_slice %arg17[%dma_wait3A_377] : memref<4x!tpu.dma_semaphore, #tpu.memory_space<semaphore_mem>> -> memref<1x!tpu.dma_semaphore, #tpu.memory_space<semaphore_mem>>
    %dma_wait3A_384 = tpu.memref_squeeze %dma_wait3A_383 : memref<1x!tpu.dma_semaphore, #tpu.memory_space<semaphore_mem>> -> memref<!tpu.dma_semaphore, #tpu.memory_space<semaphore_mem>>
    %dma_wait3A_385 = arith.constant 0 : i32
    %dma_wait3A_386 = tpu.memref_slice %arg8[%dma_wait3A_376, %dma_wait3A_385] : memref<4x64xi32, #tpu.memory_space<vmem>> -> memref<1x64xi32, #tpu.memory_space<vmem>>
    %dma_wait3A_387 = tpu.memref_squeeze %dma_wait3A_386 : memref<1x64xi32, #tpu.memory_space<vmem>> -> memref<64xi32, #tpu.memory_space<vmem>>
    %dma_wait3A_388 = tpu.memref_slice %arg4[%dma_wait3A_375, %mul3A_374] : memref<2x320000xi32, #tpu.memory_space<hbm>> -> memref<1x64xi32, #tpu.memory_space<hbm>>
    %dma_wait3A_389 = tpu.memref_squeeze %dma_wait3A_388 : memref<1x64xi32, #tpu.memory_space<hbm>> -> memref<64xi32, #tpu.memory_space<hbm>>
    tpu.wait_dma2 semaphore(%dma_wait3A_384 : memref<!tpu.dma_semaphore, #tpu.memory_space<semaphore_mem>>) src(%dma_wait3A_389 : memref<64xi32, #tpu.memory_space<hbm>>) dst(%dma_wait3A_387 : memref<64xi32, #tpu.memory_space<vmem>>)
    %add3A_390 = arith.constant 2 : i32
    %add3A_391 = arith.addi %select_n3A_12, %add3A_390 : i32
    %mul3A_392 = arith.constant 64 : i32
    %mul3A_393 = arith.muli %add3A_391, %mul3A_392 : i32
    %dma_wait3A_394 = arith.constant 1 : i32
    %dma_wait3A_395 = arith.constant 2 : i32
    %dma_wait3A_396 = arith.constant 2 : i32
    %dma_wait3A_397 = arith.constant 0 : i32
    %dma_wait3A_398 = tpu.memref_slice %arg9[%dma_wait3A_395, %dma_wait3A_397] : memref<4x64xi32, #tpu.memory_space<vmem>> -> memref<1x64xi32, #tpu.memory_space<vmem>>
    %dma_wait3A_399 = tpu.memref_squeeze %dma_wait3A_398 : memref<1x64xi32, #tpu.memory_space<vmem>> -> memref<64xi32, #tpu.memory_space<vmem>>
    %dma_wait3A_400 = tpu.memref_slice %arg4[%dma_wait3A_394, %mul3A_393] : memref<2x320000xi32, #tpu.memory_space<hbm>> -> memref<1x64xi32, #tpu.memory_space<hbm>>
    %dma_wait3A_401 = tpu.memref_squeeze %dma_wait3A_400 : memref<1x64xi32, #tpu.memory_space<hbm>> -> memref<64xi32, #tpu.memory_space<hbm>>
    %dma_wait3A_402 = tpu.memref_slice %arg17[%dma_wait3A_396] : memref<4x!tpu.dma_semaphore, #tpu.memory_space<semaphore_mem>> -> memref<1x!tpu.dma_semaphore, #tpu.memory_space<semaphore_mem>>
    %dma_wait3A_403 = tpu.memref_squeeze %dma_wait3A_402 : memref<1x!tpu.dma_semaphore, #tpu.memory_space<semaphore_mem>> -> memref<!tpu.dma_semaphore, #tpu.memory_space<semaphore_mem>>
    %dma_wait3A_404 = arith.constant 0 : i32
    %dma_wait3A_405 = tpu.memref_slice %arg9[%dma_wait3A_395, %dma_wait3A_404] : memref<4x64xi32, #tpu.memory_space<vmem>> -> memref<1x64xi32, #tpu.memory_space<vmem>>
    %dma_wait3A_406 = tpu.memref_squeeze %dma_wait3A_405 : memref<1x64xi32, #tpu.memory_space<vmem>> -> memref<64xi32, #tpu.memory_space<vmem>>
    %dma_wait3A_407 = tpu.memref_slice %arg4[%dma_wait3A_394, %mul3A_393] : memref<2x320000xi32, #tpu.memory_space<hbm>> -> memref<1x64xi32, #tpu.memory_space<hbm>>
    %dma_wait3A_408 = tpu.memref_squeeze %dma_wait3A_407 : memref<1x64xi32, #tpu.memory_space<hbm>> -> memref<64xi32, #tpu.memory_space<hbm>>
    tpu.wait_dma2 semaphore(%dma_wait3A_403 : memref<!tpu.dma_semaphore, #tpu.memory_space<semaphore_mem>>) src(%dma_wait3A_408 : memref<64xi32, #tpu.memory_space<hbm>>) dst(%dma_wait3A_406 : memref<64xi32, #tpu.memory_space<vmem>>)
    %mul3A_409 = arith.constant 2 : i32
    %mul3A_410 = arith.muli %mul3A_409, %select_n3A_17 : i32
    %jit3A_411 = arith.constant 8 : i32
    %eq3A_412 = arith.constant 0 : i32
    %eq3A_413 = arith.cmpi eq, %jit3A_411, %eq3A_412 : i32
    %jit3A_414 = arith.constant 1 : i32
    %select_n3A_415 = arith.select %eq3A_413, %jit3A_414, %jit3A_411 : i32
    %rem3A_416 = arith.remsi %mul3A_410, %select_n3A_415 : i32
    %ne3A_417 = arith.constant 0 : i32
    %ne3A_418 = arith.cmpi ne, %rem3A_416, %ne3A_417 : i32
    %lt3A_419 = arith.constant 0 : i32
    %lt3A_420 = arith.cmpi slt, %rem3A_416, %lt3A_419 : i32
    %lt3A_421 = arith.constant 0 : i32
    %lt3A_422 = arith.cmpi slt, %select_n3A_415, %lt3A_421 : i32
    %ne3A_423 = arith.xori %lt3A_420, %lt3A_422 : i1
    %and3A_424 = arith.andi %ne3A_423, %ne3A_418 : i1
    %add3A_425 = arith.addi %rem3A_416, %select_n3A_415 : i32
    %select_n3A_426 = arith.select %and3A_424, %add3A_425, %rem3A_416 : i32
    %lt3A_427 = arith.cmpi slt, %select_n3A_426, %select_n3A_17 : i32
    %mul3A_428 = arith.constant 2 : i32
    %mul3A_429 = arith.muli %mul3A_428, %select_n3A_22 : i32
    %jit3A_430 = arith.constant 8 : i32
    %eq3A_431 = arith.constant 0 : i32
    %eq3A_432 = arith.cmpi eq, %jit3A_430, %eq3A_431 : i32
    %jit3A_433 = arith.constant 1 : i32
    %select_n3A_434 = arith.select %eq3A_432, %jit3A_433, %jit3A_430 : i32
    %rem3A_435 = arith.remsi %mul3A_429, %select_n3A_434 : i32
    %ne3A_436 = arith.constant 0 : i32
    %ne3A_437 = arith.cmpi ne, %rem3A_435, %ne3A_436 : i32
    %lt3A_438 = arith.constant 0 : i32
    %lt3A_439 = arith.cmpi slt, %rem3A_435, %lt3A_438 : i32
    %lt3A_440 = arith.constant 0 : i32
    %lt3A_441 = arith.cmpi slt, %select_n3A_434, %lt3A_440 : i32
    %ne3A_442 = arith.xori %lt3A_439, %lt3A_441 : i1
    %and3A_443 = arith.andi %ne3A_442, %ne3A_437 : i1
    %add3A_444 = arith.addi %rem3A_435, %select_n3A_434 : i32
    %select_n3A_445 = arith.select %and3A_443, %add3A_444, %rem3A_435 : i32
    %lt3A_446 = arith.cmpi slt, %select_n3A_445, %select_n3A_22 : i32
    %convert_element_type3A_447 = arith.extui %lt3A_427 : i1 to i32
    %cond3A_448 = arith.constant 0 : i32
    %cond3A_449 = arith.cmpi ne, %convert_element_type3A_447, %cond3A_448 : i32
    scf.if %cond3A_449 {
      %dma_start3A_611 = arith.constant 2 : i32
      %dma_start3A_612 = arith.constant 2 : i32
      %dma_start3A_613 = arith.constant 2 : i32
      %dma_start3A_614 = arith.constant 0 : i32
      %dma_start3A_615 = arith.constant 0 : i32
      %dma_start3A_616 = tpu.memref_slice %arg10[%dma_start3A_612, %dma_start3A_614, %dma_start3A_615] : memref<4x64x64xi32, #tpu.memory_space<vmem>> -> memref<1x64x64xi32, #tpu.memory_space<vmem>>
      %dma_start3A_617 = tpu.memref_squeeze %dma_start3A_616 : memref<1x64x64xi32, #tpu.memory_space<vmem>> -> memref<64x64xi32, #tpu.memory_space<vmem>>
      %dma_start3A_618 = arith.constant 0 : i32
      %dma_start3A_619 = tpu.memref_slice %arg8[%dma_start3A_611, %dma_start3A_618] : memref<4x64xi32, #tpu.memory_space<vmem>> -> memref<1x64xi32, #tpu.memory_space<vmem>>
      %dma_start3A_620 = tpu.memref_squeeze %dma_start3A_619 : memref<1x64xi32, #tpu.memory_space<vmem>> -> memref<64xi32, #tpu.memory_space<vmem>>
      %dma_start3A_621 = arith.constant 0 : i32
      %dma_start3A_622 = arith.constant 0 : i32
      %dma_start3A_623 = tpu.memref_slice %arg15[%dma_start3A_621, %dma_start3A_622] : memref<10000x64xi32, #tpu.memory_space<vmem_shared>> -> memref<10000x64xi32, #tpu.memory_space<vmem_shared>>
      %dma_start3A_624 = tpu.memref_slice %arg18[%dma_start3A_613] : memref<4x!tpu.dma_semaphore, #tpu.memory_space<semaphore_mem>> -> memref<1x!tpu.dma_semaphore, #tpu.memory_space<semaphore_mem>>
      %dma_start3A_625 = tpu.memref_squeeze %dma_start3A_624 : memref<1x!tpu.dma_semaphore, #tpu.memory_space<semaphore_mem>> -> memref<!tpu.dma_semaphore, #tpu.memory_space<semaphore_mem>>
      tpu.enqueue_indirect_dma source(%dma_start3A_623 : memref<10000x64xi32, #tpu.memory_space<vmem_shared>>) target(%dma_start3A_617 : memref<64x64xi32, #tpu.memory_space<vmem>>) offsets(%dma_start3A_620 : memref<64xi32, #tpu.memory_space<vmem>>) semaphore(%dma_start3A_625 : memref<!tpu.dma_semaphore, #tpu.memory_space<semaphore_mem>>)
    } else {
    }
    %not3A_450 = arith.constant true
    %not3A_451 = arith.xori %lt3A_427, %not3A_450 : i1
    %convert_element_type3A_452 = arith.extui %not3A_451 : i1 to i32
    %cond3A_453 = arith.constant 0 : i32
    %cond3A_454 = arith.cmpi ne, %convert_element_type3A_452, %cond3A_453 : i32
    scf.if %cond3A_454 {
      %dma_start3A_611 = arith.constant 2 : i32
      %dma_start3A_612 = arith.constant 2 : i32
      %dma_start3A_613 = arith.constant 2 : i32
      %dma_start3A_614 = arith.constant 0 : i32
      %dma_start3A_615 = arith.constant 0 : i32
      %dma_start3A_616 = tpu.memref_slice %arg10[%dma_start3A_612, %dma_start3A_614, %dma_start3A_615] : memref<4x64x64xi32, #tpu.memory_space<vmem>> -> memref<1x64x64xi32, #tpu.memory_space<vmem>>
      %dma_start3A_617 = tpu.memref_squeeze %dma_start3A_616 : memref<1x64x64xi32, #tpu.memory_space<vmem>> -> memref<64x64xi32, #tpu.memory_space<vmem>>
      %dma_start3A_618 = arith.constant 0 : i32
      %dma_start3A_619 = tpu.memref_slice %arg8[%dma_start3A_611, %dma_start3A_618] : memref<4x64xi32, #tpu.memory_space<vmem>> -> memref<1x64xi32, #tpu.memory_space<vmem>>
      %dma_start3A_620 = tpu.memref_squeeze %dma_start3A_619 : memref<1x64xi32, #tpu.memory_space<vmem>> -> memref<64xi32, #tpu.memory_space<vmem>>
      %dma_start3A_621 = arith.constant 0 : i32
      %dma_start3A_622 = arith.constant 0 : i32
      %dma_start3A_623 = tpu.memref_slice %arg6[%arg0, %dma_start3A_621, %dma_start3A_622] : memref<2x10000x64xi32, #tpu.memory_space<hbm>> -> memref<1x10000x64xi32, #tpu.memory_space<hbm>>
      %dma_start3A_624 = tpu.memref_squeeze %dma_start3A_623 : memref<1x10000x64xi32, #tpu.memory_space<hbm>> -> memref<10000x64xi32, #tpu.memory_space<hbm>>
      %dma_start3A_625 = arith.constant 0 : i32
      %dma_start3A_626 = arith.constant 0 : i32
      %dma_start3A_627 = tpu.memref_slice %dma_start3A_624[%dma_start3A_625, %dma_start3A_626] : memref<10000x64xi32, #tpu.memory_space<hbm>> -> memref<10000x64xi32, #tpu.memory_space<hbm>>
      %dma_start3A_628 = tpu.memref_slice %arg18[%dma_start3A_613] : memref<4x!tpu.dma_semaphore, #tpu.memory_space<semaphore_mem>> -> memref<1x!tpu.dma_semaphore, #tpu.memory_space<semaphore_mem>>
      %dma_start3A_629 = tpu.memref_squeeze %dma_start3A_628 : memref<1x!tpu.dma_semaphore, #tpu.memory_space<semaphore_mem>> -> memref<!tpu.dma_semaphore, #tpu.memory_space<semaphore_mem>>
      tpu.enqueue_indirect_dma source(%dma_start3A_627 : memref<10000x64xi32, #tpu.memory_space<hbm>>) target(%dma_start3A_617 : memref<64x64xi32, #tpu.memory_space<vmem>>) offsets(%dma_start3A_620 : memref<64xi32, #tpu.memory_space<vmem>>) semaphore(%dma_start3A_629 : memref<!tpu.dma_semaphore, #tpu.memory_space<semaphore_mem>>)
    } else {
    }
    %convert_element_type3A_455 = arith.extui %lt3A_446 : i1 to i32
    %cond3A_456 = arith.constant 0 : i32
    %cond3A_457 = arith.cmpi ne, %convert_element_type3A_455, %cond3A_456 : i32
    scf.if %cond3A_457 {
      %dma_start3A_611 = arith.constant 2 : i32
      %dma_start3A_612 = arith.constant 2 : i32
      %dma_start3A_613 = arith.constant 2 : i32
      %dma_start3A_614 = arith.constant 0 : i32
      %dma_start3A_615 = arith.constant 0 : i32
      %dma_start3A_616 = tpu.memref_slice %arg11[%dma_start3A_612, %dma_start3A_614, %dma_start3A_615] : memref<4x64x64xi32, #tpu.memory_space<vmem>> -> memref<1x64x64xi32, #tpu.memory_space<vmem>>
      %dma_start3A_617 = tpu.memref_squeeze %dma_start3A_616 : memref<1x64x64xi32, #tpu.memory_space<vmem>> -> memref<64x64xi32, #tpu.memory_space<vmem>>
      %dma_start3A_618 = arith.constant 0 : i32
      %dma_start3A_619 = tpu.memref_slice %arg9[%dma_start3A_611, %dma_start3A_618] : memref<4x64xi32, #tpu.memory_space<vmem>> -> memref<1x64xi32, #tpu.memory_space<vmem>>
      %dma_start3A_620 = tpu.memref_squeeze %dma_start3A_619 : memref<1x64xi32, #tpu.memory_space<vmem>> -> memref<64xi32, #tpu.memory_space<vmem>>
      %dma_start3A_621 = arith.constant 0 : i32
      %dma_start3A_622 = arith.constant 0 : i32
      %dma_start3A_623 = tpu.memref_slice %arg16[%dma_start3A_621, %dma_start3A_622] : memref<10000x64xi32, #tpu.memory_space<vmem_shared>> -> memref<10000x64xi32, #tpu.memory_space<vmem_shared>>
      %dma_start3A_624 = tpu.memref_slice %arg19[%dma_start3A_613] : memref<4x!tpu.dma_semaphore, #tpu.memory_space<semaphore_mem>> -> memref<1x!tpu.dma_semaphore, #tpu.memory_space<semaphore_mem>>
      %dma_start3A_625 = tpu.memref_squeeze %dma_start3A_624 : memref<1x!tpu.dma_semaphore, #tpu.memory_space<semaphore_mem>> -> memref<!tpu.dma_semaphore, #tpu.memory_space<semaphore_mem>>
      tpu.enqueue_indirect_dma source(%dma_start3A_623 : memref<10000x64xi32, #tpu.memory_space<vmem_shared>>) target(%dma_start3A_617 : memref<64x64xi32, #tpu.memory_space<vmem>>) offsets(%dma_start3A_620 : memref<64xi32, #tpu.memory_space<vmem>>) semaphore(%dma_start3A_625 : memref<!tpu.dma_semaphore, #tpu.memory_space<semaphore_mem>>)
    } else {
    }
    %not3A_458 = arith.constant true
    %not3A_459 = arith.xori %lt3A_446, %not3A_458 : i1
    %convert_element_type3A_460 = arith.extui %not3A_459 : i1 to i32
    %cond3A_461 = arith.constant 0 : i32
    %cond3A_462 = arith.cmpi ne, %convert_element_type3A_460, %cond3A_461 : i32
    scf.if %cond3A_462 {
      %dma_start3A_611 = arith.constant 2 : i32
      %dma_start3A_612 = arith.constant 2 : i32
      %dma_start3A_613 = arith.constant 2 : i32
      %dma_start3A_614 = arith.constant 0 : i32
      %dma_start3A_615 = arith.constant 0 : i32
      %dma_start3A_616 = tpu.memref_slice %arg11[%dma_start3A_612, %dma_start3A_614, %dma_start3A_615] : memref<4x64x64xi32, #tpu.memory_space<vmem>> -> memref<1x64x64xi32, #tpu.memory_space<vmem>>
      %dma_start3A_617 = tpu.memref_squeeze %dma_start3A_616 : memref<1x64x64xi32, #tpu.memory_space<vmem>> -> memref<64x64xi32, #tpu.memory_space<vmem>>
      %dma_start3A_618 = arith.constant 0 : i32
      %dma_start3A_619 = tpu.memref_slice %arg9[%dma_start3A_611, %dma_start3A_618] : memref<4x64xi32, #tpu.memory_space<vmem>> -> memref<1x64xi32, #tpu.memory_space<vmem>>
      %dma_start3A_620 = tpu.memref_squeeze %dma_start3A_619 : memref<1x64xi32, #tpu.memory_space<vmem>> -> memref<64xi32, #tpu.memory_space<vmem>>
      %dma_start3A_621 = arith.constant 0 : i32
      %dma_start3A_622 = arith.constant 0 : i32
      %dma_start3A_623 = tpu.memref_slice %arg7[%arg0, %dma_start3A_621, %dma_start3A_622] : memref<2x10000x64xi32, #tpu.memory_space<hbm>> -> memref<1x10000x64xi32, #tpu.memory_space<hbm>>
      %dma_start3A_624 = tpu.memref_squeeze %dma_start3A_623 : memref<1x10000x64xi32, #tpu.memory_space<hbm>> -> memref<10000x64xi32, #tpu.memory_space<hbm>>
      %dma_start3A_625 = arith.constant 0 : i32
      %dma_start3A_626 = arith.constant 0 : i32
      %dma_start3A_627 = tpu.memref_slice %dma_start3A_624[%dma_start3A_625, %dma_start3A_626] : memref<10000x64xi32, #tpu.memory_space<hbm>> -> memref<10000x64xi32, #tpu.memory_space<hbm>>
      %dma_start3A_628 = tpu.memref_slice %arg19[%dma_start3A_613] : memref<4x!tpu.dma_semaphore, #tpu.memory_space<semaphore_mem>> -> memref<1x!tpu.dma_semaphore, #tpu.memory_space<semaphore_mem>>
      %dma_start3A_629 = tpu.memref_squeeze %dma_start3A_628 : memref<1x!tpu.dma_semaphore, #tpu.memory_space<semaphore_mem>> -> memref<!tpu.dma_semaphore, #tpu.memory_space<semaphore_mem>>
      tpu.enqueue_indirect_dma source(%dma_start3A_627 : memref<10000x64xi32, #tpu.memory_space<hbm>>) target(%dma_start3A_617 : memref<64x64xi32, #tpu.memory_space<vmem>>) offsets(%dma_start3A_620 : memref<64xi32, #tpu.memory_space<vmem>>) semaphore(%dma_start3A_629 : memref<!tpu.dma_semaphore, #tpu.memory_space<semaphore_mem>>)
    } else {
    }
    %sub3A = arith.constant 0 : i32
    %sub3A_463 = arith.subi %select_n3A, %sub3A : i32
    %sub3A_464 = arith.constant 1 : i32
    %sub3A_465 = arith.constant 1 : i32
    %sub3A_466 = arith.subi %sub3A_464, %sub3A_465 : i32
    %add3A_467 = arith.addi %sub3A_463, %sub3A_466 : i32
    %div3A = arith.constant 1 : i32
    %div3A_468 = arith.divsi %add3A_467, %div3A : i32
    %while3A = arith.constant 1 : i32
    %while3A_469 = arith.constant 0 : i32
    %while3A_470 = arith.constant 0 : i32
    %while3A_471 = arith.subi %div3A_468, %while3A_470 : i32
    %while3A_472 = arith.addi %while3A_470, %while3A_471 : i32
    %while3A_473 = arith.constant 1 : i32
    %while3A_474 = arith.divsi %while3A_471, %while3A_473 : i32
    %while3A_475 = arith.muli %while3A_474, %while3A_473 : i32
    %while3A_476 = arith.addi %while3A_470, %while3A_475 : i32
    %while3A_477 = arith.constant 1 : i32
    scf.for %while3A_611 = %while3A_470 to %while3A_476 step %while3A_477  : i32 {
      %mul3A_612 = arith.muli %while3A_611, %while3A : i32
      %add3A_613 = arith.addi %while3A_469, %mul3A_612 : i32
      %jit3A_614 = arith.constant 4 : i32
      %eq3A_615 = arith.constant 0 : i32
      %eq3A_616 = arith.cmpi eq, %jit3A_614, %eq3A_615 : i32
      %jit3A_617 = arith.constant 1 : i32
      %select_n3A_618 = arith.select %eq3A_616, %jit3A_617, %jit3A_614 : i32
      %rem3A_619 = arith.remsi %add3A_613, %select_n3A_618 : i32
      %ne3A_620 = arith.constant 0 : i32
      %ne3A_621 = arith.cmpi ne, %rem3A_619, %ne3A_620 : i32
      %lt3A_622 = arith.constant 0 : i32
      %lt3A_623 = arith.cmpi slt, %rem3A_619, %lt3A_622 : i32
      %lt3A_624 = arith.constant 0 : i32
      %lt3A_625 = arith.cmpi slt, %select_n3A_618, %lt3A_624 : i32
      %ne3A_626 = arith.xori %lt3A_623, %lt3A_625 : i1
      %and3A_627 = arith.andi %ne3A_626, %ne3A_621 : i1
      %add3A_628 = arith.addi %rem3A_619, %select_n3A_618 : i32
      %select_n3A_629 = arith.select %and3A_627, %add3A_628, %rem3A_619 : i32
      %jit3A_630 = arith.constant 4 : i32
      %eq3A_631 = arith.constant 0 : i32
      %eq3A_632 = arith.cmpi eq, %jit3A_630, %eq3A_631 : i32
      %jit3A_633 = arith.constant 1 : i32
      %select_n3A_634 = arith.select %eq3A_632, %jit3A_633, %jit3A_630 : i32
      %rem3A_635 = arith.remsi %add3A_613, %select_n3A_634 : i32
      %ne3A_636 = arith.constant 0 : i32
      %ne3A_637 = arith.cmpi ne, %rem3A_635, %ne3A_636 : i32
      %lt3A_638 = arith.constant 0 : i32
      %lt3A_639 = arith.cmpi slt, %rem3A_635, %lt3A_638 : i32
      %lt3A_640 = arith.constant 0 : i32
      %lt3A_641 = arith.cmpi slt, %select_n3A_634, %lt3A_640 : i32
      %ne3A_642 = arith.xori %lt3A_639, %lt3A_641 : i1
      %and3A_643 = arith.andi %ne3A_642, %ne3A_637 : i1
      %add3A_644 = arith.addi %rem3A_635, %select_n3A_634 : i32
      %select_n3A_645 = arith.select %and3A_643, %add3A_644, %rem3A_635 : i32
      %mul3A_646 = arith.muli %add3A_613, %select_n3A_17 : i32
      %jit3A_647 = arith.constant 8 : i32
      %eq3A_648 = arith.constant 0 : i32
      %eq3A_649 = arith.cmpi eq, %jit3A_647, %eq3A_648 : i32
      %jit3A_650 = arith.constant 1 : i32
      %select_n3A_651 = arith.select %eq3A_649, %jit3A_650, %jit3A_647 : i32
      %rem3A_652 = arith.remsi %mul3A_646, %select_n3A_651 : i32
      %ne3A_653 = arith.constant 0 : i32
      %ne3A_654 = arith.cmpi ne, %rem3A_652, %ne3A_653 : i32
      %lt3A_655 = arith.constant 0 : i32
      %lt3A_656 = arith.cmpi slt, %rem3A_652, %lt3A_655 : i32
      %lt3A_657 = arith.constant 0 : i32
      %lt3A_658 = arith.cmpi slt, %select_n3A_651, %lt3A_657 : i32
      %ne3A_659 = arith.xori %lt3A_656, %lt3A_658 : i1
      %and3A_660 = arith.andi %ne3A_659, %ne3A_654 : i1
      %add3A_661 = arith.addi %rem3A_652, %select_n3A_651 : i32
      %select_n3A_662 = arith.select %and3A_660, %add3A_661, %rem3A_652 : i32
      %lt3A_663 = arith.cmpi slt, %select_n3A_662, %select_n3A_17 : i32
      %mul3A_664 = arith.muli %add3A_613, %select_n3A_22 : i32
      %jit3A_665 = arith.constant 8 : i32
      %eq3A_666 = arith.constant 0 : i32
      %eq3A_667 = arith.cmpi eq, %jit3A_665, %eq3A_666 : i32
      %jit3A_668 = arith.constant 1 : i32
      %select_n3A_669 = arith.select %eq3A_667, %jit3A_668, %jit3A_665 : i32
      %rem3A_670 = arith.remsi %mul3A_664, %select_n3A_669 : i32
      %ne3A_671 = arith.constant 0 : i32
      %ne3A_672 = arith.cmpi ne, %rem3A_670, %ne3A_671 : i32
      %lt3A_673 = arith.constant 0 : i32
      %lt3A_674 = arith.cmpi slt, %rem3A_670, %lt3A_673 : i32
      %lt3A_675 = arith.constant 0 : i32
      %lt3A_676 = arith.cmpi slt, %select_n3A_669, %lt3A_675 : i32
      %ne3A_677 = arith.xori %lt3A_674, %lt3A_676 : i1
      %and3A_678 = arith.andi %ne3A_677, %ne3A_672 : i1
      %add3A_679 = arith.addi %rem3A_670, %select_n3A_669 : i32
      %select_n3A_680 = arith.select %and3A_678, %add3A_679, %rem3A_670 : i32
      %lt3A_681 = arith.cmpi slt, %select_n3A_680, %select_n3A_22 : i32
      %convert_element_type3A_682 = arith.extui %lt3A_663 : i1 to i32
      %cond3A_683 = arith.constant 0 : i32
      %cond3A_684 = arith.cmpi ne, %convert_element_type3A_682, %cond3A_683 : i32
      scf.if %cond3A_684 {
        %dma_wait3A_750 = arith.constant 0 : i32
        %dma_wait3A_751 = arith.constant 0 : i32
        %dma_wait3A_752 = tpu.memref_slice %arg10[%select_n3A_645, %dma_wait3A_750, %dma_wait3A_751] : memref<4x64x64xi32, #tpu.memory_space<vmem>> -> memref<1x64x64xi32, #tpu.memory_space<vmem>>
        %dma_wait3A_753 = tpu.memref_squeeze %dma_wait3A_752 : memref<1x64x64xi32, #tpu.memory_space<vmem>> -> memref<64x64xi32, #tpu.memory_space<vmem>>
        %dma_wait3A_754 = arith.constant 0 : i32
        %dma_wait3A_755 = tpu.memref_slice %arg8[%select_n3A_645, %dma_wait3A_754] : memref<4x64xi32, #tpu.memory_space<vmem>> -> memref<1x64xi32, #tpu.memory_space<vmem>>
        %dma_wait3A_756 = tpu.memref_squeeze %dma_wait3A_755 : memref<1x64xi32, #tpu.memory_space<vmem>> -> memref<64xi32, #tpu.memory_space<vmem>>
        %dma_wait3A_757 = arith.constant 0 : i32
        %dma_wait3A_758 = arith.constant 0 : i32
        %dma_wait3A_759 = tpu.memref_slice %arg15[%dma_wait3A_757, %dma_wait3A_758] : memref<10000x64xi32, #tpu.memory_space<vmem_shared>> -> memref<10000x64xi32, #tpu.memory_space<vmem_shared>>
        %dma_wait3A_760 = tpu.memref_slice %arg18[%select_n3A_645] : memref<4x!tpu.dma_semaphore, #tpu.memory_space<semaphore_mem>> -> memref<1x!tpu.dma_semaphore, #tpu.memory_space<semaphore_mem>>
        %dma_wait3A_761 = tpu.memref_squeeze %dma_wait3A_760 : memref<1x!tpu.dma_semaphore, #tpu.memory_space<semaphore_mem>> -> memref<!tpu.dma_semaphore, #tpu.memory_space<semaphore_mem>>
        tpu.wait_indirect_dma semaphore(%dma_wait3A_761 : memref<!tpu.dma_semaphore, #tpu.memory_space<semaphore_mem>>) src(%dma_wait3A_759 : memref<10000x64xi32, #tpu.memory_space<vmem_shared>>) dst(%dma_wait3A_753 : memref<64x64xi32, #tpu.memory_space<vmem>>)
      } else {
      }
      %not3A_685 = arith.constant true
      %not3A_686 = arith.xori %lt3A_663, %not3A_685 : i1
      %convert_element_type3A_687 = arith.extui %not3A_686 : i1 to i32
      %cond3A_688 = arith.constant 0 : i32
      %cond3A_689 = arith.cmpi ne, %convert_element_type3A_687, %cond3A_688 : i32
      scf.if %cond3A_689 {
        %dma_wait3A_750 = arith.constant 0 : i32
        %dma_wait3A_751 = arith.constant 0 : i32
        %dma_wait3A_752 = tpu.memref_slice %arg10[%select_n3A_645, %dma_wait3A_750, %dma_wait3A_751] : memref<4x64x64xi32, #tpu.memory_space<vmem>> -> memref<1x64x64xi32, #tpu.memory_space<vmem>>
        %dma_wait3A_753 = tpu.memref_squeeze %dma_wait3A_752 : memref<1x64x64xi32, #tpu.memory_space<vmem>> -> memref<64x64xi32, #tpu.memory_space<vmem>>
        %dma_wait3A_754 = arith.constant 0 : i32
        %dma_wait3A_755 = tpu.memref_slice %arg8[%select_n3A_645, %dma_wait3A_754] : memref<4x64xi32, #tpu.memory_space<vmem>> -> memref<1x64xi32, #tpu.memory_space<vmem>>
        %dma_wait3A_756 = tpu.memref_squeeze %dma_wait3A_755 : memref<1x64xi32, #tpu.memory_space<vmem>> -> memref<64xi32, #tpu.memory_space<vmem>>
        %dma_wait3A_757 = arith.constant 0 : i32
        %dma_wait3A_758 = arith.constant 0 : i32
        %dma_wait3A_759 = tpu.memref_slice %arg6[%arg0, %dma_wait3A_757, %dma_wait3A_758] : memref<2x10000x64xi32, #tpu.memory_space<hbm>> -> memref<1x10000x64xi32, #tpu.memory_space<hbm>>
        %dma_wait3A_760 = tpu.memref_squeeze %dma_wait3A_759 : memref<1x10000x64xi32, #tpu.memory_space<hbm>> -> memref<10000x64xi32, #tpu.memory_space<hbm>>
        %dma_wait3A_761 = arith.constant 0 : i32
        %dma_wait3A_762 = arith.constant 0 : i32
        %dma_wait3A_763 = tpu.memref_slice %dma_wait3A_760[%dma_wait3A_761, %dma_wait3A_762] : memref<10000x64xi32, #tpu.memory_space<hbm>> -> memref<10000x64xi32, #tpu.memory_space<hbm>>
        %dma_wait3A_764 = tpu.memref_slice %arg18[%select_n3A_645] : memref<4x!tpu.dma_semaphore, #tpu.memory_space<semaphore_mem>> -> memref<1x!tpu.dma_semaphore, #tpu.memory_space<semaphore_mem>>
        %dma_wait3A_765 = tpu.memref_squeeze %dma_wait3A_764 : memref<1x!tpu.dma_semaphore, #tpu.memory_space<semaphore_mem>> -> memref<!tpu.dma_semaphore, #tpu.memory_space<semaphore_mem>>
        tpu.wait_indirect_dma semaphore(%dma_wait3A_765 : memref<!tpu.dma_semaphore, #tpu.memory_space<semaphore_mem>>) src(%dma_wait3A_763 : memref<10000x64xi32, #tpu.memory_space<hbm>>) dst(%dma_wait3A_753 : memref<64x64xi32, #tpu.memory_space<vmem>>)
      } else {
      }
      %convert_element_type3A_690 = arith.extui %lt3A_681 : i1 to i32
      %cond3A_691 = arith.constant 0 : i32
      %cond3A_692 = arith.cmpi ne, %convert_element_type3A_690, %cond3A_691 : i32
      scf.if %cond3A_692 {
        %dma_wait3A_750 = arith.constant 0 : i32
        %dma_wait3A_751 = arith.constant 0 : i32
        %dma_wait3A_752 = tpu.memref_slice %arg11[%select_n3A_645, %dma_wait3A_750, %dma_wait3A_751] : memref<4x64x64xi32, #tpu.memory_space<vmem>> -> memref<1x64x64xi32, #tpu.memory_space<vmem>>
        %dma_wait3A_753 = tpu.memref_squeeze %dma_wait3A_752 : memref<1x64x64xi32, #tpu.memory_space<vmem>> -> memref<64x64xi32, #tpu.memory_space<vmem>>
        %dma_wait3A_754 = arith.constant 0 : i32
        %dma_wait3A_755 = tpu.memref_slice %arg9[%select_n3A_645, %dma_wait3A_754] : memref<4x64xi32, #tpu.memory_space<vmem>> -> memref<1x64xi32, #tpu.memory_space<vmem>>
        %dma_wait3A_756 = tpu.memref_squeeze %dma_wait3A_755 : memref<1x64xi32, #tpu.memory_space<vmem>> -> memref<64xi32, #tpu.memory_space<vmem>>
        %dma_wait3A_757 = arith.constant 0 : i32
        %dma_wait3A_758 = arith.constant 0 : i32
        %dma_wait3A_759 = tpu.memref_slice %arg16[%dma_wait3A_757, %dma_wait3A_758] : memref<10000x64xi32, #tpu.memory_space<vmem_shared>> -> memref<10000x64xi32, #tpu.memory_space<vmem_shared>>
        %dma_wait3A_760 = tpu.memref_slice %arg19[%select_n3A_645] : memref<4x!tpu.dma_semaphore, #tpu.memory_space<semaphore_mem>> -> memref<1x!tpu.dma_semaphore, #tpu.memory_space<semaphore_mem>>
        %dma_wait3A_761 = tpu.memref_squeeze %dma_wait3A_760 : memref<1x!tpu.dma_semaphore, #tpu.memory_space<semaphore_mem>> -> memref<!tpu.dma_semaphore, #tpu.memory_space<semaphore_mem>>
        tpu.wait_indirect_dma semaphore(%dma_wait3A_761 : memref<!tpu.dma_semaphore, #tpu.memory_space<semaphore_mem>>) src(%dma_wait3A_759 : memref<10000x64xi32, #tpu.memory_space<vmem_shared>>) dst(%dma_wait3A_753 : memref<64x64xi32, #tpu.memory_space<vmem>>)
      } else {
      }
      %not3A_693 = arith.constant true
      %not3A_694 = arith.xori %lt3A_681, %not3A_693 : i1
      %convert_element_type3A_695 = arith.extui %not3A_694 : i1 to i32
      %cond3A_696 = arith.constant 0 : i32
      %cond3A_697 = arith.cmpi ne, %convert_element_type3A_695, %cond3A_696 : i32
      scf.if %cond3A_697 {
        %dma_wait3A_750 = arith.constant 0 : i32
        %dma_wait3A_751 = arith.constant 0 : i32
        %dma_wait3A_752 = tpu.memref_slice %arg11[%select_n3A_645, %dma_wait3A_750, %dma_wait3A_751] : memref<4x64x64xi32, #tpu.memory_space<vmem>> -> memref<1x64x64xi32, #tpu.memory_space<vmem>>
        %dma_wait3A_753 = tpu.memref_squeeze %dma_wait3A_752 : memref<1x64x64xi32, #tpu.memory_space<vmem>> -> memref<64x64xi32, #tpu.memory_space<vmem>>
        %dma_wait3A_754 = arith.constant 0 : i32
        %dma_wait3A_755 = tpu.memref_slice %arg9[%select_n3A_645, %dma_wait3A_754] : memref<4x64xi32, #tpu.memory_space<vmem>> -> memref<1x64xi32, #tpu.memory_space<vmem>>
        %dma_wait3A_756 = tpu.memref_squeeze %dma_wait3A_755 : memref<1x64xi32, #tpu.memory_space<vmem>> -> memref<64xi32, #tpu.memory_space<vmem>>
        %dma_wait3A_757 = arith.constant 0 : i32
        %dma_wait3A_758 = arith.constant 0 : i32
        %dma_wait3A_759 = tpu.memref_slice %arg7[%arg0, %dma_wait3A_757, %dma_wait3A_758] : memref<2x10000x64xi32, #tpu.memory_space<hbm>> -> memref<1x10000x64xi32, #tpu.memory_space<hbm>>
        %dma_wait3A_760 = tpu.memref_squeeze %dma_wait3A_759 : memref<1x10000x64xi32, #tpu.memory_space<hbm>> -> memref<10000x64xi32, #tpu.memory_space<hbm>>
        %dma_wait3A_761 = arith.constant 0 : i32
        %dma_wait3A_762 = arith.constant 0 : i32
        %dma_wait3A_763 = tpu.memref_slice %dma_wait3A_760[%dma_wait3A_761, %dma_wait3A_762] : memref<10000x64xi32, #tpu.memory_space<hbm>> -> memref<10000x64xi32, #tpu.memory_space<hbm>>
        %dma_wait3A_764 = tpu.memref_slice %arg19[%select_n3A_645] : memref<4x!tpu.dma_semaphore, #tpu.memory_space<semaphore_mem>> -> memref<1x!tpu.dma_semaphore, #tpu.memory_space<semaphore_mem>>
        %dma_wait3A_765 = tpu.memref_squeeze %dma_wait3A_764 : memref<1x!tpu.dma_semaphore, #tpu.memory_space<semaphore_mem>> -> memref<!tpu.dma_semaphore, #tpu.memory_space<semaphore_mem>>
        tpu.wait_indirect_dma semaphore(%dma_wait3A_765 : memref<!tpu.dma_semaphore, #tpu.memory_space<semaphore_mem>>) src(%dma_wait3A_763 : memref<10000x64xi32, #tpu.memory_space<hbm>>) dst(%dma_wait3A_753 : memref<64x64xi32, #tpu.memory_space<vmem>>)
      } else {
      }
      %ge3A = arith.constant 4 : i32
      %ge3A_698 = arith.cmpi sge, %add3A_613, %ge3A : i32
      %convert_element_type3A_699 = arith.extui %ge3A_698 : i1 to i32
      %cond3A_700 = arith.constant 0 : i32
      %cond3A_701 = arith.cmpi ne, %convert_element_type3A_699, %cond3A_700 : i32
      scf.if %cond3A_701 {
        %sub3A_750 = arith.constant 4 : i32
        %sub3A_751 = arith.subi %add3A_613, %sub3A_750 : i32
        %jit3A_752 = arith.constant 4 : i32
        %eq3A_753 = arith.constant 0 : i32
        %eq3A_754 = arith.cmpi eq, %jit3A_752, %eq3A_753 : i32
        %jit3A_755 = arith.constant 1 : i32
        %select_n3A_756 = arith.select %eq3A_754, %jit3A_755, %jit3A_752 : i32
        %rem3A_757 = arith.remsi %sub3A_751, %select_n3A_756 : i32
        %ne3A_758 = arith.constant 0 : i32
        %ne3A_759 = arith.cmpi ne, %rem3A_757, %ne3A_758 : i32
        %lt3A_760 = arith.constant 0 : i32
        %lt3A_761 = arith.cmpi slt, %rem3A_757, %lt3A_760 : i32
        %lt3A_762 = arith.constant 0 : i32
        %lt3A_763 = arith.cmpi slt, %select_n3A_756, %lt3A_762 : i32
        %ne3A_764 = arith.xori %lt3A_761, %lt3A_763 : i1
        %and3A_765 = arith.andi %ne3A_764, %ne3A_759 : i1
        %add3A_766 = arith.addi %rem3A_757, %select_n3A_756 : i32
        %select_n3A_767 = arith.select %and3A_765, %add3A_766, %rem3A_757 : i32
        %add3A_768 = arith.addi %select_n3A_12, %sub3A_751 : i32
        %mul3A_769 = arith.constant 64 : i32
        %mul3A_770 = arith.muli %add3A_768, %mul3A_769 : i32
        %dma_wait3A_771 = arith.constant 0 : i32
        %dma_wait3A_772 = tpu.memref_slice %arg12[%select_n3A_767, %dma_wait3A_771] : memref<4x64xf32, #tpu.memory_space<vmem>> -> memref<1x64xf32, #tpu.memory_space<vmem>>
        %dma_wait3A_773 = tpu.memref_squeeze %dma_wait3A_772 : memref<1x64xf32, #tpu.memory_space<vmem>> -> memref<64xf32, #tpu.memory_space<vmem>>
        %dma_wait3A_774 = tpu.memref_slice %arg5[%mul3A_770] : memref<320000xf32, #tpu.memory_space<hbm>> -> memref<64xf32, #tpu.memory_space<hbm>>
        %dma_wait3A_775 = tpu.memref_slice %arg20[%select_n3A_767] : memref<4x!tpu.dma_semaphore, #tpu.memory_space<semaphore_mem>> -> memref<1x!tpu.dma_semaphore, #tpu.memory_space<semaphore_mem>>
        %dma_wait3A_776 = tpu.memref_squeeze %dma_wait3A_775 : memref<1x!tpu.dma_semaphore, #tpu.memory_space<semaphore_mem>> -> memref<!tpu.dma_semaphore, #tpu.memory_space<semaphore_mem>>
        %dma_wait3A_777 = tpu.memref_slice %arg5[%mul3A_770] : memref<320000xf32, #tpu.memory_space<hbm>> -> memref<64xf32, #tpu.memory_space<hbm>>
        %dma_wait3A_778 = arith.constant 0 : i32
        %dma_wait3A_779 = tpu.memref_slice %arg12[%select_n3A_767, %dma_wait3A_778] : memref<4x64xf32, #tpu.memory_space<vmem>> -> memref<1x64xf32, #tpu.memory_space<vmem>>
        %dma_wait3A_780 = tpu.memref_squeeze %dma_wait3A_779 : memref<1x64xf32, #tpu.memory_space<vmem>> -> memref<64xf32, #tpu.memory_space<vmem>>
        tpu.wait_dma2 semaphore(%dma_wait3A_776 : memref<!tpu.dma_semaphore, #tpu.memory_space<semaphore_mem>>) src(%dma_wait3A_780 : memref<64xf32, #tpu.memory_space<vmem>>) dst(%dma_wait3A_777 : memref<64xf32, #tpu.memory_space<hbm>>)
      } else {
      }
      %scan3A_702 = arith.constant 0 : i32
      %scan3A_703 = arith.constant 4 : i32
      %scan3A_704 = arith.addi %scan3A_702, %scan3A_703 : i32
      %scan3A_705 = arith.constant 1 : i32
      scf.for %scan3A_750 = %scan3A_702 to %scan3A_704 step %scan3A_705  : i32 {
        %mul3A_751 = arith.constant 1 : i32
        %mul3A_752 = arith.muli %scan3A_750, %mul3A_751 : i32
        %add3A_753 = arith.constant 0 : i32
        %add3A_754 = arith.addi %add3A_753, %mul3A_752 : i32
        %broadcast_in_dim3A = arith.constant 0.000000e+00 : f32
        %broadcast_in_dim3A_755 = vector.broadcast %broadcast_in_dim3A : f32 to vector<16xf32>
        %scan3A_756 = arith.constant 0 : i32
        %scan3A_757 = arith.constant 16 : i32
        %scan3A_758 = arith.addi %scan3A_756, %scan3A_757 : i32
        %scan3A_759 = arith.constant 1 : i32
        %scan3A_760 = scf.for %scan3A_768 = %scan3A_756 to %scan3A_758 step %scan3A_759 iter_args(%scan3A_769 = %broadcast_in_dim3A_755) -> (vector<16xf32>)  : i32 {
          %mul3A_770 = arith.constant 1 : i32
          %mul3A_771 = arith.muli %scan3A_768, %mul3A_770 : i32
          %add3A_772 = arith.constant 0 : i32
          %add3A_773 = arith.addi %add3A_772, %mul3A_771 : i32
          %mul3A_774 = arith.constant 16 : i32
          %mul3A_775 = arith.muli %add3A_754, %mul3A_774 : i32
          %add3A_776 = arith.addi %mul3A_775, %add3A_773 : i32
          %get3A = arith.index_cast %select_n3A_629 : i32 to index
          %get3A_777 = arith.index_cast %add3A_776 : i32 to index
          %get3A_778 = arith.constant 0 : index
          %get3A_779 = tpu.vector_load %arg10[%get3A, %get3A_777, %get3A_778] {strides = array<i32>} : memref<4x64x64xi32, #tpu.memory_space<vmem>>, vector<1x1x16xi32>,
          %get3A_780 = vector.shape_cast %get3A_779 : vector<1x1x16xi32> to vector<16xi32>
          %shift_left3A = arith.constant 16 : i32
          %shift_left3A_781 = vector.broadcast %shift_left3A : i32 to vector<16xi32>
          %shift_left3A_782 = arith.shli %get3A_780, %shift_left3A_781 : vector<16xi32>
          %bitcast_convert_type3A = tpu.bitcast %shift_left3A_782 : vector<16xi32> -> vector<16xf32>
          %and3A_783 = arith.constant -65536 : i32
          %and3A_784 = vector.broadcast %and3A_783 : i32 to vector<16xi32>
          %and3A_785 = arith.andi %get3A_780, %and3A_784 : vector<16xi32>
          %bitcast_convert_type3A_786 = tpu.bitcast %and3A_785 : vector<16xi32> -> vector<16xf32>
          %get3A_787 = arith.index_cast %select_n3A_629 : i32 to index
          %get3A_788 = arith.index_cast %add3A_776 : i32 to index
          %get3A_789 = arith.constant 0 : index
          %get3A_790 = tpu.vector_load %arg11[%get3A_787, %get3A_788, %get3A_789] {strides = array<i32>} : memref<4x64x64xi32, #tpu.memory_space<vmem>>, vector<1x1x16xi32>,
          %get3A_791 = vector.shape_cast %get3A_790 : vector<1x1x16xi32> to vector<16xi32>
          %shift_left3A_792 = arith.constant 16 : i32
          %shift_left3A_793 = vector.broadcast %shift_left3A_792 : i32 to vector<16xi32>
          %shift_left3A_794 = arith.shli %get3A_791, %shift_left3A_793 : vector<16xi32>
          %bitcast_convert_type3A_795 = tpu.bitcast %shift_left3A_794 : vector<16xi32> -> vector<16xf32>
          %and3A_796 = arith.constant -65536 : i32
          %and3A_797 = vector.broadcast %and3A_796 : i32 to vector<16xi32>
          %and3A_798 = arith.andi %get3A_791, %and3A_797 : vector<16xi32>
          %bitcast_convert_type3A_799 = tpu.bitcast %and3A_798 : vector<16xi32> -> vector<16xf32>
          %mul3A_800 = arith.mulf %bitcast_convert_type3A, %bitcast_convert_type3A_795 : vector<16xf32>
          %mul3A_801 = arith.mulf %bitcast_convert_type3A_786, %bitcast_convert_type3A_799 : vector<16xf32>
          %get3A_802 = arith.index_cast %select_n3A_629 : i32 to index
          %get3A_803 = arith.index_cast %add3A_776 : i32 to index
          %get3A_804 = arith.constant 16 : index
          %get3A_805 = tpu.vector_load %arg10[%get3A_802, %get3A_803, %get3A_804] {strides = array<i32>} : memref<4x64x64xi32, #tpu.memory_space<vmem>>, vector<1x1x16xi32>,
          %get3A_806 = vector.shape_cast %get3A_805 : vector<1x1x16xi32> to vector<16xi32>
          %shift_left3A_807 = arith.constant 16 : i32
          %shift_left3A_808 = vector.broadcast %shift_left3A_807 : i32 to vector<16xi32>
          %shift_left3A_809 = arith.shli %get3A_806, %shift_left3A_808 : vector<16xi32>
          %bitcast_convert_type3A_810 = tpu.bitcast %shift_left3A_809 : vector<16xi32> -> vector<16xf32>
          %and3A_811 = arith.constant -65536 : i32
          %and3A_812 = vector.broadcast %and3A_811 : i32 to vector<16xi32>
          %and3A_813 = arith.andi %get3A_806, %and3A_812 : vector<16xi32>
          %bitcast_convert_type3A_814 = tpu.bitcast %and3A_813 : vector<16xi32> -> vector<16xf32>
          %get3A_815 = arith.index_cast %select_n3A_629 : i32 to index
          %get3A_816 = arith.index_cast %add3A_776 : i32 to index
          %get3A_817 = arith.constant 16 : index
          %get3A_818 = tpu.vector_load %arg11[%get3A_815, %get3A_816, %get3A_817] {strides = array<i32>} : memref<4x64x64xi32, #tpu.memory_space<vmem>>, vector<1x1x16xi32>,
          %get3A_819 = vector.shape_cast %get3A_818 : vector<1x1x16xi32> to vector<16xi32>
          %shift_left3A_820 = arith.constant 16 : i32
          %shift_left3A_821 = vector.broadcast %shift_left3A_820 : i32 to vector<16xi32>
          %shift_left3A_822 = arith.shli %get3A_819, %shift_left3A_821 : vector<16xi32>
          %bitcast_convert_type3A_823 = tpu.bitcast %shift_left3A_822 : vector<16xi32> -> vector<16xf32>
          %and3A_824 = arith.constant -65536 : i32
          %and3A_825 = vector.broadcast %and3A_824 : i32 to vector<16xi32>
          %and3A_826 = arith.andi %get3A_819, %and3A_825 : vector<16xi32>
          %bitcast_convert_type3A_827 = tpu.bitcast %and3A_826 : vector<16xi32> -> vector<16xf32>
          %mul3A_828 = arith.mulf %bitcast_convert_type3A_810, %bitcast_convert_type3A_823 : vector<16xf32>
          %mul3A_829 = arith.mulf %bitcast_convert_type3A_814, %bitcast_convert_type3A_827 : vector<16xf32>
          %get3A_830 = arith.index_cast %select_n3A_629 : i32 to index
          %get3A_831 = arith.index_cast %add3A_776 : i32 to index
          %get3A_832 = arith.constant 32 : index
          %get3A_833 = tpu.vector_load %arg10[%get3A_830, %get3A_831, %get3A_832] {strides = array<i32>} : memref<4x64x64xi32, #tpu.memory_space<vmem>>, vector<1x1x16xi32>,
          %get3A_834 = vector.shape_cast %get3A_833 : vector<1x1x16xi32> to vector<16xi32>
          %shift_left3A_835 = arith.constant 16 : i32
          %shift_left3A_836 = vector.broadcast %shift_left3A_835 : i32 to vector<16xi32>
          %shift_left3A_837 = arith.shli %get3A_834, %shift_left3A_836 : vector<16xi32>
          %bitcast_convert_type3A_838 = tpu.bitcast %shift_left3A_837 : vector<16xi32> -> vector<16xf32>
          %and3A_839 = arith.constant -65536 : i32
          %and3A_840 = vector.broadcast %and3A_839 : i32 to vector<16xi32>
          %and3A_841 = arith.andi %get3A_834, %and3A_840 : vector<16xi32>
          %bitcast_convert_type3A_842 = tpu.bitcast %and3A_841 : vector<16xi32> -> vector<16xf32>
          %get3A_843 = arith.index_cast %select_n3A_629 : i32 to index
          %get3A_844 = arith.index_cast %add3A_776 : i32 to index
          %get3A_845 = arith.constant 32 : index
          %get3A_846 = tpu.vector_load %arg11[%get3A_843, %get3A_844, %get3A_845] {strides = array<i32>} : memref<4x64x64xi32, #tpu.memory_space<vmem>>, vector<1x1x16xi32>,
          %get3A_847 = vector.shape_cast %get3A_846 : vector<1x1x16xi32> to vector<16xi32>
          %shift_left3A_848 = arith.constant 16 : i32
          %shift_left3A_849 = vector.broadcast %shift_left3A_848 : i32 to vector<16xi32>
          %shift_left3A_850 = arith.shli %get3A_847, %shift_left3A_849 : vector<16xi32>
          %bitcast_convert_type3A_851 = tpu.bitcast %shift_left3A_850 : vector<16xi32> -> vector<16xf32>
          %and3A_852 = arith.constant -65536 : i32
          %and3A_853 = vector.broadcast %and3A_852 : i32 to vector<16xi32>
          %and3A_854 = arith.andi %get3A_847, %and3A_853 : vector<16xi32>
          %bitcast_convert_type3A_855 = tpu.bitcast %and3A_854 : vector<16xi32> -> vector<16xf32>
          %mul3A_856 = arith.mulf %bitcast_convert_type3A_838, %bitcast_convert_type3A_851 : vector<16xf32>
          %mul3A_857 = arith.mulf %bitcast_convert_type3A_842, %bitcast_convert_type3A_855 : vector<16xf32>
          %get3A_858 = arith.index_cast %select_n3A_629 : i32 to index
          %get3A_859 = arith.index_cast %add3A_776 : i32 to index
          %get3A_860 = arith.constant 48 : index
          %get3A_861 = tpu.vector_load %arg10[%get3A_858, %get3A_859, %get3A_860] {strides = array<i32>} : memref<4x64x64xi32, #tpu.memory_space<vmem>>, vector<1x1x16xi32>,
          %get3A_862 = vector.shape_cast %get3A_861 : vector<1x1x16xi32> to vector<16xi32>
          %shift_left3A_863 = arith.constant 16 : i32
          %shift_left3A_864 = vector.broadcast %shift_left3A_863 : i32 to vector<16xi32>
          %shift_left3A_865 = arith.shli %get3A_862, %shift_left3A_864 : vector<16xi32>
          %bitcast_convert_type3A_866 = tpu.bitcast %shift_left3A_865 : vector<16xi32> -> vector<16xf32>
          %and3A_867 = arith.constant -65536 : i32
          %and3A_868 = vector.broadcast %and3A_867 : i32 to vector<16xi32>
          %and3A_869 = arith.andi %get3A_862, %and3A_868 : vector<16xi32>
          %bitcast_convert_type3A_870 = tpu.bitcast %and3A_869 : vector<16xi32> -> vector<16xf32>
          %get3A_871 = arith.index_cast %select_n3A_629 : i32 to index
          %get3A_872 = arith.index_cast %add3A_776 : i32 to index
          %get3A_873 = arith.constant 48 : index
          %get3A_874 = tpu.vector_load %arg11[%get3A_871, %get3A_872, %get3A_873] {strides = array<i32>} : memref<4x64x64xi32, #tpu.memory_space<vmem>>, vector<1x1x16xi32>,
          %get3A_875 = vector.shape_cast %get3A_874 : vector<1x1x16xi32> to vector<16xi32>
          %shift_left3A_876 = arith.constant 16 : i32
          %shift_left3A_877 = vector.broadcast %shift_left3A_876 : i32 to vector<16xi32>
          %shift_left3A_878 = arith.shli %get3A_875, %shift_left3A_877 : vector<16xi32>
          %bitcast_convert_type3A_879 = tpu.bitcast %shift_left3A_878 : vector<16xi32> -> vector<16xf32>
          %and3A_880 = arith.constant -65536 : i32
          %and3A_881 = vector.broadcast %and3A_880 : i32 to vector<16xi32>
          %and3A_882 = arith.andi %get3A_875, %and3A_881 : vector<16xi32>
          %bitcast_convert_type3A_883 = tpu.bitcast %and3A_882 : vector<16xi32> -> vector<16xf32>
          %mul3A_884 = arith.mulf %bitcast_convert_type3A_866, %bitcast_convert_type3A_879 : vector<16xf32>
          %mul3A_885 = arith.mulf %bitcast_convert_type3A_870, %bitcast_convert_type3A_883 : vector<16xf32>
          %add3A_886 = arith.addf %mul3A_800, %mul3A_801 : vector<16xf32>
          %add3A_887 = arith.addf %mul3A_828, %mul3A_829 : vector<16xf32>
          %add3A_888 = arith.addf %add3A_886, %add3A_887 : vector<16xf32>
          %add3A_889 = arith.addf %mul3A_856, %mul3A_857 : vector<16xf32>
          %add3A_890 = arith.addf %mul3A_884, %mul3A_885 : vector<16xf32>
          %add3A_891 = arith.addf %add3A_889, %add3A_890 : vector<16xf32>
          %add3A_892 = arith.addf %add3A_888, %add3A_891 : vector<16xf32>
          %broadcast_in_dim3A_893 = vector.shape_cast %and3A_38 : vector<16xi32> to vector<16x1xi32>
          %gather3A = vector.shape_cast %broadcast_in_dim3A_893 : vector<16x1xi32> to vector<16xi32>
          %gather3A_894 = tpu.dynamic_gather %add3A_892[%gather3A] in [0] : vector<16xf32>, vector<16xi32> -> vector<16xf32>
          %add3A_895 = arith.addf %add3A_892, %gather3A_894 : vector<16xf32>
          %broadcast_in_dim3A_896 = vector.shape_cast %and3A_44 : vector<16xi32> to vector<16x1xi32>
          %gather3A_897 = vector.shape_cast %broadcast_in_dim3A_896 : vector<16x1xi32> to vector<16xi32>
          %gather3A_898 = tpu.dynamic_gather %add3A_895[%gather3A_897] in [0] : vector<16xf32>, vector<16xi32> -> vector<16xf32>
          %add3A_899 = arith.addf %add3A_895, %gather3A_898 : vector<16xf32>
          %broadcast_in_dim3A_900 = vector.shape_cast %and3A_50 : vector<16xi32> to vector<16x1xi32>
          %gather3A_901 = vector.shape_cast %broadcast_in_dim3A_900 : vector<16x1xi32> to vector<16xi32>
          %gather3A_902 = tpu.dynamic_gather %add3A_899[%gather3A_901] in [0] : vector<16xf32>, vector<16xi32> -> vector<16xf32>
          %add3A_903 = arith.addf %add3A_899, %gather3A_902 : vector<16xf32>
          %broadcast_in_dim3A_904 = vector.shape_cast %and3A_56 : vector<16xi32> to vector<16x1xi32>
          %gather3A_905 = vector.shape_cast %broadcast_in_dim3A_904 : vector<16x1xi32> to vector<16xi32>
          %gather3A_906 = tpu.dynamic_gather %add3A_903[%gather3A_905] in [0] : vector<16xf32>, vector<16xi32> -> vector<16xf32>
          %add3A_907 = arith.addf %add3A_903, %gather3A_906 : vector<16xf32>
          %eq3A_908 = vector.broadcast %add3A_773 : i32 to vector<16xi32>
          %eq3A_909 = arith.cmpi eq, %iota3A, %eq3A_908 : vector<16xi32>
          %select_n3A_910 = arith.select %eq3A_909, %add3A_907, %scan3A_769 : vector<16xi1>, vector<16xf32>
          scf.yield %select_n3A_910 : vector<16xf32>
        }
        %scan3A_761 = arith.constant 16 : i32
        %mul3A_762 = arith.constant 16 : i32
        %mul3A_763 = arith.muli %add3A_754, %mul3A_762 : i32
        %swap3A = arith.index_cast %select_n3A_629 : i32 to index
        %swap3A_764 = arith.index_cast %mul3A_763 : i32 to index
        %swap3A_765 = tpu.vector_load %arg12[%swap3A, %swap3A_764] {strides = array<i32>} : memref<4x64xf32, #tpu.memory_space<vmem>>, vector<1x16xf32>,
        %swap3A_766 = vector.shape_cast %swap3A_765 : vector<1x16xf32> to vector<16xf32>
        %swap3A_767 = vector.shape_cast %scan3A_760 : vector<16xf32> to vector<1x16xf32>
        tpu.vector_store %arg12[%swap3A, %swap3A_764], %swap3A_767 {strides = array<i32>} : memref<4x64xf32, #tpu.memory_space<vmem>>, vector<1x16xf32>,
      }
      %scan3A_706 = arith.constant 4 : i32
      %jit3A_707 = arith.constant 4 : i32
      %eq3A_708 = arith.constant 0 : i32
      %eq3A_709 = arith.cmpi eq, %jit3A_707, %eq3A_708 : i32
      %jit3A_710 = arith.constant 1 : i32
      %select_n3A_711 = arith.select %eq3A_709, %jit3A_710, %jit3A_707 : i32
      %rem3A_712 = arith.remsi %add3A_613, %select_n3A_711 : i32
      %ne3A_713 = arith.constant 0 : i32
      %ne3A_714 = arith.cmpi ne, %rem3A_712, %ne3A_713 : i32
      %lt3A_715 = arith.constant 0 : i32
      %lt3A_716 = arith.cmpi slt, %rem3A_712, %lt3A_715 : i32
      %lt3A_717 = arith.constant 0 : i32
      %lt3A_718 = arith.cmpi slt, %select_n3A_711, %lt3A_717 : i32
      %ne3A_719 = arith.xori %lt3A_716, %lt3A_718 : i1
      %and3A_720 = arith.andi %ne3A_719, %ne3A_714 : i1
      %add3A_721 = arith.addi %rem3A_712, %select_n3A_711 : i32
      %select_n3A_722 = arith.select %and3A_720, %add3A_721, %rem3A_712 : i32
      %add3A_723 = arith.addi %select_n3A_12, %add3A_613 : i32
      %mul3A_724 = arith.constant 64 : i32
      %mul3A_725 = arith.muli %add3A_723, %mul3A_724 : i32
      %dma_start3A_726 = arith.constant 0 : i32
      %dma_start3A_727 = tpu.memref_slice %arg12[%select_n3A_722, %dma_start3A_726] : memref<4x64xf32, #tpu.memory_space<vmem>> -> memref<1x64xf32, #tpu.memory_space<vmem>>
      %dma_start3A_728 = tpu.memref_squeeze %dma_start3A_727 : memref<1x64xf32, #tpu.memory_space<vmem>> -> memref<64xf32, #tpu.memory_space<vmem>>
      %dma_start3A_729 = tpu.memref_slice %arg5[%mul3A_725] : memref<320000xf32, #tpu.memory_space<hbm>> -> memref<64xf32, #tpu.memory_space<hbm>>
      %dma_start3A_730 = tpu.memref_slice %arg20[%select_n3A_722] : memref<4x!tpu.dma_semaphore, #tpu.memory_space<semaphore_mem>> -> memref<1x!tpu.dma_semaphore, #tpu.memory_space<semaphore_mem>>
      %dma_start3A_731 = tpu.memref_squeeze %dma_start3A_730 : memref<1x!tpu.dma_semaphore, #tpu.memory_space<semaphore_mem>> -> memref<!tpu.dma_semaphore, #tpu.memory_space<semaphore_mem>>
      %dma_start3A_732 = tpu.memref_slice %arg5[%mul3A_725] : memref<320000xf32, #tpu.memory_space<hbm>> -> memref<64xf32, #tpu.memory_space<hbm>>
      %dma_start3A_733 = arith.constant 0 : i32
      %dma_start3A_734 = tpu.memref_slice %arg12[%select_n3A_722, %dma_start3A_733] : memref<4x64xf32, #tpu.memory_space<vmem>> -> memref<1x64xf32, #tpu.memory_space<vmem>>
      %dma_start3A_735 = tpu.memref_squeeze %dma_start3A_734 : memref<1x64xf32, #tpu.memory_space<vmem>> -> memref<64xf32, #tpu.memory_space<vmem>>
      tpu.enqueue_dma source(%dma_start3A_735 : memref<64xf32, #tpu.memory_space<vmem>>) target(%dma_start3A_732 : memref<64xf32, #tpu.memory_space<hbm>>) target_semaphore(%dma_start3A_731 : memref<!tpu.dma_semaphore, #tpu.memory_space<semaphore_mem>>)
      %add3A_736 = arith.constant 4 : i32
      %add3A_737 = arith.addi %add3A_613, %add3A_736 : i32
      %lt3A_738 = arith.cmpi slt, %add3A_737, %select_n3A : i32
      %convert_element_type3A_739 = arith.extui %lt3A_738 : i1 to i32
      %cond3A_740 = arith.constant 0 : i32
      %cond3A_741 = arith.cmpi ne, %convert_element_type3A_739, %cond3A_740 : i32
      scf.if %cond3A_741 {
        %add3A_750 = arith.constant 4 : i32
        %add3A_751 = arith.addi %add3A_613, %add3A_750 : i32
        %jit3A_752 = arith.constant 4 : i32
        %eq3A_753 = arith.constant 0 : i32
        %eq3A_754 = arith.cmpi eq, %jit3A_752, %eq3A_753 : i32
        %jit3A_755 = arith.constant 1 : i32
        %select_n3A_756 = arith.select %eq3A_754, %jit3A_755, %jit3A_752 : i32
        %rem3A_757 = arith.remsi %add3A_751, %select_n3A_756 : i32
        %ne3A_758 = arith.constant 0 : i32
        %ne3A_759 = arith.cmpi ne, %rem3A_757, %ne3A_758 : i32
        %lt3A_760 = arith.constant 0 : i32
        %lt3A_761 = arith.cmpi slt, %rem3A_757, %lt3A_760 : i32
        %lt3A_762 = arith.constant 0 : i32
        %lt3A_763 = arith.cmpi slt, %select_n3A_756, %lt3A_762 : i32
        %ne3A_764 = arith.xori %lt3A_761, %lt3A_763 : i1
        %and3A_765 = arith.andi %ne3A_764, %ne3A_759 : i1
        %add3A_766 = arith.addi %rem3A_757, %select_n3A_756 : i32
        %select_n3A_767 = arith.select %and3A_765, %add3A_766, %rem3A_757 : i32
        %add3A_768 = arith.addi %select_n3A_12, %add3A_751 : i32
        %mul3A_769 = arith.constant 64 : i32
        %mul3A_770 = arith.muli %add3A_768, %mul3A_769 : i32
        %dma_start3A_771 = arith.constant 0 : i32
        %dma_start3A_772 = arith.constant 0 : i32
        %dma_start3A_773 = tpu.memref_slice %arg8[%select_n3A_767, %dma_start3A_772] : memref<4x64xi32, #tpu.memory_space<vmem>> -> memref<1x64xi32, #tpu.memory_space<vmem>>
        %dma_start3A_774 = tpu.memref_squeeze %dma_start3A_773 : memref<1x64xi32, #tpu.memory_space<vmem>> -> memref<64xi32, #tpu.memory_space<vmem>>
        %dma_start3A_775 = tpu.memref_slice %arg4[%dma_start3A_771, %mul3A_770] : memref<2x320000xi32, #tpu.memory_space<hbm>> -> memref<1x64xi32, #tpu.memory_space<hbm>>
        %dma_start3A_776 = tpu.memref_squeeze %dma_start3A_775 : memref<1x64xi32, #tpu.memory_space<hbm>> -> memref<64xi32, #tpu.memory_space<hbm>>
        %dma_start3A_777 = tpu.memref_slice %arg17[%select_n3A_767] : memref<4x!tpu.dma_semaphore, #tpu.memory_space<semaphore_mem>> -> memref<1x!tpu.dma_semaphore, #tpu.memory_space<semaphore_mem>>
        %dma_start3A_778 = tpu.memref_squeeze %dma_start3A_777 : memref<1x!tpu.dma_semaphore, #tpu.memory_space<semaphore_mem>> -> memref<!tpu.dma_semaphore, #tpu.memory_space<semaphore_mem>>
        %dma_start3A_779 = arith.constant 0 : i32
        %dma_start3A_780 = tpu.memref_slice %arg8[%select_n3A_767, %dma_start3A_779] : memref<4x64xi32, #tpu.memory_space<vmem>> -> memref<1x64xi32, #tpu.memory_space<vmem>>
        %dma_start3A_781 = tpu.memref_squeeze %dma_start3A_780 : memref<1x64xi32, #tpu.memory_space<vmem>> -> memref<64xi32, #tpu.memory_space<vmem>>
        %dma_start3A_782 = tpu.memref_slice %arg4[%dma_start3A_771, %mul3A_770] : memref<2x320000xi32, #tpu.memory_space<hbm>> -> memref<1x64xi32, #tpu.memory_space<hbm>>
        %dma_start3A_783 = tpu.memref_squeeze %dma_start3A_782 : memref<1x64xi32, #tpu.memory_space<hbm>> -> memref<64xi32, #tpu.memory_space<hbm>>
        tpu.enqueue_dma source(%dma_start3A_783 : memref<64xi32, #tpu.memory_space<hbm>>) target(%dma_start3A_781 : memref<64xi32, #tpu.memory_space<vmem>>) target_semaphore(%dma_start3A_778 : memref<!tpu.dma_semaphore, #tpu.memory_space<semaphore_mem>>)
        %dma_start3A_784 = arith.constant 1 : i32
        %dma_start3A_785 = arith.constant 0 : i32
        %dma_start3A_786 = tpu.memref_slice %arg9[%select_n3A_767, %dma_start3A_785] : memref<4x64xi32, #tpu.memory_space<vmem>> -> memref<1x64xi32, #tpu.memory_space<vmem>>
        %dma_start3A_787 = tpu.memref_squeeze %dma_start3A_786 : memref<1x64xi32, #tpu.memory_space<vmem>> -> memref<64xi32, #tpu.memory_space<vmem>>
        %dma_start3A_788 = tpu.memref_slice %arg4[%dma_start3A_784, %mul3A_770] : memref<2x320000xi32, #tpu.memory_space<hbm>> -> memref<1x64xi32, #tpu.memory_space<hbm>>
        %dma_start3A_789 = tpu.memref_squeeze %dma_start3A_788 : memref<1x64xi32, #tpu.memory_space<hbm>> -> memref<64xi32, #tpu.memory_space<hbm>>
        %dma_start3A_790 = tpu.memref_slice %arg17[%select_n3A_767] : memref<4x!tpu.dma_semaphore, #tpu.memory_space<semaphore_mem>> -> memref<1x!tpu.dma_semaphore, #tpu.memory_space<semaphore_mem>>
        %dma_start3A_791 = tpu.memref_squeeze %dma_start3A_790 : memref<1x!tpu.dma_semaphore, #tpu.memory_space<semaphore_mem>> -> memref<!tpu.dma_semaphore, #tpu.memory_space<semaphore_mem>>
        %dma_start3A_792 = arith.constant 0 : i32
        %dma_start3A_793 = tpu.memref_slice %arg9[%select_n3A_767, %dma_start3A_792] : memref<4x64xi32, #tpu.memory_space<vmem>> -> memref<1x64xi32, #tpu.memory_space<vmem>>
        %dma_start3A_794 = tpu.memref_squeeze %dma_start3A_793 : memref<1x64xi32, #tpu.memory_space<vmem>> -> memref<64xi32, #tpu.memory_space<vmem>>
        %dma_start3A_795 = tpu.memref_slice %arg4[%dma_start3A_784, %mul3A_770] : memref<2x320000xi32, #tpu.memory_space<hbm>> -> memref<1x64xi32, #tpu.memory_space<hbm>>
        %dma_start3A_796 = tpu.memref_squeeze %dma_start3A_795 : memref<1x64xi32, #tpu.memory_space<hbm>> -> memref<64xi32, #tpu.memory_space<hbm>>
        tpu.enqueue_dma source(%dma_start3A_796 : memref<64xi32, #tpu.memory_space<hbm>>) target(%dma_start3A_794 : memref<64xi32, #tpu.memory_space<vmem>>) target_semaphore(%dma_start3A_791 : memref<!tpu.dma_semaphore, #tpu.memory_space<semaphore_mem>>)
      } else {
      }
      %add3A_742 = arith.constant 4 : i32
      %add3A_743 = arith.addi %add3A_613, %add3A_742 : i32
      %sub3A_744 = arith.constant 1 : i32
      %sub3A_745 = arith.subi %add3A_743, %sub3A_744 : i32
      %lt3A_746 = arith.cmpi slt, %sub3A_745, %select_n3A : i32
      %convert_element_type3A_747 = arith.extui %lt3A_746 : i1 to i32
      %cond3A_748 = arith.constant 0 : i32
      %cond3A_749 = arith.cmpi ne, %convert_element_type3A_747, %cond3A_748 : i32
      scf.if %cond3A_749 {
        %add3A_750 = arith.constant 4 : i32
        %add3A_751 = arith.addi %add3A_613, %add3A_750 : i32
        %sub3A_752 = arith.constant 1 : i32
        %sub3A_753 = arith.subi %add3A_751, %sub3A_752 : i32
        %jit3A_754 = arith.constant 4 : i32
        %eq3A_755 = arith.constant 0 : i32
        %eq3A_756 = arith.cmpi eq, %jit3A_754, %eq3A_755 : i32
        %jit3A_757 = arith.constant 1 : i32
        %select_n3A_758 = arith.select %eq3A_756, %jit3A_757, %jit3A_754 : i32
        %rem3A_759 = arith.remsi %sub3A_753, %select_n3A_758 : i32
        %ne3A_760 = arith.constant 0 : i32
        %ne3A_761 = arith.cmpi ne, %rem3A_759, %ne3A_760 : i32
        %lt3A_762 = arith.constant 0 : i32
        %lt3A_763 = arith.cmpi slt, %rem3A_759, %lt3A_762 : i32
        %lt3A_764 = arith.constant 0 : i32
        %lt3A_765 = arith.cmpi slt, %select_n3A_758, %lt3A_764 : i32
        %ne3A_766 = arith.xori %lt3A_763, %lt3A_765 : i1
        %and3A_767 = arith.andi %ne3A_766, %ne3A_761 : i1
        %add3A_768 = arith.addi %rem3A_759, %select_n3A_758 : i32
        %select_n3A_769 = arith.select %and3A_767, %add3A_768, %rem3A_759 : i32
        %add3A_770 = arith.addi %select_n3A_12, %sub3A_753 : i32
        %mul3A_771 = arith.constant 64 : i32
        %mul3A_772 = arith.muli %add3A_770, %mul3A_771 : i32
        %dma_wait3A_773 = arith.constant 0 : i32
        %dma_wait3A_774 = arith.constant 0 : i32
        %dma_wait3A_775 = tpu.memref_slice %arg8[%select_n3A_769, %dma_wait3A_774] : memref<4x64xi32, #tpu.memory_space<vmem>> -> memref<1x64xi32, #tpu.memory_space<vmem>>
        %dma_wait3A_776 = tpu.memref_squeeze %dma_wait3A_775 : memref<1x64xi32, #tpu.memory_space<vmem>> -> memref<64xi32, #tpu.memory_space<vmem>>
        %dma_wait3A_777 = tpu.memref_slice %arg4[%dma_wait3A_773, %mul3A_772] : memref<2x320000xi32, #tpu.memory_space<hbm>> -> memref<1x64xi32, #tpu.memory_space<hbm>>
        %dma_wait3A_778 = tpu.memref_squeeze %dma_wait3A_777 : memref<1x64xi32, #tpu.memory_space<hbm>> -> memref<64xi32, #tpu.memory_space<hbm>>
        %dma_wait3A_779 = tpu.memref_slice %arg17[%select_n3A_769] : memref<4x!tpu.dma_semaphore, #tpu.memory_space<semaphore_mem>> -> memref<1x!tpu.dma_semaphore, #tpu.memory_space<semaphore_mem>>
        %dma_wait3A_780 = tpu.memref_squeeze %dma_wait3A_779 : memref<1x!tpu.dma_semaphore, #tpu.memory_space<semaphore_mem>> -> memref<!tpu.dma_semaphore, #tpu.memory_space<semaphore_mem>>
        %dma_wait3A_781 = arith.constant 0 : i32
        %dma_wait3A_782 = tpu.memref_slice %arg8[%select_n3A_769, %dma_wait3A_781] : memref<4x64xi32, #tpu.memory_space<vmem>> -> memref<1x64xi32, #tpu.memory_space<vmem>>
        %dma_wait3A_783 = tpu.memref_squeeze %dma_wait3A_782 : memref<1x64xi32, #tpu.memory_space<vmem>> -> memref<64xi32, #tpu.memory_space<vmem>>
        %dma_wait3A_784 = tpu.memref_slice %arg4[%dma_wait3A_773, %mul3A_772] : memref<2x320000xi32, #tpu.memory_space<hbm>> -> memref<1x64xi32, #tpu.memory_space<hbm>>
        %dma_wait3A_785 = tpu.memref_squeeze %dma_wait3A_784 : memref<1x64xi32, #tpu.memory_space<hbm>> -> memref<64xi32, #tpu.memory_space<hbm>>
        tpu.wait_dma2 semaphore(%dma_wait3A_780 : memref<!tpu.dma_semaphore, #tpu.memory_space<semaphore_mem>>) src(%dma_wait3A_785 : memref<64xi32, #tpu.memory_space<hbm>>) dst(%dma_wait3A_783 : memref<64xi32, #tpu.memory_space<vmem>>)
        %add3A_786 = arith.addi %select_n3A_12, %sub3A_753 : i32
        %mul3A_787 = arith.constant 64 : i32
        %mul3A_788 = arith.muli %add3A_786, %mul3A_787 : i32
        %dma_wait3A_789 = arith.constant 1 : i32
        %dma_wait3A_790 = arith.constant 0 : i32
        %dma_wait3A_791 = tpu.memref_slice %arg9[%select_n3A_769, %dma_wait3A_790] : memref<4x64xi32, #tpu.memory_space<vmem>> -> memref<1x64xi32, #tpu.memory_space<vmem>>
        %dma_wait3A_792 = tpu.memref_squeeze %dma_wait3A_791 : memref<1x64xi32, #tpu.memory_space<vmem>> -> memref<64xi32, #tpu.memory_space<vmem>>
        %dma_wait3A_793 = tpu.memref_slice %arg4[%dma_wait3A_789, %mul3A_788] : memref<2x320000xi32, #tpu.memory_space<hbm>> -> memref<1x64xi32, #tpu.memory_space<hbm>>
        %dma_wait3A_794 = tpu.memref_squeeze %dma_wait3A_793 : memref<1x64xi32, #tpu.memory_space<hbm>> -> memref<64xi32, #tpu.memory_space<hbm>>
        %dma_wait3A_795 = tpu.memref_slice %arg17[%select_n3A_769] : memref<4x!tpu.dma_semaphore, #tpu.memory_space<semaphore_mem>> -> memref<1x!tpu.dma_semaphore, #tpu.memory_space<semaphore_mem>>
        %dma_wait3A_796 = tpu.memref_squeeze %dma_wait3A_795 : memref<1x!tpu.dma_semaphore, #tpu.memory_space<semaphore_mem>> -> memref<!tpu.dma_semaphore, #tpu.memory_space<semaphore_mem>>
        %dma_wait3A_797 = arith.constant 0 : i32
        %dma_wait3A_798 = tpu.memref_slice %arg9[%select_n3A_769, %dma_wait3A_797] : memref<4x64xi32, #tpu.memory_space<vmem>> -> memref<1x64xi32, #tpu.memory_space<vmem>>
        %dma_wait3A_799 = tpu.memref_squeeze %dma_wait3A_798 : memref<1x64xi32, #tpu.memory_space<vmem>> -> memref<64xi32, #tpu.memory_space<vmem>>
        %dma_wait3A_800 = tpu.memref_slice %arg4[%dma_wait3A_789, %mul3A_788] : memref<2x320000xi32, #tpu.memory_space<hbm>> -> memref<1x64xi32, #tpu.memory_space<hbm>>
        %dma_wait3A_801 = tpu.memref_squeeze %dma_wait3A_800 : memref<1x64xi32, #tpu.memory_space<hbm>> -> memref<64xi32, #tpu.memory_space<hbm>>
        tpu.wait_dma2 semaphore(%dma_wait3A_796 : memref<!tpu.dma_semaphore, #tpu.memory_space<semaphore_mem>>) src(%dma_wait3A_801 : memref<64xi32, #tpu.memory_space<hbm>>) dst(%dma_wait3A_799 : memref<64xi32, #tpu.memory_space<vmem>>)
        %add3A_802 = arith.constant 4 : i32
        %add3A_803 = arith.addi %add3A_613, %add3A_802 : i32
        %sub3A_804 = arith.constant 1 : i32
        %sub3A_805 = arith.subi %add3A_803, %sub3A_804 : i32
        %jit3A_806 = arith.constant 4 : i32
        %eq3A_807 = arith.constant 0 : i32
        %eq3A_808 = arith.cmpi eq, %jit3A_806, %eq3A_807 : i32
        %jit3A_809 = arith.constant 1 : i32
        %select_n3A_810 = arith.select %eq3A_808, %jit3A_809, %jit3A_806 : i32
        %rem3A_811 = arith.remsi %sub3A_805, %select_n3A_810 : i32
        %ne3A_812 = arith.constant 0 : i32
        %ne3A_813 = arith.cmpi ne, %rem3A_811, %ne3A_812 : i32
        %lt3A_814 = arith.constant 0 : i32
        %lt3A_815 = arith.cmpi slt, %rem3A_811, %lt3A_814 : i32
        %lt3A_816 = arith.constant 0 : i32
        %lt3A_817 = arith.cmpi slt, %select_n3A_810, %lt3A_816 : i32
        %ne3A_818 = arith.xori %lt3A_815, %lt3A_817 : i1
        %and3A_819 = arith.andi %ne3A_818, %ne3A_813 : i1
        %add3A_820 = arith.addi %rem3A_811, %select_n3A_810 : i32
        %select_n3A_821 = arith.select %and3A_819, %add3A_820, %rem3A_811 : i32
        %mul3A_822 = arith.muli %sub3A_805, %select_n3A_17 : i32
        %jit3A_823 = arith.constant 8 : i32
        %eq3A_824 = arith.constant 0 : i32
        %eq3A_825 = arith.cmpi eq, %jit3A_823, %eq3A_824 : i32
        %jit3A_826 = arith.constant 1 : i32
        %select_n3A_827 = arith.select %eq3A_825, %jit3A_826, %jit3A_823 : i32
        %rem3A_828 = arith.remsi %mul3A_822, %select_n3A_827 : i32
        %ne3A_829 = arith.constant 0 : i32
        %ne3A_830 = arith.cmpi ne, %rem3A_828, %ne3A_829 : i32
        %lt3A_831 = arith.constant 0 : i32
        %lt3A_832 = arith.cmpi slt, %rem3A_828, %lt3A_831 : i32
        %lt3A_833 = arith.constant 0 : i32
        %lt3A_834 = arith.cmpi slt, %select_n3A_827, %lt3A_833 : i32
        %ne3A_835 = arith.xori %lt3A_832, %lt3A_834 : i1
        %and3A_836 = arith.andi %ne3A_835, %ne3A_830 : i1
        %add3A_837 = arith.addi %rem3A_828, %select_n3A_827 : i32
        %select_n3A_838 = arith.select %and3A_836, %add3A_837, %rem3A_828 : i32
        %lt3A_839 = arith.cmpi slt, %select_n3A_838, %select_n3A_17 : i32
        %mul3A_840 = arith.muli %sub3A_805, %select_n3A_22 : i32
        %jit3A_841 = arith.constant 8 : i32
        %eq3A_842 = arith.constant 0 : i32
        %eq3A_843 = arith.cmpi eq, %jit3A_841, %eq3A_842 : i32
        %jit3A_844 = arith.constant 1 : i32
        %select_n3A_845 = arith.select %eq3A_843, %jit3A_844, %jit3A_841 : i32
        %rem3A_846 = arith.remsi %mul3A_840, %select_n3A_845 : i32
        %ne3A_847 = arith.constant 0 : i32
        %ne3A_848 = arith.cmpi ne, %rem3A_846, %ne3A_847 : i32
        %lt3A_849 = arith.constant 0 : i32
        %lt3A_850 = arith.cmpi slt, %rem3A_846, %lt3A_849 : i32
        %lt3A_851 = arith.constant 0 : i32
        %lt3A_852 = arith.cmpi slt, %select_n3A_845, %lt3A_851 : i32
        %ne3A_853 = arith.xori %lt3A_850, %lt3A_852 : i1
        %and3A_854 = arith.andi %ne3A_853, %ne3A_848 : i1
        %add3A_855 = arith.addi %rem3A_846, %select_n3A_845 : i32
        %select_n3A_856 = arith.select %and3A_854, %add3A_855, %rem3A_846 : i32
        %lt3A_857 = arith.cmpi slt, %select_n3A_856, %select_n3A_22 : i32
        %convert_element_type3A_858 = arith.extui %lt3A_839 : i1 to i32
        %cond3A_859 = arith.constant 0 : i32
        %cond3A_860 = arith.cmpi ne, %convert_element_type3A_858, %cond3A_859 : i32
        scf.if %cond3A_860 {
          %dma_start3A_874 = arith.constant 0 : i32
          %dma_start3A_875 = arith.constant 0 : i32
          %dma_start3A_876 = tpu.memref_slice %arg10[%select_n3A_821, %dma_start3A_874, %dma_start3A_875] : memref<4x64x64xi32, #tpu.memory_space<vmem>> -> memref<1x64x64xi32, #tpu.memory_space<vmem>>
          %dma_start3A_877 = tpu.memref_squeeze %dma_start3A_876 : memref<1x64x64xi32, #tpu.memory_space<vmem>> -> memref<64x64xi32, #tpu.memory_space<vmem>>
          %dma_start3A_878 = arith.constant 0 : i32
          %dma_start3A_879 = tpu.memref_slice %arg8[%select_n3A_821, %dma_start3A_878] : memref<4x64xi32, #tpu.memory_space<vmem>> -> memref<1x64xi32, #tpu.memory_space<vmem>>
          %dma_start3A_880 = tpu.memref_squeeze %dma_start3A_879 : memref<1x64xi32, #tpu.memory_space<vmem>> -> memref<64xi32, #tpu.memory_space<vmem>>
          %dma_start3A_881 = arith.constant 0 : i32
          %dma_start3A_882 = arith.constant 0 : i32
          %dma_start3A_883 = tpu.memref_slice %arg15[%dma_start3A_881, %dma_start3A_882] : memref<10000x64xi32, #tpu.memory_space<vmem_shared>> -> memref<10000x64xi32, #tpu.memory_space<vmem_shared>>
          %dma_start3A_884 = tpu.memref_slice %arg18[%select_n3A_821] : memref<4x!tpu.dma_semaphore, #tpu.memory_space<semaphore_mem>> -> memref<1x!tpu.dma_semaphore, #tpu.memory_space<semaphore_mem>>
          %dma_start3A_885 = tpu.memref_squeeze %dma_start3A_884 : memref<1x!tpu.dma_semaphore, #tpu.memory_space<semaphore_mem>> -> memref<!tpu.dma_semaphore, #tpu.memory_space<semaphore_mem>>
          tpu.enqueue_indirect_dma source(%dma_start3A_883 : memref<10000x64xi32, #tpu.memory_space<vmem_shared>>) target(%dma_start3A_877 : memref<64x64xi32, #tpu.memory_space<vmem>>) offsets(%dma_start3A_880 : memref<64xi32, #tpu.memory_space<vmem>>) semaphore(%dma_start3A_885 : memref<!tpu.dma_semaphore, #tpu.memory_space<semaphore_mem>>)
        } else {
        }
        %not3A_861 = arith.constant true
        %not3A_862 = arith.xori %lt3A_839, %not3A_861 : i1
        %convert_element_type3A_863 = arith.extui %not3A_862 : i1 to i32
        %cond3A_864 = arith.constant 0 : i32
        %cond3A_865 = arith.cmpi ne, %convert_element_type3A_863, %cond3A_864 : i32
        scf.if %cond3A_865 {
          %dma_start3A_874 = arith.constant 0 : i32
          %dma_start3A_875 = arith.constant 0 : i32
          %dma_start3A_876 = tpu.memref_slice %arg10[%select_n3A_821, %dma_start3A_874, %dma_start3A_875] : memref<4x64x64xi32, #tpu.memory_space<vmem>> -> memref<1x64x64xi32, #tpu.memory_space<vmem>>
          %dma_start3A_877 = tpu.memref_squeeze %dma_start3A_876 : memref<1x64x64xi32, #tpu.memory_space<vmem>> -> memref<64x64xi32, #tpu.memory_space<vmem>>
          %dma_start3A_878 = arith.constant 0 : i32
          %dma_start3A_879 = tpu.memref_slice %arg8[%select_n3A_821, %dma_start3A_878] : memref<4x64xi32, #tpu.memory_space<vmem>> -> memref<1x64xi32, #tpu.memory_space<vmem>>
          %dma_start3A_880 = tpu.memref_squeeze %dma_start3A_879 : memref<1x64xi32, #tpu.memory_space<vmem>> -> memref<64xi32, #tpu.memory_space<vmem>>
          %dma_start3A_881 = arith.constant 0 : i32
          %dma_start3A_882 = arith.constant 0 : i32
          %dma_start3A_883 = tpu.memref_slice %arg6[%arg0, %dma_start3A_881, %dma_start3A_882] : memref<2x10000x64xi32, #tpu.memory_space<hbm>> -> memref<1x10000x64xi32, #tpu.memory_space<hbm>>
          %dma_start3A_884 = tpu.memref_squeeze %dma_start3A_883 : memref<1x10000x64xi32, #tpu.memory_space<hbm>> -> memref<10000x64xi32, #tpu.memory_space<hbm>>
          %dma_start3A_885 = arith.constant 0 : i32
          %dma_start3A_886 = arith.constant 0 : i32
          %dma_start3A_887 = tpu.memref_slice %dma_start3A_884[%dma_start3A_885, %dma_start3A_886] : memref<10000x64xi32, #tpu.memory_space<hbm>> -> memref<10000x64xi32, #tpu.memory_space<hbm>>
          %dma_start3A_888 = tpu.memref_slice %arg18[%select_n3A_821] : memref<4x!tpu.dma_semaphore, #tpu.memory_space<semaphore_mem>> -> memref<1x!tpu.dma_semaphore, #tpu.memory_space<semaphore_mem>>
          %dma_start3A_889 = tpu.memref_squeeze %dma_start3A_888 : memref<1x!tpu.dma_semaphore, #tpu.memory_space<semaphore_mem>> -> memref<!tpu.dma_semaphore, #tpu.memory_space<semaphore_mem>>
          tpu.enqueue_indirect_dma source(%dma_start3A_887 : memref<10000x64xi32, #tpu.memory_space<hbm>>) target(%dma_start3A_877 : memref<64x64xi32, #tpu.memory_space<vmem>>) offsets(%dma_start3A_880 : memref<64xi32, #tpu.memory_space<vmem>>) semaphore(%dma_start3A_889 : memref<!tpu.dma_semaphore, #tpu.memory_space<semaphore_mem>>)
        } else {
        }
        %convert_element_type3A_866 = arith.extui %lt3A_857 : i1 to i32
        %cond3A_867 = arith.constant 0 : i32
        %cond3A_868 = arith.cmpi ne, %convert_element_type3A_866, %cond3A_867 : i32
        scf.if %cond3A_868 {
          %dma_start3A_874 = arith.constant 0 : i32
          %dma_start3A_875 = arith.constant 0 : i32
          %dma_start3A_876 = tpu.memref_slice %arg11[%select_n3A_821, %dma_start3A_874, %dma_start3A_875] : memref<4x64x64xi32, #tpu.memory_space<vmem>> -> memref<1x64x64xi32, #tpu.memory_space<vmem>>
          %dma_start3A_877 = tpu.memref_squeeze %dma_start3A_876 : memref<1x64x64xi32, #tpu.memory_space<vmem>> -> memref<64x64xi32, #tpu.memory_space<vmem>>
          %dma_start3A_878 = arith.constant 0 : i32
          %dma_start3A_879 = tpu.memref_slice %arg9[%select_n3A_821, %dma_start3A_878] : memref<4x64xi32, #tpu.memory_space<vmem>> -> memref<1x64xi32, #tpu.memory_space<vmem>>
          %dma_start3A_880 = tpu.memref_squeeze %dma_start3A_879 : memref<1x64xi32, #tpu.memory_space<vmem>> -> memref<64xi32, #tpu.memory_space<vmem>>
          %dma_start3A_881 = arith.constant 0 : i32
          %dma_start3A_882 = arith.constant 0 : i32
          %dma_start3A_883 = tpu.memref_slice %arg16[%dma_start3A_881, %dma_start3A_882] : memref<10000x64xi32, #tpu.memory_space<vmem_shared>> -> memref<10000x64xi32, #tpu.memory_space<vmem_shared>>
          %dma_start3A_884 = tpu.memref_slice %arg19[%select_n3A_821] : memref<4x!tpu.dma_semaphore, #tpu.memory_space<semaphore_mem>> -> memref<1x!tpu.dma_semaphore, #tpu.memory_space<semaphore_mem>>
          %dma_start3A_885 = tpu.memref_squeeze %dma_start3A_884 : memref<1x!tpu.dma_semaphore, #tpu.memory_space<semaphore_mem>> -> memref<!tpu.dma_semaphore, #tpu.memory_space<semaphore_mem>>
          tpu.enqueue_indirect_dma source(%dma_start3A_883 : memref<10000x64xi32, #tpu.memory_space<vmem_shared>>) target(%dma_start3A_877 : memref<64x64xi32, #tpu.memory_space<vmem>>) offsets(%dma_start3A_880 : memref<64xi32, #tpu.memory_space<vmem>>) semaphore(%dma_start3A_885 : memref<!tpu.dma_semaphore, #tpu.memory_space<semaphore_mem>>)
        } else {
        }
        %not3A_869 = arith.constant true
        %not3A_870 = arith.xori %lt3A_857, %not3A_869 : i1
        %convert_element_type3A_871 = arith.extui %not3A_870 : i1 to i32
        %cond3A_872 = arith.constant 0 : i32
        %cond3A_873 = arith.cmpi ne, %convert_element_type3A_871, %cond3A_872 : i32
        scf.if %cond3A_873 {
          %dma_start3A_874 = arith.constant 0 : i32
          %dma_start3A_875 = arith.constant 0 : i32
          %dma_start3A_876 = tpu.memref_slice %arg11[%select_n3A_821, %dma_start3A_874, %dma_start3A_875] : memref<4x64x64xi32, #tpu.memory_space<vmem>> -> memref<1x64x64xi32, #tpu.memory_space<vmem>>
          %dma_start3A_877 = tpu.memref_squeeze %dma_start3A_876 : memref<1x64x64xi32, #tpu.memory_space<vmem>> -> memref<64x64xi32, #tpu.memory_space<vmem>>
          %dma_start3A_878 = arith.constant 0 : i32
          %dma_start3A_879 = tpu.memref_slice %arg9[%select_n3A_821, %dma_start3A_878] : memref<4x64xi32, #tpu.memory_space<vmem>> -> memref<1x64xi32, #tpu.memory_space<vmem>>
          %dma_start3A_880 = tpu.memref_squeeze %dma_start3A_879 : memref<1x64xi32, #tpu.memory_space<vmem>> -> memref<64xi32, #tpu.memory_space<vmem>>
          %dma_start3A_881 = arith.constant 0 : i32
          %dma_start3A_882 = arith.constant 0 : i32
          %dma_start3A_883 = tpu.memref_slice %arg7[%arg0, %dma_start3A_881, %dma_start3A_882] : memref<2x10000x64xi32, #tpu.memory_space<hbm>> -> memref<1x10000x64xi32, #tpu.memory_space<hbm>>
          %dma_start3A_884 = tpu.memref_squeeze %dma_start3A_883 : memref<1x10000x64xi32, #tpu.memory_space<hbm>> -> memref<10000x64xi32, #tpu.memory_space<hbm>>
          %dma_start3A_885 = arith.constant 0 : i32
          %dma_start3A_886 = arith.constant 0 : i32
          %dma_start3A_887 = tpu.memref_slice %dma_start3A_884[%dma_start3A_885, %dma_start3A_886] : memref<10000x64xi32, #tpu.memory_space<hbm>> -> memref<10000x64xi32, #tpu.memory_space<hbm>>
          %dma_start3A_888 = tpu.memref_slice %arg19[%select_n3A_821] : memref<4x!tpu.dma_semaphore, #tpu.memory_space<semaphore_mem>> -> memref<1x!tpu.dma_semaphore, #tpu.memory_space<semaphore_mem>>
          %dma_start3A_889 = tpu.memref_squeeze %dma_start3A_888 : memref<1x!tpu.dma_semaphore, #tpu.memory_space<semaphore_mem>> -> memref<!tpu.dma_semaphore, #tpu.memory_space<semaphore_mem>>
          tpu.enqueue_indirect_dma source(%dma_start3A_887 : memref<10000x64xi32, #tpu.memory_space<hbm>>) target(%dma_start3A_877 : memref<64x64xi32, #tpu.memory_space<vmem>>) offsets(%dma_start3A_880 : memref<64xi32, #tpu.memory_space<vmem>>) semaphore(%dma_start3A_889 : memref<!tpu.dma_semaphore, #tpu.memory_space<semaphore_mem>>)
        } else {
        }
      } else {
      }
    }
    %while3A_478 = arith.constant 1 : i32
    scf.for %while3A_611 = %while3A_476 to %while3A_472 step %while3A_478  : i32 {
      %mul3A_612 = arith.muli %while3A_611, %while3A : i32
      %add3A_613 = arith.addi %while3A_469, %mul3A_612 : i32
      %jit3A_614 = arith.constant 4 : i32
      %eq3A_615 = arith.constant 0 : i32
      %eq3A_616 = arith.cmpi eq, %jit3A_614, %eq3A_615 : i32
      %jit3A_617 = arith.constant 1 : i32
      %select_n3A_618 = arith.select %eq3A_616, %jit3A_617, %jit3A_614 : i32
      %rem3A_619 = arith.remsi %add3A_613, %select_n3A_618 : i32
      %ne3A_620 = arith.constant 0 : i32
      %ne3A_621 = arith.cmpi ne, %rem3A_619, %ne3A_620 : i32
      %lt3A_622 = arith.constant 0 : i32
      %lt3A_623 = arith.cmpi slt, %rem3A_619, %lt3A_622 : i32
      %lt3A_624 = arith.constant 0 : i32
      %lt3A_625 = arith.cmpi slt, %select_n3A_618, %lt3A_624 : i32
      %ne3A_626 = arith.xori %lt3A_623, %lt3A_625 : i1
      %and3A_627 = arith.andi %ne3A_626, %ne3A_621 : i1
      %add3A_628 = arith.addi %rem3A_619, %select_n3A_618 : i32
      %select_n3A_629 = arith.select %and3A_627, %add3A_628, %rem3A_619 : i32
      %jit3A_630 = arith.constant 4 : i32
      %eq3A_631 = arith.constant 0 : i32
      %eq3A_632 = arith.cmpi eq, %jit3A_630, %eq3A_631 : i32
      %jit3A_633 = arith.constant 1 : i32
      %select_n3A_634 = arith.select %eq3A_632, %jit3A_633, %jit3A_630 : i32
      %rem3A_635 = arith.remsi %add3A_613, %select_n3A_634 : i32
      %ne3A_636 = arith.constant 0 : i32
      %ne3A_637 = arith.cmpi ne, %rem3A_635, %ne3A_636 : i32
      %lt3A_638 = arith.constant 0 : i32
      %lt3A_639 = arith.cmpi slt, %rem3A_635, %lt3A_638 : i32
      %lt3A_640 = arith.constant 0 : i32
      %lt3A_641 = arith.cmpi slt, %select_n3A_634, %lt3A_640 : i32
      %ne3A_642 = arith.xori %lt3A_639, %lt3A_641 : i1
      %and3A_643 = arith.andi %ne3A_642, %ne3A_637 : i1
      %add3A_644 = arith.addi %rem3A_635, %select_n3A_634 : i32
      %select_n3A_645 = arith.select %and3A_643, %add3A_644, %rem3A_635 : i32
      %mul3A_646 = arith.muli %add3A_613, %select_n3A_17 : i32
      %jit3A_647 = arith.constant 8 : i32
      %eq3A_648 = arith.constant 0 : i32
      %eq3A_649 = arith.cmpi eq, %jit3A_647, %eq3A_648 : i32
      %jit3A_650 = arith.constant 1 : i32
      %select_n3A_651 = arith.select %eq3A_649, %jit3A_650, %jit3A_647 : i32
      %rem3A_652 = arith.remsi %mul3A_646, %select_n3A_651 : i32
      %ne3A_653 = arith.constant 0 : i32
      %ne3A_654 = arith.cmpi ne, %rem3A_652, %ne3A_653 : i32
      %lt3A_655 = arith.constant 0 : i32
      %lt3A_656 = arith.cmpi slt, %rem3A_652, %lt3A_655 : i32
      %lt3A_657 = arith.constant 0 : i32
      %lt3A_658 = arith.cmpi slt, %select_n3A_651, %lt3A_657 : i32
      %ne3A_659 = arith.xori %lt3A_656, %lt3A_658 : i1
      %and3A_660 = arith.andi %ne3A_659, %ne3A_654 : i1
      %add3A_661 = arith.addi %rem3A_652, %select_n3A_651 : i32
      %select_n3A_662 = arith.select %and3A_660, %add3A_661, %rem3A_652 : i32
      %lt3A_663 = arith.cmpi slt, %select_n3A_662, %select_n3A_17 : i32
      %mul3A_664 = arith.muli %add3A_613, %select_n3A_22 : i32
      %jit3A_665 = arith.constant 8 : i32
      %eq3A_666 = arith.constant 0 : i32
      %eq3A_667 = arith.cmpi eq, %jit3A_665, %eq3A_666 : i32
      %jit3A_668 = arith.constant 1 : i32
      %select_n3A_669 = arith.select %eq3A_667, %jit3A_668, %jit3A_665 : i32
      %rem3A_670 = arith.remsi %mul3A_664, %select_n3A_669 : i32
      %ne3A_671 = arith.constant 0 : i32
      %ne3A_672 = arith.cmpi ne, %rem3A_670, %ne3A_671 : i32
      %lt3A_673 = arith.constant 0 : i32
      %lt3A_674 = arith.cmpi slt, %rem3A_670, %lt3A_673 : i32
      %lt3A_675 = arith.constant 0 : i32
      %lt3A_676 = arith.cmpi slt, %select_n3A_669, %lt3A_675 : i32
      %ne3A_677 = arith.xori %lt3A_674, %lt3A_676 : i1
      %and3A_678 = arith.andi %ne3A_677, %ne3A_672 : i1
      %add3A_679 = arith.addi %rem3A_670, %select_n3A_669 : i32
      %select_n3A_680 = arith.select %and3A_678, %add3A_679, %rem3A_670 : i32
      %lt3A_681 = arith.cmpi slt, %select_n3A_680, %select_n3A_22 : i32
      %convert_element_type3A_682 = arith.extui %lt3A_663 : i1 to i32
      %cond3A_683 = arith.constant 0 : i32
      %cond3A_684 = arith.cmpi ne, %convert_element_type3A_682, %cond3A_683 : i32
      scf.if %cond3A_684 {
        %dma_wait3A_750 = arith.constant 0 : i32
        %dma_wait3A_751 = arith.constant 0 : i32
        %dma_wait3A_752 = tpu.memref_slice %arg10[%select_n3A_645, %dma_wait3A_750, %dma_wait3A_751] : memref<4x64x64xi32, #tpu.memory_space<vmem>> -> memref<1x64x64xi32, #tpu.memory_space<vmem>>
        %dma_wait3A_753 = tpu.memref_squeeze %dma_wait3A_752 : memref<1x64x64xi32, #tpu.memory_space<vmem>> -> memref<64x64xi32, #tpu.memory_space<vmem>>
        %dma_wait3A_754 = arith.constant 0 : i32
        %dma_wait3A_755 = tpu.memref_slice %arg8[%select_n3A_645, %dma_wait3A_754] : memref<4x64xi32, #tpu.memory_space<vmem>> -> memref<1x64xi32, #tpu.memory_space<vmem>>
        %dma_wait3A_756 = tpu.memref_squeeze %dma_wait3A_755 : memref<1x64xi32, #tpu.memory_space<vmem>> -> memref<64xi32, #tpu.memory_space<vmem>>
        %dma_wait3A_757 = arith.constant 0 : i32
        %dma_wait3A_758 = arith.constant 0 : i32
        %dma_wait3A_759 = tpu.memref_slice %arg15[%dma_wait3A_757, %dma_wait3A_758] : memref<10000x64xi32, #tpu.memory_space<vmem_shared>> -> memref<10000x64xi32, #tpu.memory_space<vmem_shared>>
        %dma_wait3A_760 = tpu.memref_slice %arg18[%select_n3A_645] : memref<4x!tpu.dma_semaphore, #tpu.memory_space<semaphore_mem>> -> memref<1x!tpu.dma_semaphore, #tpu.memory_space<semaphore_mem>>
        %dma_wait3A_761 = tpu.memref_squeeze %dma_wait3A_760 : memref<1x!tpu.dma_semaphore, #tpu.memory_space<semaphore_mem>> -> memref<!tpu.dma_semaphore, #tpu.memory_space<semaphore_mem>>
        tpu.wait_indirect_dma semaphore(%dma_wait3A_761 : memref<!tpu.dma_semaphore, #tpu.memory_space<semaphore_mem>>) src(%dma_wait3A_759 : memref<10000x64xi32, #tpu.memory_space<vmem_shared>>) dst(%dma_wait3A_753 : memref<64x64xi32, #tpu.memory_space<vmem>>)
      } else {
      }
      %not3A_685 = arith.constant true
      %not3A_686 = arith.xori %lt3A_663, %not3A_685 : i1
      %convert_element_type3A_687 = arith.extui %not3A_686 : i1 to i32
      %cond3A_688 = arith.constant 0 : i32
      %cond3A_689 = arith.cmpi ne, %convert_element_type3A_687, %cond3A_688 : i32
      scf.if %cond3A_689 {
        %dma_wait3A_750 = arith.constant 0 : i32
        %dma_wait3A_751 = arith.constant 0 : i32
        %dma_wait3A_752 = tpu.memref_slice %arg10[%select_n3A_645, %dma_wait3A_750, %dma_wait3A_751] : memref<4x64x64xi32, #tpu.memory_space<vmem>> -> memref<1x64x64xi32, #tpu.memory_space<vmem>>
        %dma_wait3A_753 = tpu.memref_squeeze %dma_wait3A_752 : memref<1x64x64xi32, #tpu.memory_space<vmem>> -> memref<64x64xi32, #tpu.memory_space<vmem>>
        %dma_wait3A_754 = arith.constant 0 : i32
        %dma_wait3A_755 = tpu.memref_slice %arg8[%select_n3A_645, %dma_wait3A_754] : memref<4x64xi32, #tpu.memory_space<vmem>> -> memref<1x64xi32, #tpu.memory_space<vmem>>
        %dma_wait3A_756 = tpu.memref_squeeze %dma_wait3A_755 : memref<1x64xi32, #tpu.memory_space<vmem>> -> memref<64xi32, #tpu.memory_space<vmem>>
        %dma_wait3A_757 = arith.constant 0 : i32
        %dma_wait3A_758 = arith.constant 0 : i32
        %dma_wait3A_759 = tpu.memref_slice %arg6[%arg0, %dma_wait3A_757, %dma_wait3A_758] : memref<2x10000x64xi32, #tpu.memory_space<hbm>> -> memref<1x10000x64xi32, #tpu.memory_space<hbm>>
        %dma_wait3A_760 = tpu.memref_squeeze %dma_wait3A_759 : memref<1x10000x64xi32, #tpu.memory_space<hbm>> -> memref<10000x64xi32, #tpu.memory_space<hbm>>
        %dma_wait3A_761 = arith.constant 0 : i32
        %dma_wait3A_762 = arith.constant 0 : i32
        %dma_wait3A_763 = tpu.memref_slice %dma_wait3A_760[%dma_wait3A_761, %dma_wait3A_762] : memref<10000x64xi32, #tpu.memory_space<hbm>> -> memref<10000x64xi32, #tpu.memory_space<hbm>>
        %dma_wait3A_764 = tpu.memref_slice %arg18[%select_n3A_645] : memref<4x!tpu.dma_semaphore, #tpu.memory_space<semaphore_mem>> -> memref<1x!tpu.dma_semaphore, #tpu.memory_space<semaphore_mem>>
        %dma_wait3A_765 = tpu.memref_squeeze %dma_wait3A_764 : memref<1x!tpu.dma_semaphore, #tpu.memory_space<semaphore_mem>> -> memref<!tpu.dma_semaphore, #tpu.memory_space<semaphore_mem>>
        tpu.wait_indirect_dma semaphore(%dma_wait3A_765 : memref<!tpu.dma_semaphore, #tpu.memory_space<semaphore_mem>>) src(%dma_wait3A_763 : memref<10000x64xi32, #tpu.memory_space<hbm>>) dst(%dma_wait3A_753 : memref<64x64xi32, #tpu.memory_space<vmem>>)
      } else {
      }
      %convert_element_type3A_690 = arith.extui %lt3A_681 : i1 to i32
      %cond3A_691 = arith.constant 0 : i32
      %cond3A_692 = arith.cmpi ne, %convert_element_type3A_690, %cond3A_691 : i32
      scf.if %cond3A_692 {
        %dma_wait3A_750 = arith.constant 0 : i32
        %dma_wait3A_751 = arith.constant 0 : i32
        %dma_wait3A_752 = tpu.memref_slice %arg11[%select_n3A_645, %dma_wait3A_750, %dma_wait3A_751] : memref<4x64x64xi32, #tpu.memory_space<vmem>> -> memref<1x64x64xi32, #tpu.memory_space<vmem>>
        %dma_wait3A_753 = tpu.memref_squeeze %dma_wait3A_752 : memref<1x64x64xi32, #tpu.memory_space<vmem>> -> memref<64x64xi32, #tpu.memory_space<vmem>>
        %dma_wait3A_754 = arith.constant 0 : i32
        %dma_wait3A_755 = tpu.memref_slice %arg9[%select_n3A_645, %dma_wait3A_754] : memref<4x64xi32, #tpu.memory_space<vmem>> -> memref<1x64xi32, #tpu.memory_space<vmem>>
        %dma_wait3A_756 = tpu.memref_squeeze %dma_wait3A_755 : memref<1x64xi32, #tpu.memory_space<vmem>> -> memref<64xi32, #tpu.memory_space<vmem>>
        %dma_wait3A_757 = arith.constant 0 : i32
        %dma_wait3A_758 = arith.constant 0 : i32
        %dma_wait3A_759 = tpu.memref_slice %arg16[%dma_wait3A_757, %dma_wait3A_758] : memref<10000x64xi32, #tpu.memory_space<vmem_shared>> -> memref<10000x64xi32, #tpu.memory_space<vmem_shared>>
        %dma_wait3A_760 = tpu.memref_slice %arg19[%select_n3A_645] : memref<4x!tpu.dma_semaphore, #tpu.memory_space<semaphore_mem>> -> memref<1x!tpu.dma_semaphore, #tpu.memory_space<semaphore_mem>>
        %dma_wait3A_761 = tpu.memref_squeeze %dma_wait3A_760 : memref<1x!tpu.dma_semaphore, #tpu.memory_space<semaphore_mem>> -> memref<!tpu.dma_semaphore, #tpu.memory_space<semaphore_mem>>
        tpu.wait_indirect_dma semaphore(%dma_wait3A_761 : memref<!tpu.dma_semaphore, #tpu.memory_space<semaphore_mem>>) src(%dma_wait3A_759 : memref<10000x64xi32, #tpu.memory_space<vmem_shared>>) dst(%dma_wait3A_753 : memref<64x64xi32, #tpu.memory_space<vmem>>)
      } else {
      }
      %not3A_693 = arith.constant true
      %not3A_694 = arith.xori %lt3A_681, %not3A_693 : i1
      %convert_element_type3A_695 = arith.extui %not3A_694 : i1 to i32
      %cond3A_696 = arith.constant 0 : i32
      %cond3A_697 = arith.cmpi ne, %convert_element_type3A_695, %cond3A_696 : i32
      scf.if %cond3A_697 {
        %dma_wait3A_750 = arith.constant 0 : i32
        %dma_wait3A_751 = arith.constant 0 : i32
        %dma_wait3A_752 = tpu.memref_slice %arg11[%select_n3A_645, %dma_wait3A_750, %dma_wait3A_751] : memref<4x64x64xi32, #tpu.memory_space<vmem>> -> memref<1x64x64xi32, #tpu.memory_space<vmem>>
        %dma_wait3A_753 = tpu.memref_squeeze %dma_wait3A_752 : memref<1x64x64xi32, #tpu.memory_space<vmem>> -> memref<64x64xi32, #tpu.memory_space<vmem>>
        %dma_wait3A_754 = arith.constant 0 : i32
        %dma_wait3A_755 = tpu.memref_slice %arg9[%select_n3A_645, %dma_wait3A_754] : memref<4x64xi32, #tpu.memory_space<vmem>> -> memref<1x64xi32, #tpu.memory_space<vmem>>
        %dma_wait3A_756 = tpu.memref_squeeze %dma_wait3A_755 : memref<1x64xi32, #tpu.memory_space<vmem>> -> memref<64xi32, #tpu.memory_space<vmem>>
        %dma_wait3A_757 = arith.constant 0 : i32
        %dma_wait3A_758 = arith.constant 0 : i32
        %dma_wait3A_759 = tpu.memref_slice %arg7[%arg0, %dma_wait3A_757, %dma_wait3A_758] : memref<2x10000x64xi32, #tpu.memory_space<hbm>> -> memref<1x10000x64xi32, #tpu.memory_space<hbm>>
        %dma_wait3A_760 = tpu.memref_squeeze %dma_wait3A_759 : memref<1x10000x64xi32, #tpu.memory_space<hbm>> -> memref<10000x64xi32, #tpu.memory_space<hbm>>
        %dma_wait3A_761 = arith.constant 0 : i32
        %dma_wait3A_762 = arith.constant 0 : i32
        %dma_wait3A_763 = tpu.memref_slice %dma_wait3A_760[%dma_wait3A_761, %dma_wait3A_762] : memref<10000x64xi32, #tpu.memory_space<hbm>> -> memref<10000x64xi32, #tpu.memory_space<hbm>>
        %dma_wait3A_764 = tpu.memref_slice %arg19[%select_n3A_645] : memref<4x!tpu.dma_semaphore, #tpu.memory_space<semaphore_mem>> -> memref<1x!tpu.dma_semaphore, #tpu.memory_space<semaphore_mem>>
        %dma_wait3A_765 = tpu.memref_squeeze %dma_wait3A_764 : memref<1x!tpu.dma_semaphore, #tpu.memory_space<semaphore_mem>> -> memref<!tpu.dma_semaphore, #tpu.memory_space<semaphore_mem>>
        tpu.wait_indirect_dma semaphore(%dma_wait3A_765 : memref<!tpu.dma_semaphore, #tpu.memory_space<semaphore_mem>>) src(%dma_wait3A_763 : memref<10000x64xi32, #tpu.memory_space<hbm>>) dst(%dma_wait3A_753 : memref<64x64xi32, #tpu.memory_space<vmem>>)
      } else {
      }
      %ge3A = arith.constant 4 : i32
      %ge3A_698 = arith.cmpi sge, %add3A_613, %ge3A : i32
      %convert_element_type3A_699 = arith.extui %ge3A_698 : i1 to i32
      %cond3A_700 = arith.constant 0 : i32
      %cond3A_701 = arith.cmpi ne, %convert_element_type3A_699, %cond3A_700 : i32
      scf.if %cond3A_701 {
        %sub3A_750 = arith.constant 4 : i32
        %sub3A_751 = arith.subi %add3A_613, %sub3A_750 : i32
        %jit3A_752 = arith.constant 4 : i32
        %eq3A_753 = arith.constant 0 : i32
        %eq3A_754 = arith.cmpi eq, %jit3A_752, %eq3A_753 : i32
        %jit3A_755 = arith.constant 1 : i32
        %select_n3A_756 = arith.select %eq3A_754, %jit3A_755, %jit3A_752 : i32
        %rem3A_757 = arith.remsi %sub3A_751, %select_n3A_756 : i32
        %ne3A_758 = arith.constant 0 : i32
        %ne3A_759 = arith.cmpi ne, %rem3A_757, %ne3A_758 : i32
        %lt3A_760 = arith.constant 0 : i32
        %lt3A_761 = arith.cmpi slt, %rem3A_757, %lt3A_760 : i32
        %lt3A_762 = arith.constant 0 : i32
        %lt3A_763 = arith.cmpi slt, %select_n3A_756, %lt3A_762 : i32
        %ne3A_764 = arith.xori %lt3A_761, %lt3A_763 : i1
        %and3A_765 = arith.andi %ne3A_764, %ne3A_759 : i1
        %add3A_766 = arith.addi %rem3A_757, %select_n3A_756 : i32
        %select_n3A_767 = arith.select %and3A_765, %add3A_766, %rem3A_757 : i32
        %add3A_768 = arith.addi %select_n3A_12, %sub3A_751 : i32
        %mul3A_769 = arith.constant 64 : i32
        %mul3A_770 = arith.muli %add3A_768, %mul3A_769 : i32
        %dma_wait3A_771 = arith.constant 0 : i32
        %dma_wait3A_772 = tpu.memref_slice %arg12[%select_n3A_767, %dma_wait3A_771] : memref<4x64xf32, #tpu.memory_space<vmem>> -> memref<1x64xf32, #tpu.memory_space<vmem>>
        %dma_wait3A_773 = tpu.memref_squeeze %dma_wait3A_772 : memref<1x64xf32, #tpu.memory_space<vmem>> -> memref<64xf32, #tpu.memory_space<vmem>>
        %dma_wait3A_774 = tpu.memref_slice %arg5[%mul3A_770] : memref<320000xf32, #tpu.memory_space<hbm>> -> memref<64xf32, #tpu.memory_space<hbm>>
        %dma_wait3A_775 = tpu.memref_slice %arg20[%select_n3A_767] : memref<4x!tpu.dma_semaphore, #tpu.memory_space<semaphore_mem>> -> memref<1x!tpu.dma_semaphore, #tpu.memory_space<semaphore_mem>>
        %dma_wait3A_776 = tpu.memref_squeeze %dma_wait3A_775 : memref<1x!tpu.dma_semaphore, #tpu.memory_space<semaphore_mem>> -> memref<!tpu.dma_semaphore, #tpu.memory_space<semaphore_mem>>
        %dma_wait3A_777 = tpu.memref_slice %arg5[%mul3A_770] : memref<320000xf32, #tpu.memory_space<hbm>> -> memref<64xf32, #tpu.memory_space<hbm>>
        %dma_wait3A_778 = arith.constant 0 : i32
        %dma_wait3A_779 = tpu.memref_slice %arg12[%select_n3A_767, %dma_wait3A_778] : memref<4x64xf32, #tpu.memory_space<vmem>> -> memref<1x64xf32, #tpu.memory_space<vmem>>
        %dma_wait3A_780 = tpu.memref_squeeze %dma_wait3A_779 : memref<1x64xf32, #tpu.memory_space<vmem>> -> memref<64xf32, #tpu.memory_space<vmem>>
        tpu.wait_dma2 semaphore(%dma_wait3A_776 : memref<!tpu.dma_semaphore, #tpu.memory_space<semaphore_mem>>) src(%dma_wait3A_780 : memref<64xf32, #tpu.memory_space<vmem>>) dst(%dma_wait3A_777 : memref<64xf32, #tpu.memory_space<hbm>>)
      } else {
      }
      %scan3A_702 = arith.constant 0 : i32
      %scan3A_703 = arith.constant 4 : i32
      %scan3A_704 = arith.addi %scan3A_702, %scan3A_703 : i32
      %scan3A_705 = arith.constant 1 : i32
      scf.for %scan3A_750 = %scan3A_702 to %scan3A_704 step %scan3A_705  : i32 {
        %mul3A_751 = arith.constant 1 : i32
        %mul3A_752 = arith.muli %scan3A_750, %mul3A_751 : i32
        %add3A_753 = arith.constant 0 : i32
        %add3A_754 = arith.addi %add3A_753, %mul3A_752 : i32
        %broadcast_in_dim3A = arith.constant 0.000000e+00 : f32
        %broadcast_in_dim3A_755 = vector.broadcast %broadcast_in_dim3A : f32 to vector<16xf32>
        %scan3A_756 = arith.constant 0 : i32
        %scan3A_757 = arith.constant 16 : i32
        %scan3A_758 = arith.addi %scan3A_756, %scan3A_757 : i32
        %scan3A_759 = arith.constant 1 : i32
        %scan3A_760 = scf.for %scan3A_768 = %scan3A_756 to %scan3A_758 step %scan3A_759 iter_args(%scan3A_769 = %broadcast_in_dim3A_755) -> (vector<16xf32>)  : i32 {
          %mul3A_770 = arith.constant 1 : i32
          %mul3A_771 = arith.muli %scan3A_768, %mul3A_770 : i32
          %add3A_772 = arith.constant 0 : i32
          %add3A_773 = arith.addi %add3A_772, %mul3A_771 : i32
          %mul3A_774 = arith.constant 16 : i32
          %mul3A_775 = arith.muli %add3A_754, %mul3A_774 : i32
          %add3A_776 = arith.addi %mul3A_775, %add3A_773 : i32
          %get3A = arith.index_cast %select_n3A_629 : i32 to index
          %get3A_777 = arith.index_cast %add3A_776 : i32 to index
          %get3A_778 = arith.constant 0 : index
          %get3A_779 = tpu.vector_load %arg10[%get3A, %get3A_777, %get3A_778] {strides = array<i32>} : memref<4x64x64xi32, #tpu.memory_space<vmem>>, vector<1x1x16xi32>,
          %get3A_780 = vector.shape_cast %get3A_779 : vector<1x1x16xi32> to vector<16xi32>
          %shift_left3A = arith.constant 16 : i32
          %shift_left3A_781 = vector.broadcast %shift_left3A : i32 to vector<16xi32>
          %shift_left3A_782 = arith.shli %get3A_780, %shift_left3A_781 : vector<16xi32>
          %bitcast_convert_type3A = tpu.bitcast %shift_left3A_782 : vector<16xi32> -> vector<16xf32>
          %and3A_783 = arith.constant -65536 : i32
          %and3A_784 = vector.broadcast %and3A_783 : i32 to vector<16xi32>
          %and3A_785 = arith.andi %get3A_780, %and3A_784 : vector<16xi32>
          %bitcast_convert_type3A_786 = tpu.bitcast %and3A_785 : vector<16xi32> -> vector<16xf32>
          %get3A_787 = arith.index_cast %select_n3A_629 : i32 to index
          %get3A_788 = arith.index_cast %add3A_776 : i32 to index
          %get3A_789 = arith.constant 0 : index
          %get3A_790 = tpu.vector_load %arg11[%get3A_787, %get3A_788, %get3A_789] {strides = array<i32>} : memref<4x64x64xi32, #tpu.memory_space<vmem>>, vector<1x1x16xi32>,
          %get3A_791 = vector.shape_cast %get3A_790 : vector<1x1x16xi32> to vector<16xi32>
          %shift_left3A_792 = arith.constant 16 : i32
          %shift_left3A_793 = vector.broadcast %shift_left3A_792 : i32 to vector<16xi32>
          %shift_left3A_794 = arith.shli %get3A_791, %shift_left3A_793 : vector<16xi32>
          %bitcast_convert_type3A_795 = tpu.bitcast %shift_left3A_794 : vector<16xi32> -> vector<16xf32>
          %and3A_796 = arith.constant -65536 : i32
          %and3A_797 = vector.broadcast %and3A_796 : i32 to vector<16xi32>
          %and3A_798 = arith.andi %get3A_791, %and3A_797 : vector<16xi32>
          %bitcast_convert_type3A_799 = tpu.bitcast %and3A_798 : vector<16xi32> -> vector<16xf32>
          %mul3A_800 = arith.mulf %bitcast_convert_type3A, %bitcast_convert_type3A_795 : vector<16xf32>
          %mul3A_801 = arith.mulf %bitcast_convert_type3A_786, %bitcast_convert_type3A_799 : vector<16xf32>
          %get3A_802 = arith.index_cast %select_n3A_629 : i32 to index
          %get3A_803 = arith.index_cast %add3A_776 : i32 to index
          %get3A_804 = arith.constant 16 : index
          %get3A_805 = tpu.vector_load %arg10[%get3A_802, %get3A_803, %get3A_804] {strides = array<i32>} : memref<4x64x64xi32, #tpu.memory_space<vmem>>, vector<1x1x16xi32>,
          %get3A_806 = vector.shape_cast %get3A_805 : vector<1x1x16xi32> to vector<16xi32>
          %shift_left3A_807 = arith.constant 16 : i32
          %shift_left3A_808 = vector.broadcast %shift_left3A_807 : i32 to vector<16xi32>
          %shift_left3A_809 = arith.shli %get3A_806, %shift_left3A_808 : vector<16xi32>
          %bitcast_convert_type3A_810 = tpu.bitcast %shift_left3A_809 : vector<16xi32> -> vector<16xf32>
          %and3A_811 = arith.constant -65536 : i32
          %and3A_812 = vector.broadcast %and3A_811 : i32 to vector<16xi32>
          %and3A_813 = arith.andi %get3A_806, %and3A_812 : vector<16xi32>
          %bitcast_convert_type3A_814 = tpu.bitcast %and3A_813 : vector<16xi32> -> vector<16xf32>
          %get3A_815 = arith.index_cast %select_n3A_629 : i32 to index
          %get3A_816 = arith.index_cast %add3A_776 : i32 to index
          %get3A_817 = arith.constant 16 : index
          %get3A_818 = tpu.vector_load %arg11[%get3A_815, %get3A_816, %get3A_817] {strides = array<i32>} : memref<4x64x64xi32, #tpu.memory_space<vmem>>, vector<1x1x16xi32>,
          %get3A_819 = vector.shape_cast %get3A_818 : vector<1x1x16xi32> to vector<16xi32>
          %shift_left3A_820 = arith.constant 16 : i32
          %shift_left3A_821 = vector.broadcast %shift_left3A_820 : i32 to vector<16xi32>
          %shift_left3A_822 = arith.shli %get3A_819, %shift_left3A_821 : vector<16xi32>
          %bitcast_convert_type3A_823 = tpu.bitcast %shift_left3A_822 : vector<16xi32> -> vector<16xf32>
          %and3A_824 = arith.constant -65536 : i32
          %and3A_825 = vector.broadcast %and3A_824 : i32 to vector<16xi32>
          %and3A_826 = arith.andi %get3A_819, %and3A_825 : vector<16xi32>
          %bitcast_convert_type3A_827 = tpu.bitcast %and3A_826 : vector<16xi32> -> vector<16xf32>
          %mul3A_828 = arith.mulf %bitcast_convert_type3A_810, %bitcast_convert_type3A_823 : vector<16xf32>
          %mul3A_829 = arith.mulf %bitcast_convert_type3A_814, %bitcast_convert_type3A_827 : vector<16xf32>
          %get3A_830 = arith.index_cast %select_n3A_629 : i32 to index
          %get3A_831 = arith.index_cast %add3A_776 : i32 to index
          %get3A_832 = arith.constant 32 : index
          %get3A_833 = tpu.vector_load %arg10[%get3A_830, %get3A_831, %get3A_832] {strides = array<i32>} : memref<4x64x64xi32, #tpu.memory_space<vmem>>, vector<1x1x16xi32>,
          %get3A_834 = vector.shape_cast %get3A_833 : vector<1x1x16xi32> to vector<16xi32>
          %shift_left3A_835 = arith.constant 16 : i32
          %shift_left3A_836 = vector.broadcast %shift_left3A_835 : i32 to vector<16xi32>
          %shift_left3A_837 = arith.shli %get3A_834, %shift_left3A_836 : vector<16xi32>
          %bitcast_convert_type3A_838 = tpu.bitcast %shift_left3A_837 : vector<16xi32> -> vector<16xf32>
          %and3A_839 = arith.constant -65536 : i32
          %and3A_840 = vector.broadcast %and3A_839 : i32 to vector<16xi32>
          %and3A_841 = arith.andi %get3A_834, %and3A_840 : vector<16xi32>
          %bitcast_convert_type3A_842 = tpu.bitcast %and3A_841 : vector<16xi32> -> vector<16xf32>
          %get3A_843 = arith.index_cast %select_n3A_629 : i32 to index
          %get3A_844 = arith.index_cast %add3A_776 : i32 to index
          %get3A_845 = arith.constant 32 : index
          %get3A_846 = tpu.vector_load %arg11[%get3A_843, %get3A_844, %get3A_845] {strides = array<i32>} : memref<4x64x64xi32, #tpu.memory_space<vmem>>, vector<1x1x16xi32>,
          %get3A_847 = vector.shape_cast %get3A_846 : vector<1x1x16xi32> to vector<16xi32>
          %shift_left3A_848 = arith.constant 16 : i32
          %shift_left3A_849 = vector.broadcast %shift_left3A_848 : i32 to vector<16xi32>
          %shift_left3A_850 = arith.shli %get3A_847, %shift_left3A_849 : vector<16xi32>
          %bitcast_convert_type3A_851 = tpu.bitcast %shift_left3A_850 : vector<16xi32> -> vector<16xf32>
          %and3A_852 = arith.constant -65536 : i32
          %and3A_853 = vector.broadcast %and3A_852 : i32 to vector<16xi32>
          %and3A_854 = arith.andi %get3A_847, %and3A_853 : vector<16xi32>
          %bitcast_convert_type3A_855 = tpu.bitcast %and3A_854 : vector<16xi32> -> vector<16xf32>
          %mul3A_856 = arith.mulf %bitcast_convert_type3A_838, %bitcast_convert_type3A_851 : vector<16xf32>
          %mul3A_857 = arith.mulf %bitcast_convert_type3A_842, %bitcast_convert_type3A_855 : vector<16xf32>
          %get3A_858 = arith.index_cast %select_n3A_629 : i32 to index
          %get3A_859 = arith.index_cast %add3A_776 : i32 to index
          %get3A_860 = arith.constant 48 : index
          %get3A_861 = tpu.vector_load %arg10[%get3A_858, %get3A_859, %get3A_860] {strides = array<i32>} : memref<4x64x64xi32, #tpu.memory_space<vmem>>, vector<1x1x16xi32>,
          %get3A_862 = vector.shape_cast %get3A_861 : vector<1x1x16xi32> to vector<16xi32>
          %shift_left3A_863 = arith.constant 16 : i32
          %shift_left3A_864 = vector.broadcast %shift_left3A_863 : i32 to vector<16xi32>
          %shift_left3A_865 = arith.shli %get3A_862, %shift_left3A_864 : vector<16xi32>
          %bitcast_convert_type3A_866 = tpu.bitcast %shift_left3A_865 : vector<16xi32> -> vector<16xf32>
          %and3A_867 = arith.constant -65536 : i32
          %and3A_868 = vector.broadcast %and3A_867 : i32 to vector<16xi32>
          %and3A_869 = arith.andi %get3A_862, %and3A_868 : vector<16xi32>
          %bitcast_convert_type3A_870 = tpu.bitcast %and3A_869 : vector<16xi32> -> vector<16xf32>
          %get3A_871 = arith.index_cast %select_n3A_629 : i32 to index
          %get3A_872 = arith.index_cast %add3A_776 : i32 to index
          %get3A_873 = arith.constant 48 : index
          %get3A_874 = tpu.vector_load %arg11[%get3A_871, %get3A_872, %get3A_873] {strides = array<i32>} : memref<4x64x64xi32, #tpu.memory_space<vmem>>, vector<1x1x16xi32>,
          %get3A_875 = vector.shape_cast %get3A_874 : vector<1x1x16xi32> to vector<16xi32>
          %shift_left3A_876 = arith.constant 16 : i32
          %shift_left3A_877 = vector.broadcast %shift_left3A_876 : i32 to vector<16xi32>
          %shift_left3A_878 = arith.shli %get3A_875, %shift_left3A_877 : vector<16xi32>
          %bitcast_convert_type3A_879 = tpu.bitcast %shift_left3A_878 : vector<16xi32> -> vector<16xf32>
          %and3A_880 = arith.constant -65536 : i32
          %and3A_881 = vector.broadcast %and3A_880 : i32 to vector<16xi32>
          %and3A_882 = arith.andi %get3A_875, %and3A_881 : vector<16xi32>
          %bitcast_convert_type3A_883 = tpu.bitcast %and3A_882 : vector<16xi32> -> vector<16xf32>
          %mul3A_884 = arith.mulf %bitcast_convert_type3A_866, %bitcast_convert_type3A_879 : vector<16xf32>
          %mul3A_885 = arith.mulf %bitcast_convert_type3A_870, %bitcast_convert_type3A_883 : vector<16xf32>
          %add3A_886 = arith.addf %mul3A_800, %mul3A_801 : vector<16xf32>
          %add3A_887 = arith.addf %mul3A_828, %mul3A_829 : vector<16xf32>
          %add3A_888 = arith.addf %add3A_886, %add3A_887 : vector<16xf32>
          %add3A_889 = arith.addf %mul3A_856, %mul3A_857 : vector<16xf32>
          %add3A_890 = arith.addf %mul3A_884, %mul3A_885 : vector<16xf32>
          %add3A_891 = arith.addf %add3A_889, %add3A_890 : vector<16xf32>
          %add3A_892 = arith.addf %add3A_888, %add3A_891 : vector<16xf32>
          %broadcast_in_dim3A_893 = vector.shape_cast %and3A_38 : vector<16xi32> to vector<16x1xi32>
          %gather3A = vector.shape_cast %broadcast_in_dim3A_893 : vector<16x1xi32> to vector<16xi32>
          %gather3A_894 = tpu.dynamic_gather %add3A_892[%gather3A] in [0] : vector<16xf32>, vector<16xi32> -> vector<16xf32>
          %add3A_895 = arith.addf %add3A_892, %gather3A_894 : vector<16xf32>
          %broadcast_in_dim3A_896 = vector.shape_cast %and3A_44 : vector<16xi32> to vector<16x1xi32>
          %gather3A_897 = vector.shape_cast %broadcast_in_dim3A_896 : vector<16x1xi32> to vector<16xi32>
          %gather3A_898 = tpu.dynamic_gather %add3A_895[%gather3A_897] in [0] : vector<16xf32>, vector<16xi32> -> vector<16xf32>
          %add3A_899 = arith.addf %add3A_895, %gather3A_898 : vector<16xf32>
          %broadcast_in_dim3A_900 = vector.shape_cast %and3A_50 : vector<16xi32> to vector<16x1xi32>
          %gather3A_901 = vector.shape_cast %broadcast_in_dim3A_900 : vector<16x1xi32> to vector<16xi32>
          %gather3A_902 = tpu.dynamic_gather %add3A_899[%gather3A_901] in [0] : vector<16xf32>, vector<16xi32> -> vector<16xf32>
          %add3A_903 = arith.addf %add3A_899, %gather3A_902 : vector<16xf32>
          %broadcast_in_dim3A_904 = vector.shape_cast %and3A_56 : vector<16xi32> to vector<16x1xi32>
          %gather3A_905 = vector.shape_cast %broadcast_in_dim3A_904 : vector<16x1xi32> to vector<16xi32>
          %gather3A_906 = tpu.dynamic_gather %add3A_903[%gather3A_905] in [0] : vector<16xf32>, vector<16xi32> -> vector<16xf32>
          %add3A_907 = arith.addf %add3A_903, %gather3A_906 : vector<16xf32>
          %eq3A_908 = vector.broadcast %add3A_773 : i32 to vector<16xi32>
          %eq3A_909 = arith.cmpi eq, %iota3A, %eq3A_908 : vector<16xi32>
          %select_n3A_910 = arith.select %eq3A_909, %add3A_907, %scan3A_769 : vector<16xi1>, vector<16xf32>
          scf.yield %select_n3A_910 : vector<16xf32>
        }
        %scan3A_761 = arith.constant 16 : i32
        %mul3A_762 = arith.constant 16 : i32
        %mul3A_763 = arith.muli %add3A_754, %mul3A_762 : i32
        %swap3A = arith.index_cast %select_n3A_629 : i32 to index
        %swap3A_764 = arith.index_cast %mul3A_763 : i32 to index
        %swap3A_765 = tpu.vector_load %arg12[%swap3A, %swap3A_764] {strides = array<i32>} : memref<4x64xf32, #tpu.memory_space<vmem>>, vector<1x16xf32>,
        %swap3A_766 = vector.shape_cast %swap3A_765 : vector<1x16xf32> to vector<16xf32>
        %swap3A_767 = vector.shape_cast %scan3A_760 : vector<16xf32> to vector<1x16xf32>
        tpu.vector_store %arg12[%swap3A, %swap3A_764], %swap3A_767 {strides = array<i32>} : memref<4x64xf32, #tpu.memory_space<vmem>>, vector<1x16xf32>,
      }
      %scan3A_706 = arith.constant 4 : i32
      %jit3A_707 = arith.constant 4 : i32
      %eq3A_708 = arith.constant 0 : i32
      %eq3A_709 = arith.cmpi eq, %jit3A_707, %eq3A_708 : i32
      %jit3A_710 = arith.constant 1 : i32
      %select_n3A_711 = arith.select %eq3A_709, %jit3A_710, %jit3A_707 : i32
      %rem3A_712 = arith.remsi %add3A_613, %select_n3A_711 : i32
      %ne3A_713 = arith.constant 0 : i32
      %ne3A_714 = arith.cmpi ne, %rem3A_712, %ne3A_713 : i32
      %lt3A_715 = arith.constant 0 : i32
      %lt3A_716 = arith.cmpi slt, %rem3A_712, %lt3A_715 : i32
      %lt3A_717 = arith.constant 0 : i32
      %lt3A_718 = arith.cmpi slt, %select_n3A_711, %lt3A_717 : i32
      %ne3A_719 = arith.xori %lt3A_716, %lt3A_718 : i1
      %and3A_720 = arith.andi %ne3A_719, %ne3A_714 : i1
      %add3A_721 = arith.addi %rem3A_712, %select_n3A_711 : i32
      %select_n3A_722 = arith.select %and3A_720, %add3A_721, %rem3A_712 : i32
      %add3A_723 = arith.addi %select_n3A_12, %add3A_613 : i32
      %mul3A_724 = arith.constant 64 : i32
      %mul3A_725 = arith.muli %add3A_723, %mul3A_724 : i32
      %dma_start3A_726 = arith.constant 0 : i32
      %dma_start3A_727 = tpu.memref_slice %arg12[%select_n3A_722, %dma_start3A_726] : memref<4x64xf32, #tpu.memory_space<vmem>> -> memref<1x64xf32, #tpu.memory_space<vmem>>
      %dma_start3A_728 = tpu.memref_squeeze %dma_start3A_727 : memref<1x64xf32, #tpu.memory_space<vmem>> -> memref<64xf32, #tpu.memory_space<vmem>>
      %dma_start3A_729 = tpu.memref_slice %arg5[%mul3A_725] : memref<320000xf32, #tpu.memory_space<hbm>> -> memref<64xf32, #tpu.memory_space<hbm>>
      %dma_start3A_730 = tpu.memref_slice %arg20[%select_n3A_722] : memref<4x!tpu.dma_semaphore, #tpu.memory_space<semaphore_mem>> -> memref<1x!tpu.dma_semaphore, #tpu.memory_space<semaphore_mem>>
      %dma_start3A_731 = tpu.memref_squeeze %dma_start3A_730 : memref<1x!tpu.dma_semaphore, #tpu.memory_space<semaphore_mem>> -> memref<!tpu.dma_semaphore, #tpu.memory_space<semaphore_mem>>
      %dma_start3A_732 = tpu.memref_slice %arg5[%mul3A_725] : memref<320000xf32, #tpu.memory_space<hbm>> -> memref<64xf32, #tpu.memory_space<hbm>>
      %dma_start3A_733 = arith.constant 0 : i32
      %dma_start3A_734 = tpu.memref_slice %arg12[%select_n3A_722, %dma_start3A_733] : memref<4x64xf32, #tpu.memory_space<vmem>> -> memref<1x64xf32, #tpu.memory_space<vmem>>
      %dma_start3A_735 = tpu.memref_squeeze %dma_start3A_734 : memref<1x64xf32, #tpu.memory_space<vmem>> -> memref<64xf32, #tpu.memory_space<vmem>>
      tpu.enqueue_dma source(%dma_start3A_735 : memref<64xf32, #tpu.memory_space<vmem>>) target(%dma_start3A_732 : memref<64xf32, #tpu.memory_space<hbm>>) target_semaphore(%dma_start3A_731 : memref<!tpu.dma_semaphore, #tpu.memory_space<semaphore_mem>>)
      %add3A_736 = arith.constant 4 : i32
      %add3A_737 = arith.addi %add3A_613, %add3A_736 : i32
      %lt3A_738 = arith.cmpi slt, %add3A_737, %select_n3A : i32
      %convert_element_type3A_739 = arith.extui %lt3A_738 : i1 to i32
      %cond3A_740 = arith.constant 0 : i32
      %cond3A_741 = arith.cmpi ne, %convert_element_type3A_739, %cond3A_740 : i32
      scf.if %cond3A_741 {
        %add3A_750 = arith.constant 4 : i32
        %add3A_751 = arith.addi %add3A_613, %add3A_750 : i32
        %jit3A_752 = arith.constant 4 : i32
        %eq3A_753 = arith.constant 0 : i32
        %eq3A_754 = arith.cmpi eq, %jit3A_752, %eq3A_753 : i32
        %jit3A_755 = arith.constant 1 : i32
        %select_n3A_756 = arith.select %eq3A_754, %jit3A_755, %jit3A_752 : i32
        %rem3A_757 = arith.remsi %add3A_751, %select_n3A_756 : i32
        %ne3A_758 = arith.constant 0 : i32
        %ne3A_759 = arith.cmpi ne, %rem3A_757, %ne3A_758 : i32
        %lt3A_760 = arith.constant 0 : i32
        %lt3A_761 = arith.cmpi slt, %rem3A_757, %lt3A_760 : i32
        %lt3A_762 = arith.constant 0 : i32
        %lt3A_763 = arith.cmpi slt, %select_n3A_756, %lt3A_762 : i32
        %ne3A_764 = arith.xori %lt3A_761, %lt3A_763 : i1
        %and3A_765 = arith.andi %ne3A_764, %ne3A_759 : i1
        %add3A_766 = arith.addi %rem3A_757, %select_n3A_756 : i32
        %select_n3A_767 = arith.select %and3A_765, %add3A_766, %rem3A_757 : i32
        %add3A_768 = arith.addi %select_n3A_12, %add3A_751 : i32
        %mul3A_769 = arith.constant 64 : i32
        %mul3A_770 = arith.muli %add3A_768, %mul3A_769 : i32
        %dma_start3A_771 = arith.constant 0 : i32
        %dma_start3A_772 = arith.constant 0 : i32
        %dma_start3A_773 = tpu.memref_slice %arg8[%select_n3A_767, %dma_start3A_772] : memref<4x64xi32, #tpu.memory_space<vmem>> -> memref<1x64xi32, #tpu.memory_space<vmem>>
        %dma_start3A_774 = tpu.memref_squeeze %dma_start3A_773 : memref<1x64xi32, #tpu.memory_space<vmem>> -> memref<64xi32, #tpu.memory_space<vmem>>
        %dma_start3A_775 = tpu.memref_slice %arg4[%dma_start3A_771, %mul3A_770] : memref<2x320000xi32, #tpu.memory_space<hbm>> -> memref<1x64xi32, #tpu.memory_space<hbm>>
        %dma_start3A_776 = tpu.memref_squeeze %dma_start3A_775 : memref<1x64xi32, #tpu.memory_space<hbm>> -> memref<64xi32, #tpu.memory_space<hbm>>
        %dma_start3A_777 = tpu.memref_slice %arg17[%select_n3A_767] : memref<4x!tpu.dma_semaphore, #tpu.memory_space<semaphore_mem>> -> memref<1x!tpu.dma_semaphore, #tpu.memory_space<semaphore_mem>>
        %dma_start3A_778 = tpu.memref_squeeze %dma_start3A_777 : memref<1x!tpu.dma_semaphore, #tpu.memory_space<semaphore_mem>> -> memref<!tpu.dma_semaphore, #tpu.memory_space<semaphore_mem>>
        %dma_start3A_779 = arith.constant 0 : i32
        %dma_start3A_780 = tpu.memref_slice %arg8[%select_n3A_767, %dma_start3A_779] : memref<4x64xi32, #tpu.memory_space<vmem>> -> memref<1x64xi32, #tpu.memory_space<vmem>>
        %dma_start3A_781 = tpu.memref_squeeze %dma_start3A_780 : memref<1x64xi32, #tpu.memory_space<vmem>> -> memref<64xi32, #tpu.memory_space<vmem>>
        %dma_start3A_782 = tpu.memref_slice %arg4[%dma_start3A_771, %mul3A_770] : memref<2x320000xi32, #tpu.memory_space<hbm>> -> memref<1x64xi32, #tpu.memory_space<hbm>>
        %dma_start3A_783 = tpu.memref_squeeze %dma_start3A_782 : memref<1x64xi32, #tpu.memory_space<hbm>> -> memref<64xi32, #tpu.memory_space<hbm>>
        tpu.enqueue_dma source(%dma_start3A_783 : memref<64xi32, #tpu.memory_space<hbm>>) target(%dma_start3A_781 : memref<64xi32, #tpu.memory_space<vmem>>) target_semaphore(%dma_start3A_778 : memref<!tpu.dma_semaphore, #tpu.memory_space<semaphore_mem>>)
        %dma_start3A_784 = arith.constant 1 : i32
        %dma_start3A_785 = arith.constant 0 : i32
        %dma_start3A_786 = tpu.memref_slice %arg9[%select_n3A_767, %dma_start3A_785] : memref<4x64xi32, #tpu.memory_space<vmem>> -> memref<1x64xi32, #tpu.memory_space<vmem>>
        %dma_start3A_787 = tpu.memref_squeeze %dma_start3A_786 : memref<1x64xi32, #tpu.memory_space<vmem>> -> memref<64xi32, #tpu.memory_space<vmem>>
        %dma_start3A_788 = tpu.memref_slice %arg4[%dma_start3A_784, %mul3A_770] : memref<2x320000xi32, #tpu.memory_space<hbm>> -> memref<1x64xi32, #tpu.memory_space<hbm>>
        %dma_start3A_789 = tpu.memref_squeeze %dma_start3A_788 : memref<1x64xi32, #tpu.memory_space<hbm>> -> memref<64xi32, #tpu.memory_space<hbm>>
        %dma_start3A_790 = tpu.memref_slice %arg17[%select_n3A_767] : memref<4x!tpu.dma_semaphore, #tpu.memory_space<semaphore_mem>> -> memref<1x!tpu.dma_semaphore, #tpu.memory_space<semaphore_mem>>
        %dma_start3A_791 = tpu.memref_squeeze %dma_start3A_790 : memref<1x!tpu.dma_semaphore, #tpu.memory_space<semaphore_mem>> -> memref<!tpu.dma_semaphore, #tpu.memory_space<semaphore_mem>>
        %dma_start3A_792 = arith.constant 0 : i32
        %dma_start3A_793 = tpu.memref_slice %arg9[%select_n3A_767, %dma_start3A_792] : memref<4x64xi32, #tpu.memory_space<vmem>> -> memref<1x64xi32, #tpu.memory_space<vmem>>
        %dma_start3A_794 = tpu.memref_squeeze %dma_start3A_793 : memref<1x64xi32, #tpu.memory_space<vmem>> -> memref<64xi32, #tpu.memory_space<vmem>>
        %dma_start3A_795 = tpu.memref_slice %arg4[%dma_start3A_784, %mul3A_770] : memref<2x320000xi32, #tpu.memory_space<hbm>> -> memref<1x64xi32, #tpu.memory_space<hbm>>
        %dma_start3A_796 = tpu.memref_squeeze %dma_start3A_795 : memref<1x64xi32, #tpu.memory_space<hbm>> -> memref<64xi32, #tpu.memory_space<hbm>>
        tpu.enqueue_dma source(%dma_start3A_796 : memref<64xi32, #tpu.memory_space<hbm>>) target(%dma_start3A_794 : memref<64xi32, #tpu.memory_space<vmem>>) target_semaphore(%dma_start3A_791 : memref<!tpu.dma_semaphore, #tpu.memory_space<semaphore_mem>>)
      } else {
      }
      %add3A_742 = arith.constant 4 : i32
      %add3A_743 = arith.addi %add3A_613, %add3A_742 : i32
      %sub3A_744 = arith.constant 1 : i32
      %sub3A_745 = arith.subi %add3A_743, %sub3A_744 : i32
      %lt3A_746 = arith.cmpi slt, %sub3A_745, %select_n3A : i32
      %convert_element_type3A_747 = arith.extui %lt3A_746 : i1 to i32
      %cond3A_748 = arith.constant 0 : i32
      %cond3A_749 = arith.cmpi ne, %convert_element_type3A_747, %cond3A_748 : i32
      scf.if %cond3A_749 {
        %add3A_750 = arith.constant 4 : i32
        %add3A_751 = arith.addi %add3A_613, %add3A_750 : i32
        %sub3A_752 = arith.constant 1 : i32
        %sub3A_753 = arith.subi %add3A_751, %sub3A_752 : i32
        %jit3A_754 = arith.constant 4 : i32
        %eq3A_755 = arith.constant 0 : i32
        %eq3A_756 = arith.cmpi eq, %jit3A_754, %eq3A_755 : i32
        %jit3A_757 = arith.constant 1 : i32
        %select_n3A_758 = arith.select %eq3A_756, %jit3A_757, %jit3A_754 : i32
        %rem3A_759 = arith.remsi %sub3A_753, %select_n3A_758 : i32
        %ne3A_760 = arith.constant 0 : i32
        %ne3A_761 = arith.cmpi ne, %rem3A_759, %ne3A_760 : i32
        %lt3A_762 = arith.constant 0 : i32
        %lt3A_763 = arith.cmpi slt, %rem3A_759, %lt3A_762 : i32
        %lt3A_764 = arith.constant 0 : i32
        %lt3A_765 = arith.cmpi slt, %select_n3A_758, %lt3A_764 : i32
        %ne3A_766 = arith.xori %lt3A_763, %lt3A_765 : i1
        %and3A_767 = arith.andi %ne3A_766, %ne3A_761 : i1
        %add3A_768 = arith.addi %rem3A_759, %select_n3A_758 : i32
        %select_n3A_769 = arith.select %and3A_767, %add3A_768, %rem3A_759 : i32
        %add3A_770 = arith.addi %select_n3A_12, %sub3A_753 : i32
        %mul3A_771 = arith.constant 64 : i32
        %mul3A_772 = arith.muli %add3A_770, %mul3A_771 : i32
        %dma_wait3A_773 = arith.constant 0 : i32
        %dma_wait3A_774 = arith.constant 0 : i32
        %dma_wait3A_775 = tpu.memref_slice %arg8[%select_n3A_769, %dma_wait3A_774] : memref<4x64xi32, #tpu.memory_space<vmem>> -> memref<1x64xi32, #tpu.memory_space<vmem>>
        %dma_wait3A_776 = tpu.memref_squeeze %dma_wait3A_775 : memref<1x64xi32, #tpu.memory_space<vmem>> -> memref<64xi32, #tpu.memory_space<vmem>>
        %dma_wait3A_777 = tpu.memref_slice %arg4[%dma_wait3A_773, %mul3A_772] : memref<2x320000xi32, #tpu.memory_space<hbm>> -> memref<1x64xi32, #tpu.memory_space<hbm>>
        %dma_wait3A_778 = tpu.memref_squeeze %dma_wait3A_777 : memref<1x64xi32, #tpu.memory_space<hbm>> -> memref<64xi32, #tpu.memory_space<hbm>>
        %dma_wait3A_779 = tpu.memref_slice %arg17[%select_n3A_769] : memref<4x!tpu.dma_semaphore, #tpu.memory_space<semaphore_mem>> -> memref<1x!tpu.dma_semaphore, #tpu.memory_space<semaphore_mem>>
        %dma_wait3A_780 = tpu.memref_squeeze %dma_wait3A_779 : memref<1x!tpu.dma_semaphore, #tpu.memory_space<semaphore_mem>> -> memref<!tpu.dma_semaphore, #tpu.memory_space<semaphore_mem>>
        %dma_wait3A_781 = arith.constant 0 : i32
        %dma_wait3A_782 = tpu.memref_slice %arg8[%select_n3A_769, %dma_wait3A_781] : memref<4x64xi32, #tpu.memory_space<vmem>> -> memref<1x64xi32, #tpu.memory_space<vmem>>
        %dma_wait3A_783 = tpu.memref_squeeze %dma_wait3A_782 : memref<1x64xi32, #tpu.memory_space<vmem>> -> memref<64xi32, #tpu.memory_space<vmem>>
        %dma_wait3A_784 = tpu.memref_slice %arg4[%dma_wait3A_773, %mul3A_772] : memref<2x320000xi32, #tpu.memory_space<hbm>> -> memref<1x64xi32, #tpu.memory_space<hbm>>
        %dma_wait3A_785 = tpu.memref_squeeze %dma_wait3A_784 : memref<1x64xi32, #tpu.memory_space<hbm>> -> memref<64xi32, #tpu.memory_space<hbm>>
        tpu.wait_dma2 semaphore(%dma_wait3A_780 : memref<!tpu.dma_semaphore, #tpu.memory_space<semaphore_mem>>) src(%dma_wait3A_785 : memref<64xi32, #tpu.memory_space<hbm>>) dst(%dma_wait3A_783 : memref<64xi32, #tpu.memory_space<vmem>>)
        %add3A_786 = arith.addi %select_n3A_12, %sub3A_753 : i32
        %mul3A_787 = arith.constant 64 : i32
        %mul3A_788 = arith.muli %add3A_786, %mul3A_787 : i32
        %dma_wait3A_789 = arith.constant 1 : i32
        %dma_wait3A_790 = arith.constant 0 : i32
        %dma_wait3A_791 = tpu.memref_slice %arg9[%select_n3A_769, %dma_wait3A_790] : memref<4x64xi32, #tpu.memory_space<vmem>> -> memref<1x64xi32, #tpu.memory_space<vmem>>
        %dma_wait3A_792 = tpu.memref_squeeze %dma_wait3A_791 : memref<1x64xi32, #tpu.memory_space<vmem>> -> memref<64xi32, #tpu.memory_space<vmem>>
        %dma_wait3A_793 = tpu.memref_slice %arg4[%dma_wait3A_789, %mul3A_788] : memref<2x320000xi32, #tpu.memory_space<hbm>> -> memref<1x64xi32, #tpu.memory_space<hbm>>
        %dma_wait3A_794 = tpu.memref_squeeze %dma_wait3A_793 : memref<1x64xi32, #tpu.memory_space<hbm>> -> memref<64xi32, #tpu.memory_space<hbm>>
        %dma_wait3A_795 = tpu.memref_slice %arg17[%select_n3A_769] : memref<4x!tpu.dma_semaphore, #tpu.memory_space<semaphore_mem>> -> memref<1x!tpu.dma_semaphore, #tpu.memory_space<semaphore_mem>>
        %dma_wait3A_796 = tpu.memref_squeeze %dma_wait3A_795 : memref<1x!tpu.dma_semaphore, #tpu.memory_space<semaphore_mem>> -> memref<!tpu.dma_semaphore, #tpu.memory_space<semaphore_mem>>
        %dma_wait3A_797 = arith.constant 0 : i32
        %dma_wait3A_798 = tpu.memref_slice %arg9[%select_n3A_769, %dma_wait3A_797] : memref<4x64xi32, #tpu.memory_space<vmem>> -> memref<1x64xi32, #tpu.memory_space<vmem>>
        %dma_wait3A_799 = tpu.memref_squeeze %dma_wait3A_798 : memref<1x64xi32, #tpu.memory_space<vmem>> -> memref<64xi32, #tpu.memory_space<vmem>>
        %dma_wait3A_800 = tpu.memref_slice %arg4[%dma_wait3A_789, %mul3A_788] : memref<2x320000xi32, #tpu.memory_space<hbm>> -> memref<1x64xi32, #tpu.memory_space<hbm>>
        %dma_wait3A_801 = tpu.memref_squeeze %dma_wait3A_800 : memref<1x64xi32, #tpu.memory_space<hbm>> -> memref<64xi32, #tpu.memory_space<hbm>>
        tpu.wait_dma2 semaphore(%dma_wait3A_796 : memref<!tpu.dma_semaphore, #tpu.memory_space<semaphore_mem>>) src(%dma_wait3A_801 : memref<64xi32, #tpu.memory_space<hbm>>) dst(%dma_wait3A_799 : memref<64xi32, #tpu.memory_space<vmem>>)
        %add3A_802 = arith.constant 4 : i32
        %add3A_803 = arith.addi %add3A_613, %add3A_802 : i32
        %sub3A_804 = arith.constant 1 : i32
        %sub3A_805 = arith.subi %add3A_803, %sub3A_804 : i32
        %jit3A_806 = arith.constant 4 : i32
        %eq3A_807 = arith.constant 0 : i32
        %eq3A_808 = arith.cmpi eq, %jit3A_806, %eq3A_807 : i32
        %jit3A_809 = arith.constant 1 : i32
        %select_n3A_810 = arith.select %eq3A_808, %jit3A_809, %jit3A_806 : i32
        %rem3A_811 = arith.remsi %sub3A_805, %select_n3A_810 : i32
        %ne3A_812 = arith.constant 0 : i32
        %ne3A_813 = arith.cmpi ne, %rem3A_811, %ne3A_812 : i32
        %lt3A_814 = arith.constant 0 : i32
        %lt3A_815 = arith.cmpi slt, %rem3A_811, %lt3A_814 : i32
        %lt3A_816 = arith.constant 0 : i32
        %lt3A_817 = arith.cmpi slt, %select_n3A_810, %lt3A_816 : i32
        %ne3A_818 = arith.xori %lt3A_815, %lt3A_817 : i1
        %and3A_819 = arith.andi %ne3A_818, %ne3A_813 : i1
        %add3A_820 = arith.addi %rem3A_811, %select_n3A_810 : i32
        %select_n3A_821 = arith.select %and3A_819, %add3A_820, %rem3A_811 : i32
        %mul3A_822 = arith.muli %sub3A_805, %select_n3A_17 : i32
        %jit3A_823 = arith.constant 8 : i32
        %eq3A_824 = arith.constant 0 : i32
        %eq3A_825 = arith.cmpi eq, %jit3A_823, %eq3A_824 : i32
        %jit3A_826 = arith.constant 1 : i32
        %select_n3A_827 = arith.select %eq3A_825, %jit3A_826, %jit3A_823 : i32
        %rem3A_828 = arith.remsi %mul3A_822, %select_n3A_827 : i32
        %ne3A_829 = arith.constant 0 : i32
        %ne3A_830 = arith.cmpi ne, %rem3A_828, %ne3A_829 : i32
        %lt3A_831 = arith.constant 0 : i32
        %lt3A_832 = arith.cmpi slt, %rem3A_828, %lt3A_831 : i32
        %lt3A_833 = arith.constant 0 : i32
        %lt3A_834 = arith.cmpi slt, %select_n3A_827, %lt3A_833 : i32
        %ne3A_835 = arith.xori %lt3A_832, %lt3A_834 : i1
        %and3A_836 = arith.andi %ne3A_835, %ne3A_830 : i1
        %add3A_837 = arith.addi %rem3A_828, %select_n3A_827 : i32
        %select_n3A_838 = arith.select %and3A_836, %add3A_837, %rem3A_828 : i32
        %lt3A_839 = arith.cmpi slt, %select_n3A_838, %select_n3A_17 : i32
        %mul3A_840 = arith.muli %sub3A_805, %select_n3A_22 : i32
        %jit3A_841 = arith.constant 8 : i32
        %eq3A_842 = arith.constant 0 : i32
        %eq3A_843 = arith.cmpi eq, %jit3A_841, %eq3A_842 : i32
        %jit3A_844 = arith.constant 1 : i32
        %select_n3A_845 = arith.select %eq3A_843, %jit3A_844, %jit3A_841 : i32
        %rem3A_846 = arith.remsi %mul3A_840, %select_n3A_845 : i32
        %ne3A_847 = arith.constant 0 : i32
        %ne3A_848 = arith.cmpi ne, %rem3A_846, %ne3A_847 : i32
        %lt3A_849 = arith.constant 0 : i32
        %lt3A_850 = arith.cmpi slt, %rem3A_846, %lt3A_849 : i32
        %lt3A_851 = arith.constant 0 : i32
        %lt3A_852 = arith.cmpi slt, %select_n3A_845, %lt3A_851 : i32
        %ne3A_853 = arith.xori %lt3A_850, %lt3A_852 : i1
        %and3A_854 = arith.andi %ne3A_853, %ne3A_848 : i1
        %add3A_855 = arith.addi %rem3A_846, %select_n3A_845 : i32
        %select_n3A_856 = arith.select %and3A_854, %add3A_855, %rem3A_846 : i32
        %lt3A_857 = arith.cmpi slt, %select_n3A_856, %select_n3A_22 : i32
        %convert_element_type3A_858 = arith.extui %lt3A_839 : i1 to i32
        %cond3A_859 = arith.constant 0 : i32
        %cond3A_860 = arith.cmpi ne, %convert_element_type3A_858, %cond3A_859 : i32
        scf.if %cond3A_860 {
          %dma_start3A_874 = arith.constant 0 : i32
          %dma_start3A_875 = arith.constant 0 : i32
          %dma_start3A_876 = tpu.memref_slice %arg10[%select_n3A_821, %dma_start3A_874, %dma_start3A_875] : memref<4x64x64xi32, #tpu.memory_space<vmem>> -> memref<1x64x64xi32, #tpu.memory_space<vmem>>
          %dma_start3A_877 = tpu.memref_squeeze %dma_start3A_876 : memref<1x64x64xi32, #tpu.memory_space<vmem>> -> memref<64x64xi32, #tpu.memory_space<vmem>>
          %dma_start3A_878 = arith.constant 0 : i32
          %dma_start3A_879 = tpu.memref_slice %arg8[%select_n3A_821, %dma_start3A_878] : memref<4x64xi32, #tpu.memory_space<vmem>> -> memref<1x64xi32, #tpu.memory_space<vmem>>
          %dma_start3A_880 = tpu.memref_squeeze %dma_start3A_879 : memref<1x64xi32, #tpu.memory_space<vmem>> -> memref<64xi32, #tpu.memory_space<vmem>>
          %dma_start3A_881 = arith.constant 0 : i32
          %dma_start3A_882 = arith.constant 0 : i32
          %dma_start3A_883 = tpu.memref_slice %arg15[%dma_start3A_881, %dma_start3A_882] : memref<10000x64xi32, #tpu.memory_space<vmem_shared>> -> memref<10000x64xi32, #tpu.memory_space<vmem_shared>>
          %dma_start3A_884 = tpu.memref_slice %arg18[%select_n3A_821] : memref<4x!tpu.dma_semaphore, #tpu.memory_space<semaphore_mem>> -> memref<1x!tpu.dma_semaphore, #tpu.memory_space<semaphore_mem>>
          %dma_start3A_885 = tpu.memref_squeeze %dma_start3A_884 : memref<1x!tpu.dma_semaphore, #tpu.memory_space<semaphore_mem>> -> memref<!tpu.dma_semaphore, #tpu.memory_space<semaphore_mem>>
          tpu.enqueue_indirect_dma source(%dma_start3A_883 : memref<10000x64xi32, #tpu.memory_space<vmem_shared>>) target(%dma_start3A_877 : memref<64x64xi32, #tpu.memory_space<vmem>>) offsets(%dma_start3A_880 : memref<64xi32, #tpu.memory_space<vmem>>) semaphore(%dma_start3A_885 : memref<!tpu.dma_semaphore, #tpu.memory_space<semaphore_mem>>)
        } else {
        }
        %not3A_861 = arith.constant true
        %not3A_862 = arith.xori %lt3A_839, %not3A_861 : i1
        %convert_element_type3A_863 = arith.extui %not3A_862 : i1 to i32
        %cond3A_864 = arith.constant 0 : i32
        %cond3A_865 = arith.cmpi ne, %convert_element_type3A_863, %cond3A_864 : i32
        scf.if %cond3A_865 {
          %dma_start3A_874 = arith.constant 0 : i32
          %dma_start3A_875 = arith.constant 0 : i32
          %dma_start3A_876 = tpu.memref_slice %arg10[%select_n3A_821, %dma_start3A_874, %dma_start3A_875] : memref<4x64x64xi32, #tpu.memory_space<vmem>> -> memref<1x64x64xi32, #tpu.memory_space<vmem>>
          %dma_start3A_877 = tpu.memref_squeeze %dma_start3A_876 : memref<1x64x64xi32, #tpu.memory_space<vmem>> -> memref<64x64xi32, #tpu.memory_space<vmem>>
          %dma_start3A_878 = arith.constant 0 : i32
          %dma_start3A_879 = tpu.memref_slice %arg8[%select_n3A_821, %dma_start3A_878] : memref<4x64xi32, #tpu.memory_space<vmem>> -> memref<1x64xi32, #tpu.memory_space<vmem>>
          %dma_start3A_880 = tpu.memref_squeeze %dma_start3A_879 : memref<1x64xi32, #tpu.memory_space<vmem>> -> memref<64xi32, #tpu.memory_space<vmem>>
          %dma_start3A_881 = arith.constant 0 : i32
          %dma_start3A_882 = arith.constant 0 : i32
          %dma_start3A_883 = tpu.memref_slice %arg6[%arg0, %dma_start3A_881, %dma_start3A_882] : memref<2x10000x64xi32, #tpu.memory_space<hbm>> -> memref<1x10000x64xi32, #tpu.memory_space<hbm>>
          %dma_start3A_884 = tpu.memref_squeeze %dma_start3A_883 : memref<1x10000x64xi32, #tpu.memory_space<hbm>> -> memref<10000x64xi32, #tpu.memory_space<hbm>>
          %dma_start3A_885 = arith.constant 0 : i32
          %dma_start3A_886 = arith.constant 0 : i32
          %dma_start3A_887 = tpu.memref_slice %dma_start3A_884[%dma_start3A_885, %dma_start3A_886] : memref<10000x64xi32, #tpu.memory_space<hbm>> -> memref<10000x64xi32, #tpu.memory_space<hbm>>
          %dma_start3A_888 = tpu.memref_slice %arg18[%select_n3A_821] : memref<4x!tpu.dma_semaphore, #tpu.memory_space<semaphore_mem>> -> memref<1x!tpu.dma_semaphore, #tpu.memory_space<semaphore_mem>>
          %dma_start3A_889 = tpu.memref_squeeze %dma_start3A_888 : memref<1x!tpu.dma_semaphore, #tpu.memory_space<semaphore_mem>> -> memref<!tpu.dma_semaphore, #tpu.memory_space<semaphore_mem>>
          tpu.enqueue_indirect_dma source(%dma_start3A_887 : memref<10000x64xi32, #tpu.memory_space<hbm>>) target(%dma_start3A_877 : memref<64x64xi32, #tpu.memory_space<vmem>>) offsets(%dma_start3A_880 : memref<64xi32, #tpu.memory_space<vmem>>) semaphore(%dma_start3A_889 : memref<!tpu.dma_semaphore, #tpu.memory_space<semaphore_mem>>)
        } else {
        }
        %convert_element_type3A_866 = arith.extui %lt3A_857 : i1 to i32
        %cond3A_867 = arith.constant 0 : i32
        %cond3A_868 = arith.cmpi ne, %convert_element_type3A_866, %cond3A_867 : i32
        scf.if %cond3A_868 {
          %dma_start3A_874 = arith.constant 0 : i32
          %dma_start3A_875 = arith.constant 0 : i32
          %dma_start3A_876 = tpu.memref_slice %arg11[%select_n3A_821, %dma_start3A_874, %dma_start3A_875] : memref<4x64x64xi32, #tpu.memory_space<vmem>> -> memref<1x64x64xi32, #tpu.memory_space<vmem>>
          %dma_start3A_877 = tpu.memref_squeeze %dma_start3A_876 : memref<1x64x64xi32, #tpu.memory_space<vmem>> -> memref<64x64xi32, #tpu.memory_space<vmem>>
          %dma_start3A_878 = arith.constant 0 : i32
          %dma_start3A_879 = tpu.memref_slice %arg9[%select_n3A_821, %dma_start3A_878] : memref<4x64xi32, #tpu.memory_space<vmem>> -> memref<1x64xi32, #tpu.memory_space<vmem>>
          %dma_start3A_880 = tpu.memref_squeeze %dma_start3A_879 : memref<1x64xi32, #tpu.memory_space<vmem>> -> memref<64xi32, #tpu.memory_space<vmem>>
          %dma_start3A_881 = arith.constant 0 : i32
          %dma_start3A_882 = arith.constant 0 : i32
          %dma_start3A_883 = tpu.memref_slice %arg16[%dma_start3A_881, %dma_start3A_882] : memref<10000x64xi32, #tpu.memory_space<vmem_shared>> -> memref<10000x64xi32, #tpu.memory_space<vmem_shared>>
          %dma_start3A_884 = tpu.memref_slice %arg19[%select_n3A_821] : memref<4x!tpu.dma_semaphore, #tpu.memory_space<semaphore_mem>> -> memref<1x!tpu.dma_semaphore, #tpu.memory_space<semaphore_mem>>
          %dma_start3A_885 = tpu.memref_squeeze %dma_start3A_884 : memref<1x!tpu.dma_semaphore, #tpu.memory_space<semaphore_mem>> -> memref<!tpu.dma_semaphore, #tpu.memory_space<semaphore_mem>>
          tpu.enqueue_indirect_dma source(%dma_start3A_883 : memref<10000x64xi32, #tpu.memory_space<vmem_shared>>) target(%dma_start3A_877 : memref<64x64xi32, #tpu.memory_space<vmem>>) offsets(%dma_start3A_880 : memref<64xi32, #tpu.memory_space<vmem>>) semaphore(%dma_start3A_885 : memref<!tpu.dma_semaphore, #tpu.memory_space<semaphore_mem>>)
        } else {
        }
        %not3A_869 = arith.constant true
        %not3A_870 = arith.xori %lt3A_857, %not3A_869 : i1
        %convert_element_type3A_871 = arith.extui %not3A_870 : i1 to i32
        %cond3A_872 = arith.constant 0 : i32
        %cond3A_873 = arith.cmpi ne, %convert_element_type3A_871, %cond3A_872 : i32
        scf.if %cond3A_873 {
          %dma_start3A_874 = arith.constant 0 : i32
          %dma_start3A_875 = arith.constant 0 : i32
          %dma_start3A_876 = tpu.memref_slice %arg11[%select_n3A_821, %dma_start3A_874, %dma_start3A_875] : memref<4x64x64xi32, #tpu.memory_space<vmem>> -> memref<1x64x64xi32, #tpu.memory_space<vmem>>
          %dma_start3A_877 = tpu.memref_squeeze %dma_start3A_876 : memref<1x64x64xi32, #tpu.memory_space<vmem>> -> memref<64x64xi32, #tpu.memory_space<vmem>>
          %dma_start3A_878 = arith.constant 0 : i32
          %dma_start3A_879 = tpu.memref_slice %arg9[%select_n3A_821, %dma_start3A_878] : memref<4x64xi32, #tpu.memory_space<vmem>> -> memref<1x64xi32, #tpu.memory_space<vmem>>
          %dma_start3A_880 = tpu.memref_squeeze %dma_start3A_879 : memref<1x64xi32, #tpu.memory_space<vmem>> -> memref<64xi32, #tpu.memory_space<vmem>>
          %dma_start3A_881 = arith.constant 0 : i32
          %dma_start3A_882 = arith.constant 0 : i32
          %dma_start3A_883 = tpu.memref_slice %arg7[%arg0, %dma_start3A_881, %dma_start3A_882] : memref<2x10000x64xi32, #tpu.memory_space<hbm>> -> memref<1x10000x64xi32, #tpu.memory_space<hbm>>
          %dma_start3A_884 = tpu.memref_squeeze %dma_start3A_883 : memref<1x10000x64xi32, #tpu.memory_space<hbm>> -> memref<10000x64xi32, #tpu.memory_space<hbm>>
          %dma_start3A_885 = arith.constant 0 : i32
          %dma_start3A_886 = arith.constant 0 : i32
          %dma_start3A_887 = tpu.memref_slice %dma_start3A_884[%dma_start3A_885, %dma_start3A_886] : memref<10000x64xi32, #tpu.memory_space<hbm>> -> memref<10000x64xi32, #tpu.memory_space<hbm>>
          %dma_start3A_888 = tpu.memref_slice %arg19[%select_n3A_821] : memref<4x!tpu.dma_semaphore, #tpu.memory_space<semaphore_mem>> -> memref<1x!tpu.dma_semaphore, #tpu.memory_space<semaphore_mem>>
          %dma_start3A_889 = tpu.memref_squeeze %dma_start3A_888 : memref<1x!tpu.dma_semaphore, #tpu.memory_space<semaphore_mem>> -> memref<!tpu.dma_semaphore, #tpu.memory_space<semaphore_mem>>
          tpu.enqueue_indirect_dma source(%dma_start3A_887 : memref<10000x64xi32, #tpu.memory_space<hbm>>) target(%dma_start3A_877 : memref<64x64xi32, #tpu.memory_space<vmem>>) offsets(%dma_start3A_880 : memref<64xi32, #tpu.memory_space<vmem>>) semaphore(%dma_start3A_889 : memref<!tpu.dma_semaphore, #tpu.memory_space<semaphore_mem>>)
        } else {
        }
      } else {
      }
    }
    %sub3A_479 = arith.constant 4 : i32
    %sub3A_480 = arith.subi %select_n3A, %sub3A_479 : i32
    %add3A_481 = arith.constant 0 : i32
    %add3A_482 = arith.addi %sub3A_480, %add3A_481 : i32
    %jit3A_483 = arith.constant 4 : i32
    %eq3A_484 = arith.constant 0 : i32
    %eq3A_485 = arith.cmpi eq, %jit3A_483, %eq3A_484 : i32
    %jit3A_486 = arith.constant 1 : i32
    %select_n3A_487 = arith.select %eq3A_485, %jit3A_486, %jit3A_483 : i32
    %rem3A_488 = arith.remsi %add3A_482, %select_n3A_487 : i32
    %ne3A_489 = arith.constant 0 : i32
    %ne3A_490 = arith.cmpi ne, %rem3A_488, %ne3A_489 : i32
    %lt3A_491 = arith.constant 0 : i32
    %lt3A_492 = arith.cmpi slt, %rem3A_488, %lt3A_491 : i32
    %lt3A_493 = arith.constant 0 : i32
    %lt3A_494 = arith.cmpi slt, %select_n3A_487, %lt3A_493 : i32
    %ne3A_495 = arith.xori %lt3A_492, %lt3A_494 : i1
    %and3A_496 = arith.andi %ne3A_495, %ne3A_490 : i1
    %add3A_497 = arith.addi %rem3A_488, %select_n3A_487 : i32
    %select_n3A_498 = arith.select %and3A_496, %add3A_497, %rem3A_488 : i32
    %add3A_499 = arith.addi %select_n3A_12, %add3A_482 : i32
    %mul3A_500 = arith.constant 64 : i32
    %mul3A_501 = arith.muli %add3A_499, %mul3A_500 : i32
    %dma_wait3A_502 = arith.constant 0 : i32
    %dma_wait3A_503 = tpu.memref_slice %arg12[%select_n3A_498, %dma_wait3A_502] : memref<4x64xf32, #tpu.memory_space<vmem>> -> memref<1x64xf32, #tpu.memory_space<vmem>>
    %dma_wait3A_504 = tpu.memref_squeeze %dma_wait3A_503 : memref<1x64xf32, #tpu.memory_space<vmem>> -> memref<64xf32, #tpu.memory_space<vmem>>
    %dma_wait3A_505 = tpu.memref_slice %arg5[%mul3A_501] : memref<320000xf32, #tpu.memory_space<hbm>> -> memref<64xf32, #tpu.memory_space<hbm>>
    %dma_wait3A_506 = tpu.memref_slice %arg20[%select_n3A_498] : memref<4x!tpu.dma_semaphore, #tpu.memory_space<semaphore_mem>> -> memref<1x!tpu.dma_semaphore, #tpu.memory_space<semaphore_mem>>
    %dma_wait3A_507 = tpu.memref_squeeze %dma_wait3A_506 : memref<1x!tpu.dma_semaphore, #tpu.memory_space<semaphore_mem>> -> memref<!tpu.dma_semaphore, #tpu.memory_space<semaphore_mem>>
    %dma_wait3A_508 = tpu.memref_slice %arg5[%mul3A_501] : memref<320000xf32, #tpu.memory_space<hbm>> -> memref<64xf32, #tpu.memory_space<hbm>>
    %dma_wait3A_509 = arith.constant 0 : i32
    %dma_wait3A_510 = tpu.memref_slice %arg12[%select_n3A_498, %dma_wait3A_509] : memref<4x64xf32, #tpu.memory_space<vmem>> -> memref<1x64xf32, #tpu.memory_space<vmem>>
    %dma_wait3A_511 = tpu.memref_squeeze %dma_wait3A_510 : memref<1x64xf32, #tpu.memory_space<vmem>> -> memref<64xf32, #tpu.memory_space<vmem>>
    tpu.wait_dma2 semaphore(%dma_wait3A_507 : memref<!tpu.dma_semaphore, #tpu.memory_space<semaphore_mem>>) src(%dma_wait3A_511 : memref<64xf32, #tpu.memory_space<vmem>>) dst(%dma_wait3A_508 : memref<64xf32, #tpu.memory_space<hbm>>)
    %sub3A_512 = arith.constant 4 : i32
    %sub3A_513 = arith.subi %select_n3A, %sub3A_512 : i32
    %add3A_514 = arith.constant 1 : i32
    %add3A_515 = arith.addi %sub3A_513, %add3A_514 : i32
    %jit3A_516 = arith.constant 4 : i32
    %eq3A_517 = arith.constant 0 : i32
    %eq3A_518 = arith.cmpi eq, %jit3A_516, %eq3A_517 : i32
    %jit3A_519 = arith.constant 1 : i32
    %select_n3A_520 = arith.select %eq3A_518, %jit3A_519, %jit3A_516 : i32
    %rem3A_521 = arith.remsi %add3A_515, %select_n3A_520 : i32
    %ne3A_522 = arith.constant 0 : i32
    %ne3A_523 = arith.cmpi ne, %rem3A_521, %ne3A_522 : i32
    %lt3A_524 = arith.constant 0 : i32
    %lt3A_525 = arith.cmpi slt, %rem3A_521, %lt3A_524 : i32
    %lt3A_526 = arith.constant 0 : i32
    %lt3A_527 = arith.cmpi slt, %select_n3A_520, %lt3A_526 : i32
    %ne3A_528 = arith.xori %lt3A_525, %lt3A_527 : i1
    %and3A_529 = arith.andi %ne3A_528, %ne3A_523 : i1
    %add3A_530 = arith.addi %rem3A_521, %select_n3A_520 : i32
    %select_n3A_531 = arith.select %and3A_529, %add3A_530, %rem3A_521 : i32
    %add3A_532 = arith.addi %select_n3A_12, %add3A_515 : i32
    %mul3A_533 = arith.constant 64 : i32
    %mul3A_534 = arith.muli %add3A_532, %mul3A_533 : i32
    %dma_wait3A_535 = arith.constant 0 : i32
    %dma_wait3A_536 = tpu.memref_slice %arg12[%select_n3A_531, %dma_wait3A_535] : memref<4x64xf32, #tpu.memory_space<vmem>> -> memref<1x64xf32, #tpu.memory_space<vmem>>
    %dma_wait3A_537 = tpu.memref_squeeze %dma_wait3A_536 : memref<1x64xf32, #tpu.memory_space<vmem>> -> memref<64xf32, #tpu.memory_space<vmem>>
    %dma_wait3A_538 = tpu.memref_slice %arg5[%mul3A_534] : memref<320000xf32, #tpu.memory_space<hbm>> -> memref<64xf32, #tpu.memory_space<hbm>>
    %dma_wait3A_539 = tpu.memref_slice %arg20[%select_n3A_531] : memref<4x!tpu.dma_semaphore, #tpu.memory_space<semaphore_mem>> -> memref<1x!tpu.dma_semaphore, #tpu.memory_space<semaphore_mem>>
    %dma_wait3A_540 = tpu.memref_squeeze %dma_wait3A_539 : memref<1x!tpu.dma_semaphore, #tpu.memory_space<semaphore_mem>> -> memref<!tpu.dma_semaphore, #tpu.memory_space<semaphore_mem>>
    %dma_wait3A_541 = tpu.memref_slice %arg5[%mul3A_534] : memref<320000xf32, #tpu.memory_space<hbm>> -> memref<64xf32, #tpu.memory_space<hbm>>
    %dma_wait3A_542 = arith.constant 0 : i32
    %dma_wait3A_543 = tpu.memref_slice %arg12[%select_n3A_531, %dma_wait3A_542] : memref<4x64xf32, #tpu.memory_space<vmem>> -> memref<1x64xf32, #tpu.memory_space<vmem>>
    %dma_wait3A_544 = tpu.memref_squeeze %dma_wait3A_543 : memref<1x64xf32, #tpu.memory_space<vmem>> -> memref<64xf32, #tpu.memory_space<vmem>>
    tpu.wait_dma2 semaphore(%dma_wait3A_540 : memref<!tpu.dma_semaphore, #tpu.memory_space<semaphore_mem>>) src(%dma_wait3A_544 : memref<64xf32, #tpu.memory_space<vmem>>) dst(%dma_wait3A_541 : memref<64xf32, #tpu.memory_space<hbm>>)
    %sub3A_545 = arith.constant 4 : i32
    %sub3A_546 = arith.subi %select_n3A, %sub3A_545 : i32
    %add3A_547 = arith.constant 2 : i32
    %add3A_548 = arith.addi %sub3A_546, %add3A_547 : i32
    %jit3A_549 = arith.constant 4 : i32
    %eq3A_550 = arith.constant 0 : i32
    %eq3A_551 = arith.cmpi eq, %jit3A_549, %eq3A_550 : i32
    %jit3A_552 = arith.constant 1 : i32
    %select_n3A_553 = arith.select %eq3A_551, %jit3A_552, %jit3A_549 : i32
    %rem3A_554 = arith.remsi %add3A_548, %select_n3A_553 : i32
    %ne3A_555 = arith.constant 0 : i32
    %ne3A_556 = arith.cmpi ne, %rem3A_554, %ne3A_555 : i32
    %lt3A_557 = arith.constant 0 : i32
    %lt3A_558 = arith.cmpi slt, %rem3A_554, %lt3A_557 : i32
    %lt3A_559 = arith.constant 0 : i32
    %lt3A_560 = arith.cmpi slt, %select_n3A_553, %lt3A_559 : i32
    %ne3A_561 = arith.xori %lt3A_558, %lt3A_560 : i1
    %and3A_562 = arith.andi %ne3A_561, %ne3A_556 : i1
    %add3A_563 = arith.addi %rem3A_554, %select_n3A_553 : i32
    %select_n3A_564 = arith.select %and3A_562, %add3A_563, %rem3A_554 : i32
    %add3A_565 = arith.addi %select_n3A_12, %add3A_548 : i32
    %mul3A_566 = arith.constant 64 : i32
    %mul3A_567 = arith.muli %add3A_565, %mul3A_566 : i32
    %dma_wait3A_568 = arith.constant 0 : i32
    %dma_wait3A_569 = tpu.memref_slice %arg12[%select_n3A_564, %dma_wait3A_568] : memref<4x64xf32, #tpu.memory_space<vmem>> -> memref<1x64xf32, #tpu.memory_space<vmem>>
    %dma_wait3A_570 = tpu.memref_squeeze %dma_wait3A_569 : memref<1x64xf32, #tpu.memory_space<vmem>> -> memref<64xf32, #tpu.memory_space<vmem>>
    %dma_wait3A_571 = tpu.memref_slice %arg5[%mul3A_567] : memref<320000xf32, #tpu.memory_space<hbm>> -> memref<64xf32, #tpu.memory_space<hbm>>
    %dma_wait3A_572 = tpu.memref_slice %arg20[%select_n3A_564] : memref<4x!tpu.dma_semaphore, #tpu.memory_space<semaphore_mem>> -> memref<1x!tpu.dma_semaphore, #tpu.memory_space<semaphore_mem>>
    %dma_wait3A_573 = tpu.memref_squeeze %dma_wait3A_572 : memref<1x!tpu.dma_semaphore, #tpu.memory_space<semaphore_mem>> -> memref<!tpu.dma_semaphore, #tpu.memory_space<semaphore_mem>>
    %dma_wait3A_574 = tpu.memref_slice %arg5[%mul3A_567] : memref<320000xf32, #tpu.memory_space<hbm>> -> memref<64xf32, #tpu.memory_space<hbm>>
    %dma_wait3A_575 = arith.constant 0 : i32
    %dma_wait3A_576 = tpu.memref_slice %arg12[%select_n3A_564, %dma_wait3A_575] : memref<4x64xf32, #tpu.memory_space<vmem>> -> memref<1x64xf32, #tpu.memory_space<vmem>>
    %dma_wait3A_577 = tpu.memref_squeeze %dma_wait3A_576 : memref<1x64xf32, #tpu.memory_space<vmem>> -> memref<64xf32, #tpu.memory_space<vmem>>
    tpu.wait_dma2 semaphore(%dma_wait3A_573 : memref<!tpu.dma_semaphore, #tpu.memory_space<semaphore_mem>>) src(%dma_wait3A_577 : memref<64xf32, #tpu.memory_space<vmem>>) dst(%dma_wait3A_574 : memref<64xf32, #tpu.memory_space<hbm>>)
    %sub3A_578 = arith.constant 4 : i32
    %sub3A_579 = arith.subi %select_n3A, %sub3A_578 : i32
    %add3A_580 = arith.constant 3 : i32
    %add3A_581 = arith.addi %sub3A_579, %add3A_580 : i32
    %jit3A_582 = arith.constant 4 : i32
    %eq3A_583 = arith.constant 0 : i32
    %eq3A_584 = arith.cmpi eq, %jit3A_582, %eq3A_583 : i32
    %jit3A_585 = arith.constant 1 : i32
    %select_n3A_586 = arith.select %eq3A_584, %jit3A_585, %jit3A_582 : i32
    %rem3A_587 = arith.remsi %add3A_581, %select_n3A_586 : i32
    %ne3A_588 = arith.constant 0 : i32
    %ne3A_589 = arith.cmpi ne, %rem3A_587, %ne3A_588 : i32
    %lt3A_590 = arith.constant 0 : i32
    %lt3A_591 = arith.cmpi slt, %rem3A_587, %lt3A_590 : i32
    %lt3A_592 = arith.constant 0 : i32
    %lt3A_593 = arith.cmpi slt, %select_n3A_586, %lt3A_592 : i32
    %ne3A_594 = arith.xori %lt3A_591, %lt3A_593 : i1
    %and3A_595 = arith.andi %ne3A_594, %ne3A_589 : i1
    %add3A_596 = arith.addi %rem3A_587, %select_n3A_586 : i32
    %select_n3A_597 = arith.select %and3A_595, %add3A_596, %rem3A_587 : i32
    %add3A_598 = arith.addi %select_n3A_12, %add3A_581 : i32
    %mul3A_599 = arith.constant 64 : i32
    %mul3A_600 = arith.muli %add3A_598, %mul3A_599 : i32
    %dma_wait3A_601 = arith.constant 0 : i32
    %dma_wait3A_602 = tpu.memref_slice %arg12[%select_n3A_597, %dma_wait3A_601] : memref<4x64xf32, #tpu.memory_space<vmem>> -> memref<1x64xf32, #tpu.memory_space<vmem>>
    %dma_wait3A_603 = tpu.memref_squeeze %dma_wait3A_602 : memref<1x64xf32, #tpu.memory_space<vmem>> -> memref<64xf32, #tpu.memory_space<vmem>>
    %dma_wait3A_604 = tpu.memref_slice %arg5[%mul3A_600] : memref<320000xf32, #tpu.memory_space<hbm>> -> memref<64xf32, #tpu.memory_space<hbm>>
    %dma_wait3A_605 = tpu.memref_slice %arg20[%select_n3A_597] : memref<4x!tpu.dma_semaphore, #tpu.memory_space<semaphore_mem>> -> memref<1x!tpu.dma_semaphore, #tpu.memory_space<semaphore_mem>>
    %dma_wait3A_606 = tpu.memref_squeeze %dma_wait3A_605 : memref<1x!tpu.dma_semaphore, #tpu.memory_space<semaphore_mem>> -> memref<!tpu.dma_semaphore, #tpu.memory_space<semaphore_mem>>
    %dma_wait3A_607 = tpu.memref_slice %arg5[%mul3A_600] : memref<320000xf32, #tpu.memory_space<hbm>> -> memref<64xf32, #tpu.memory_space<hbm>>
    %dma_wait3A_608 = arith.constant 0 : i32
    %dma_wait3A_609 = tpu.memref_slice %arg12[%select_n3A_597, %dma_wait3A_608] : memref<4x64xf32, #tpu.memory_space<vmem>> -> memref<1x64xf32, #tpu.memory_space<vmem>>
    %dma_wait3A_610 = tpu.memref_squeeze %dma_wait3A_609 : memref<1x64xf32, #tpu.memory_space<vmem>> -> memref<64xf32, #tpu.memory_space<vmem>>
    tpu.wait_dma2 semaphore(%dma_wait3A_606 : memref<!tpu.dma_semaphore, #tpu.memory_space<semaphore_mem>>) src(%dma_wait3A_610 : memref<64xf32, #tpu.memory_space<vmem>>) dst(%dma_wait3A_607 : memref<64xf32, #tpu.memory_space<hbm>>)
    return
  }
}

</mosaic_0001>

<sc_bundles>
// kernel: kernel.3.cloned.1.call-start
scs
__scs_entry_jumppad:
0x0: {  	(pc) =	sbr.rel $0x88, $3  }
0x1: {  	(tag) =	ssettag $0x0;
	lr =	simm.s32 $0x1  }
0x2: {  	[smem:$0x3F9E] =	sst lr;
	_ =	strace $0xD0000000  }
0x3: {  	_ = 	snop  }
0x4: {  	_ = 	snop  }
0x5: {  	_ = 	snop  }
0x6: {  	_ = 	snop  }
0x7: {  	_ = 	snop  }
__scs_overlays_trampoline_lowered:
0x8: {  	[smem:$0x3FAD] =	sst s0  }
0x9: {  	[smem:$0x3FAE] =	sst s1  }
0xa: {  	[smem:$0x3FAF] =	sst s2  }
0xb: {  	[smem:$0x3FB0] =	sst s3  }
0xc: {  	[smem:$0x3FB1] =	sst s4  }
0xd: {  	[smem:$0x3FB2] =	sst s5  }
0xe: {  	[smem:$0x3FB3] =	sst s6  }
0xf: {  	[smem:$0x3FB4] =	sst s7  }
0x10: {  	[smem:$0x3FB5] =	sst s8  }
0x11: {  	[smem:$0x3FB6] =	sst s9;
	s0 =	simm.s32 @!p0 $0x0  }
0x12: {  	s1 =	sld [smem:$0x3F9C];
	s0 =	simm.s32 @p0 $0x1  }
0x13: {  	[smem:$0x3FB7] =	sst s0;
	s0 =	simm.s32 @!p1 $0x0  }
0x14: {  	s2 =	sld [smem:$0x3F9B];
	s0 =	simm.s32 @p1 $0x1  }
0x15: {  	[smem:$0x3FB8] =	sst s0;
	s0 =	simm.s32 @!p2 $0x0  }
0x16: {  	s3 =	sld [smem:$0x3FDB];
	s0 =	simm.s32 @p2 $0x1  }
0x17: {  	s4 =	simm.s32 $0x1BF5;
	[smem:$0x3FBA] =	sst s0  }
0x18: {  	s0 =	sld [smem:$0x3F9D];
	_ =	swait.ge [sflag:s4], $0x0  }
0x19: {  	s7 =	sld [smem:$0x3F9E]  }
0x1a: {  	s8 =	sadd.s32 $0xFFFFE003, lr  }
0x1b: {  	s9 =	sadd.s32 $0xFFFFFEF7, lr;
	s5 =	simm.s32 $0xFFFFFFFF;
	p2 =	slt.u32 s8, $0xFFFFF086  }
0x1c: {  	p1 =	slt.u32 s9, $0xF7A;
	s5 =	simm.s32 @!p2 $0x0  }
0x1d: {  	s5 =	simm.s32 @p1 $0x1;
	p0 =	seq.s32 s7, s2  }
0x1e: {  	s7 =	smul.u32 @!p0 $0xF7A, s2;
	p2 =	seq.s32 @!p0 s5, $0x0  }
0x1f: {  	s9 =	smul.u32 $0xF7A, s1;
	s8 =	simm.s32 @!p0 $0x1BF5;
	p2 =	por !p2, p0  }
0x20: {  	[sflag:s8] =	ssyncset.s32 @!p0 $0xFFFFF086;
	s6 =	sadd.s32 @!p0 s3, s7;
	s7 =	simm.s32 @!p0 $0x108  }
0x21: {  	s3 =	sadd.s32 s3, s9;
	s6 =	sadd.s32 @!p0 $0x88, s6;
	s7 =	simm.s32 @p2 $0x1082  }
0x22: {  	[simem:s7], [sflag:s8] =	dma.local @!p0 [hbm:s6], $0xF7A  }
0x23: {  	s9 =	sor.u32 $0xD0000000, s2;
	s6 =	simm.s32 $0x108;
	_ =	swait.ge @!p0 [sflag:s8], $0x0  }
0x24: {  	s3 =	sadd.s32 $0x88, s3;
	s6 =	simm.s32 @!p1 $0x1082;
	[sflag:s4] =	ssyncset.s32 $0xFFFFF086  }
0x25: {  	[simem:s6], [sflag:s4] =	dma.local [hbm:s3], $0xF7A  }
0x26: {  	[smem:$0x3F9E] =	sst s1;
	(tag) =	ssettag s2;
	_ =	strace s9  }
0x27: {  	s1 =	sld [smem:$0x3FAE]  }
0x28: {  	s2 =	sld [smem:$0x3FAF]  }
0x29: {  	s4 =	sld [smem:$0x3FB1]  }
0x2a: {  	p0 =	seq.s32 s5, $0x0;
	s5 =	sld [smem:$0x3FB2]  }
0x2b: {  	s6 =	sld [smem:$0x3FB3]  }
0x2c: {  	s7 =	sld [smem:$0x3FB4]  }
0x2d: {  	s3 =	simm.s32 $0x108;
	s8 =	sld [smem:$0x3FB5]  }
0x2e: {  	s3 =	simm.s32 @!p0 $0x1082;
	s9 =	sld [smem:$0x3FB6]  }
0x2f: {  	lr =	sadd.s32 s0, s3;
	s0 =	sld [smem:$0x3FAD]  }
0x30: {  	s3 =	sld [smem:$0x3FB0]  }
0x31: {  	[smem:$0x3FB9] =	sst s10  }
0x32: {  	s10 =	sld [smem:$0x3FB7];
	_ =	sdelay $0x3  }
0x33: {  	p0 =	seq.s32 s10, $0x1;
	s10 =	sld [smem:$0x3FB9];
	_ =	sdelay $0x3  }
0x34: {  	[smem:$0x3FB9] =	sst s10  }
0x35: {  	s10 =	sld [smem:$0x3FB8];
	_ =	sdelay $0x3  }
0x36: {  	p1 =	seq.s32 s10, $0x1;
	s10 =	sld [smem:$0x3FB9];
	_ =	sdelay $0x3  }
0x37: {  	[smem:$0x3FB9] =	sst s10  }
0x38: {  	s10 =	sld [smem:$0x3FBA]  }
0x39: {  	_ = 	snop;
	(pc) =	sbr.ind lr, $3  }
0x3a: {  	_ = 	snop  }
0x3b: {  	_ = 	snop  }
0x3c: {  	p2 =	seq.s32 s10, $0x1;
	s10 =	sld [smem:$0x3FB9]  }
0x3d: {  	_ =	shalt  }
0x3e: {  	_ =	shalt  }
0x3f: {  	_ =	shalt  }
0x40: {  	_ =	shalt  }
0x41: {  	_ =	shalt  }
0x42: {  	_ =	shalt  }
0x43: {  	_ =	shalt  }
0x44: {  	_ =	shalt  }
0x45: {  	_ =	shalt  }
0x46: {  	_ =	shalt  }
0x47: {  	_ =	shalt  }
0x48: {  	_ =	shalt  }
0x49: {  	_ =	shalt  }
0x4a: {  	_ =	shalt  }
0x4b: {  	_ =	shalt  }
0x4c: {  	_ =	shalt  }
0x4d: {  	_ =	shalt  }
0x4e: {  	_ =	shalt  }
0x4f: {  	_ =	shalt  }
0x50: {  	_ =	shalt  }
0x51: {  	_ =	shalt  }
0x52: {  	_ =	shalt  }
0x53: {  	_ =	shalt  }
0x54: {  	_ =	shalt  }
0x55: {  	_ =	shalt  }
0x56: {  	_ =	shalt  }
0x57: {  	_ =	shalt  }
0x58: {  	_ =	shalt  }
0x59: {  	_ =	shalt  }
0x5a: {  	_ =	shalt  }
0x5b: {  	_ =	shalt  }
0x5c: {  	_ =	shalt  }
0x5d: {  	_ =	shalt  }
0x5e: {  	_ =	shalt  }
0x5f: {  	_ =	shalt  }
0x60: {  	_ =	shalt  }
0x61: {  	_ =	shalt  }
0x62: {  	_ =	shalt  }
0x63: {  	_ =	shalt  }
0x64: {  	_ =	shalt  }
0x65: {  	_ =	shalt  }
0x66: {  	_ =	shalt  }
0x67: {  	_ =	shalt  }
0x68: {  	_ =	shalt  }
0x69: {  	_ =	shalt  }
0x6a: {  	_ =	shalt  }
0x6b: {  	_ =	shalt  }
0x6c: {  	_ =	shalt  }
0x6d: {  	_ =	shalt  }
0x6e: {  	_ =	shalt  }
0x6f: {  	_ =	shalt  }
0x70: {  	_ =	shalt  }
0x71: {  	_ =	shalt  }
0x72: {  	_ =	shalt  }
0x73: {  	_ =	shalt  }
0x74: {  	_ =	shalt  }
0x75: {  	_ =	shalt  }
0x76: {  	_ =	shalt  }
0x77: {  	_ =	shalt  }
0x78: {  	_ =	shalt  }
0x79: {  	_ =	shalt  }
0x7a: {  	_ =	shalt  }
0x7b: {  	_ =	shalt  }
0x7c: {  	_ =	shalt  }
0x7d: {  	_ =	shalt  }
0x7e: {  	_ =	shalt  }
0x7f: {  	_ =	shalt  }
0x80: {  	_ =	shalt  }
0x81: {  	_ =	shalt  }
0x82: {  	_ =	shalt  }
0x83: {  	_ =	shalt  }
0x84: {  	_ =	shalt  }
0x85: {  	_ =	shalt  }
0x86: {  	_ =	shalt  }
0x87: {  	_ =	shalt  }
.Lfunc_end0:
.L_simem_size_0:
called_computation_lowered:
.L_overlay_start_0:
0x88: {  	s2 =	sld [smem:$0x3FD9]  }
0x89: {  	s3 =	sld [smem:$0x3FFE];
	_ =	sdelay $0x1  }
0x8a: {  	s1 =	srdreg.scid  }
0x8b: {  	s0 =	sand.u32 $0x1, s1  }
0x8c: {  	s17 =	sshll.u32 s0, $0xA;
	s2 =	sadd.s32 s3, s2  }
0x8d: {  	s2 =	sadd.s32 s2, s17  }
0x8e: {  	[smem:$0x3FC5] =	sst s2  }
0x8f: {  	_ = 	snop  }
0x90: {  	s2 =	sld [smem:$0x3FC9]  }
0x91: {  	s18 =	sld [smem:$0x3FC8];
	(tm) =	ssettm $0x1  }
0x92: {  	s4 =	sld [smem:$0x3FFB];
	_ =	sdelay $0x3  }
0x93: {  	_ =	strace s4  }
0x94: {  	s4 =	sld [smem:$0x3FFC];
	_ =	sdelay $0x3  }
0x95: {  	_ =	strace s4  }
0x96: {  	s4 =	sld [smem:$0x3FFD];
	_ =	sdelay $0x3  }
0x97: {  	_ =	strace s4  }
0x98: {  	_ =	strace $0x8FFFFFFF  }
0x99: {  	s19 =	sld [smem:$0x3FDB];
	_ =	sdelay $0x1  }
0x9a: {  	s5 =	simm.s32 $_scs_section_size  }
0x9b: {  	s6 =	simm.s32 $_size__tile_overlayer_lowered;
	s7 =	simm.s32 $_tile_overlayer_lowered  }
0x9c: {  	s22 =	simm.s32 $0x1BFF;
	s21 =	sshll.u32 s7, $0x1;
	s4 =	sadd.s32 s5, s19  }
0x9d: {  	s8 =	simm.s32 $0x0;
	s20 =	sshll.u32 s6, $0x1;
	s6 =	sadd.s32 s21, s4  }
0x9e: {  	[timem:s8], [sflag:s22] =	dma.local [hbm:s6], s20  }
0x9f: {  	_ =	swait.ge [sflag:s22], s20  }
0xa0: {  	s5 =	ssub.s32 $0x0, s20;
	[sflag:s22] =	ssyncset.done $0x0  }
0xa1: {  	[sflag:s22] =	ssyncadd.s32 s5;
	_ =	sdelay $0x1  }
0xa2: {  	s23 =	simm.s32 $0x1B8B  }
0xa3: {  	_ =	swait.ge [sflag:s23], $0x1  }
0xa4: {  	[sflag:s23] =	ssyncset.done $0x0  }
0xa5: {  	s25 =	simm.s32 $0x1B8E;
	s24 =	sld [smem:$0x3FFE];
	[sflag:s23] =	ssyncadd.s32 $0xFFFFFFFF  }
0xa6: {  	s26 =	simm.s32 $execute0_lowered;
	[smem:$0x3FD2] =	sst s25  }
0xa7: {  	s6 =	sshll.u32 s26, $0x1;
	_ =	strace $0x80000046;
	[dreg:$0x1] =	wrdreg $0xFFFFFFFF  }
0xa8: {  	s28 =	simm.s32 $_size_execute0_lowered;
	s4 =	sadd.s32 s4, s6;
	[dreg:$0x0] =	wrdreg $0x0  }
0xa9: {  	s6 =	sshll.u32 s28, $0x1;
	[dreg:$0x2] =	wrdreg s4  }
0xaa: {  	[dreg:$0x3] =	wrdreg s6  }
0xab: {  	[dreg:$0x4] =	wrdreg $0xC0  }
0xac: {  	_ =	task [dreg:s8], $0x5FFFF  }
0xad: {  	[dreg:$0x1] =	wrdreg $0xFFFFFFFF  }
0xae: {  	[dreg:$0x0] =	wrdreg $0x60  }
0xaf: {  	[dreg:$0x2] =	wrdreg s2  }
0xb0: {  	[dreg:$0x3] =	wrdreg s18  }
0xb1: {  	[dreg:$0x4] =	wrdreg s24  }
0xb2: {  	[dreg:$0x5] =	wrdreg $0x95C00  }
0xb3: {  	[dreg:$0x6] =	wrdreg $0x132000  }
0xb4: {  	[dreg:$0x7] =	wrdreg $0x9  }
0xb5: {  	_ =	task.clear_ibuf [dreg:s8], $0x8FFFF;
	_ =	strace $0x90000046  }
0xb6: {  	s29 =	simm.s32 $0x9;
	_ =	strace $0x80000048  }
0xb7: {  	_ =	swait.ge [sflag:s29], $0x1  }
0xb8: {  	[sflag:s29] =	ssyncadd.s32 $0xFFFFFFFF  }
0xb9: {  	_ =	strace $0x90000048  }
0xba: {  	_ =	sfence  }
0xbb: {  	s30 =	sld [smem:$0x0];
	_ =	sdelay $0x2  }
0xbc: {  	s31 =	sshll.u32 s1, $0xD;
	s1 =	sshrl.u32 s1, $0x2  }
0xbd: {  	s3 =	sand.u32 $0x4000, s31;
	s1 =	sadd.s32 s1, s30  }
0xbe: {  	s0 =	sor.u32 s3, s0;
	s1 =	sshll.u32 s1, $0x11  }
0xbf: {  	s0 =	sor.u32 s1, s0  }
0xc0: {  	s0 =	sadd.s32 $0x8F2B, s0  }
0xc1: {  	[sflag:s0] =	ssyncadd.remote.s32 $0x1  }
0xc2: {  	_ =	sfence.sel $0xFFFF  }
0xc3: {  	[dreg:$0x0] =	wrdreg $0xFFFFFFFF;
	(pc) =	sbr.abs _section_cstart, $3  }
0xc4: {  	[dreg:$0x1] =	wrdreg $0xFFFFFFFF  }
0xc5: {  	_ =	task.clear_ibuf [dreg:s8], $0x2FFFF;
	_ =	strace $0x9FFFFFFF  }
0xc6: {  	(tm) =	ssettm $0x7FFFFFFF  }
0xc7: {  	_ =	shalt  }
tec
execute0_lowered:
.L_overlay_start_1:
0x0: {  	(tag) =	ssettag $0x1  }
0x1: {  	s1 =	rddreg [dreg:$0x0]  }
0x2: {  	s2 =	rddreg [dreg:$0x1]  }
0x3: {  	s0 =	rddreg [dreg:$0x2]  }
0x4: {  	s3 =	rddreg [dreg:$0x3]  }
0x5: {  	s4 =	rddreg [dreg:$0x4];
	s5 =	simm.s32 $0x0;
	s6 =	srdreg.scid  }
0x6: {  	s15 =	stileid.u32;
	s29 =	simm.s32 $0x8300;
	s30 =	simm.s32 $0x11  }
0x7: {  	s31 =	simm.s32 $0x8F80;
	[smem:$0x7FF] =	sst s5;
	s7 =	sadd.s32 $0x800, s0  }
0x8: {  	s8 =	sadd.s32 $0x62600, s0;
	s6 =	sand.u32 $0x1, s6;
	s11 =	smul.u32 $0xBE, s15  }
0x9: {  	s9 =	sadd.s32 $0x14200, s0;
	s12 =	smul.u32 $0x7A, s15;
	s10 =	sadd.s32 $0x3B400, s0  }
0xa: {  	s14 =	smin.u32 s15, $0x8;
	s13 =	ssub.s32 $0x2, s6;
	p0 =	seq.s32 s6, $0x0  }
0xb: {  	s28 =	sshrl.u32 s13, $0x1;
	s14 =	sadd.s32 s14, s11;
	s11 =	sadd.s32 $0xBE8, s12  }
0xc: {  	p1 =	slt.u32 s15, $0x8;
	s11 =	smov.u32 @p0 s14;
	s0 =	ssub.s32 s13, s28  }
0xd: {  	_ =	strace $0x80000047;
	s14 =	sshll.u32 s11, $0x3;
	s0 =	smax.u32 s0, $0x1  }
0xe: {  	s12 =	simm.s32 $0xBF;
	s17 =	sadd.s32 s7, s14;
	[dreg:$0x10] =	wrdreg s0  }
0xf: {  	v0 =	vimm.s32 $0xFEDCBA98;
	s12 =	simm.s32 @!p1 $0xBE;
	s14 =	sadd.s32 $0x9C40, s17;
	[dreg:$0x6] =	wrdreg s17  }
0x10: {  	v1 =	vimm.s32 $0x76543210;
	v2 =	vimm.s32 $0x3210FEDC;
	s13 =	smul.u32 $0x271, s15;
	s16 =	sadd.s32 $0x8, s17;
	[dreg:$0x7] =	wrdreg s14  }
0x11: {  	v3 =	vimm.s32 $0xBA987654;
	v4 =	vimm.s32 $0x10FEDCBA;
	s12 =	simm.s32 @!p0 $0x7A;
	s18 =	sadd.s32 $0x9C48, s17;
	[dreg:$0x8] =	wrdreg s16  }
0x12: {  	v5 =	vimm.s32 $0x98765432;
	v6 =	vimm.s32 $0xFEDCBA9;
	s20 =	sand.u32 $0x3, s12;
	s19 =	sadd.s32 $0x9C50, s17;
	[dreg:$0x9] =	wrdreg s18  }
0x13: {  	v7 =	vimm.s32 $0x87654321;
	v0 =	vunpack.c.l.s4.s8 v0;
	v1 =	vunpack.c.l.s4.s8 v1;
	s15 =	smul.u32 $0x9C400, s6;
	s6 =	sadd.s32 $0xD, s20;
	[dreg:$0xa] =	wrdreg s19  }
0x14: {  	v2 =	vunpack.c.l.s4.s8 v2;
	v3 =	vunpack.c.l.s4.s8 v3;
	v4 =	vunpack.c.l.s4.s8 v4;
	s21 =	sadd.s32 $0x1, s12;
	s25 =	sadd.s32 $0x10, s17;
	[dreg:$0xb] =	wrdreg s6  }
0x15: {  	v5 =	vunpack.c.l.s4.s8 v5;
	v6 =	vunpack.c.l.s4.s8 v6;
	v7 =	vunpack.c.l.s4.s8 v7;
	s22 =	sadd.s32 $0xFFFFFFFF, s12;
	s26 =	sadd.s32 $0x18, s17;
	[dreg:$0xf] =	wrdreg s25  }
0x16: {  	v0 =	vunpack.c.0.s8.s32 v0;
	v1 =	vunpack.c.0.s8.s32 v1;
	v2 =	vunpack.c.0.s8.s32 v2;
	s28 =	sadd.s32 $0x9C58, s17;
	s6 =	sand.u32 $0x3, s21;
	[dreg:$0x11] =	wrdreg s26  }
0x17: {  	v3 =	vunpack.c.0.s8.s32 v3;
	v4 =	vunpack.c.0.s8.s32 v4;
	v5 =	vunpack.c.0.s8.s32 v5;
	s16 =	sand.u32 $0x1, s12;
	[dreg:$0x12] =	wrdreg s28;
	s6 =	sadd.s32 $0xD, s6  }
0x18: {  	v6 =	vunpack.c.0.s8.s32 v6;
	v7 =	vunpack.c.0.s8.s32 v7;
	v0 =	vand.u32 $0xF, v0;
	s14 =	sand.u32 $0x3, s22;
	s23 =	sadd.s32 $0xD, s16;
	[dreg:$0xc] =	wrdreg s6  }
0x19: {  	v0 =	vcombine.low v0, v1;
	v1 =	vcombine.low v3, v2;
	s25 =	simm.s32 $0x3;
	s24 =	sadd.s32 $0xD, s14;
	[dreg:$0xd] =	wrdreg s23  }
0x1a: {  	v2 =	vcombine.low v5, v4;
	v3 =	vcombine.low v7, v6;
	v4 =	vlaneseq.u32;
	s26 =	simm.s32 $0x0;
	[dreg:$0xe] =	wrdreg s24;
	s6 =	simm.s32 $0x40  }
.LBB2_1:
0x1b: {  	s14 =	simm.s32 $0x0  }
.LBB2_2:
0x1c: {  	s0 =	smul.u32 $0x19, s14;
	_ =	sdelay $0x1  }
0x1d: {  	s0 =	sadd.s32 s13, s0  }
0x1e: {  	s16 =	sshll.u32 s0, $0x4  }
0x1f: {  	s17 =	simm.s32 $0x0;
	s16 =	sadd.s32 s1, s16  }
0x20: {  	[tilespmem:s29], [sflag:$0x11] =	stream.linear.gather [hbm4b:s16+s17], $0xC80, $0x38;
	[tilespmem:$0x1CE40] =	vst v63  }
0x21: {  	_ =	swait.ge [sflag:s30], $0xC80  }
0x22: {  	[sflag:s30] =	ssyncset.done $0x0  }
0x23: {  	s16 =	simm.s32 $0x8340;
	[sflag:s30] =	ssyncadd.s32 $0xFFFFF380  }
0x24: {  	v5 =	vld [tilespmem:s16+$0xFFFFFFC0]  }
0x25: {  	v6 =	vld [tilespmem:s16+$0xFFFFFFD0];
	_ =	sdelay $0x4  }
0x26: {  	v5 =	vadd.s32 $0x8000, v5;
	v6 =	vadd.s32 $0x8000, v6  }
0x27: {  	v5 =	vshrl.u32 v5, $0x10;
	v6 =	vand.u32 $0xFFFF0000, v6  }
0x28: {  	s17 =	simm.s32 $0x0;
	v5 =	vor.u32 v5, v6  }
0x29: {  	[tilespmem:s17+$0x8F80] =	vst v5  }
0x2a: {  	v5 =	vld [tilespmem:s16+$0xFFFFFFE0]  }
0x2b: {  	v6 =	vld [tilespmem:s16+$0xFFFFFFF0];
	_ =	sdelay $0x4  }
0x2c: {  	v5 =	vadd.s32 $0x8000, v5;
	v6 =	vadd.s32 $0x8000, v6  }
0x2d: {  	v5 =	vshrl.u32 v5, $0x10;
	v6 =	vand.u32 $0xFFFF0000, v6  }
0x2e: {  	v5 =	vor.u32 v5, v6  }
0x2f: {  	[tilespmem:s17+$0x8F90] =	vst v5  }
0x30: {  	v5 =	vld [tilespmem:s16+$0x0]  }
0x31: {  	v6 =	vld [tilespmem:s16+$0x10];
	_ =	sdelay $0x4  }
0x32: {  	v5 =	vadd.s32 $0x8000, v5;
	v6 =	vadd.s32 $0x8000, v6  }
0x33: {  	v5 =	vshrl.u32 v5, $0x10;
	v6 =	vand.u32 $0xFFFF0000, v6  }
0x34: {  	v5 =	vor.u32 v5, v6  }
0x35: {  	[tilespmem:s17+$0x8FA0] =	vst v5  }
0x36: {  	v6 =	vld [tilespmem:s16+$0x20];
	_ =	sdelay $0x1  }
0x37: {  	v5 =	vld [tilespmem:s16+$0x30];
	_ =	sdelay $0x2  }
0x38: {  	s18 =	simm.s32 $0x100;
	v6 =	vadd.s32 $0x8000, v6  }
.LBB2_3:
0x39: {  	p0 =	sne.s32 s18, $0x1800  }
0x3a: {  	v6 =	vshrl.u32 v6, $0x10;
	v5 =	vadd.s32 $0x8000, v5;
	s16 =	sadd.s32 $0x80, s16;
	s19 =	smov.u32 s18;
	s18 =	sadd.s32 $0x100, s18  }
0x3b: {  	v5 =	vand.u32 $0xFFFF0000, v5  }
0x3c: {  	v5 =	vor.u32 v6, v5  }
0x3d: {  	[tilespmem:s17+$0x8FB0] =	vst v5  }
0x3e: {  	v5 =	vld [tilespmem:s16+$0xFFFFFFC0]  }
0x3f: {  	v6 =	vld [tilespmem:s16+$0xFFFFFFD0];
	_ =	sdelay $0x3  }
0x40: {  	v5 =	vadd.s32 $0x8000, v5  }
0x41: {  	v6 =	vadd.s32 $0x8000, v6  }
0x42: {  	v5 =	vshrl.u32 v5, $0x10;
	v6 =	vand.u32 $0xFFFF0000, v6  }
0x43: {  	s17 =	sshra.s32 s19, $0x2;
	v5 =	vor.u32 v5, v6  }
0x44: {  	[tilespmem:s17+$0x8F80] =	vst v5  }
0x45: {  	v5 =	vld [tilespmem:s16+$0xFFFFFFE0]  }
0x46: {  	v6 =	vld [tilespmem:s16+$0xFFFFFFF0];
	_ =	sdelay $0x3  }
0x47: {  	v5 =	vadd.s32 $0x8000, v5  }
0x48: {  	v5 =	vshrl.u32 v5, $0x10;
	v6 =	vadd.s32 $0x8000, v6  }
0x49: {  	v6 =	vand.u32 $0xFFFF0000, v6  }
0x4a: {  	v5 =	vor.u32 v5, v6  }
0x4b: {  	[tilespmem:s17+$0x8F90] =	vst v5  }
0x4c: {  	v5 =	vld [tilespmem:s16+$0x0]  }
0x4d: {  	v6 =	vld [tilespmem:s16+$0x10];
	_ =	sdelay $0x3  }
0x4e: {  	v5 =	vadd.s32 $0x8000, v5  }
0x4f: {  	v5 =	vshrl.u32 v5, $0x10;
	v6 =	vadd.s32 $0x8000, v6  }
0x50: {  	v6 =	vand.u32 $0xFFFF0000, v6  }
0x51: {  	v5 =	vor.u32 v5, v6  }
0x52: {  	[tilespmem:s17+$0x8FA0] =	vst v5  }
0x53: {  	v6 =	vld [tilespmem:s16+$0x20]  }
.Ltmp0:
0x54: {  	v5 =	vld [tilespmem:s16+$0x30];
	(pc) =	sbr.rel @p0 .LBB2_3-.Ltmp0, $2  }
0x55: {  	_ =	sdelay $0x2  }
0x56: {  	v6 =	vadd.s32 $0x8000, v6  }
0x57: {  	v5 =	vadd.s32 $0x8000, v5  }
0x58: {  	v6 =	vshrl.u32 v6, $0x10;
	v5 =	vand.u32 $0xFFFF0000, v5  }
0x59: {  	s0 =	sshll.u32 s0, $0x6;
	v5 =	vor.u32 v6, v5  }
0x5a: {  	s16 =	sadd.s32 s0, s3;
	s0 =	sadd.s32 s15, s0;
	[tilespmem:s17+$0x8FB0] =	vst v5  }
0x5b: {  	[spmem:s16] =	stream.linear.scatter [tilespmem:s31], [sflag:$0x11], $0x640, $0x38;
	[tilespmem:$0x1CE40] =	vst v63  }
0x5c: {  	s14 =	sadd.s32 $0x1, s14;
	s0 =	sshrl.u32 s0, $0x3;
	_ =	swait.ge [sflag:s30], $0x640  }
0x5d: {  	p0 =	sne.s32 s14, $0x19;
	s28 =	sadd.s32 s9, s0;
	[sflag:s30] =	ssyncset.done $0x0  }
.Ltmp1:
0x5e: {  	s0 =	simm.s32 $0x0;
	[sflag:s30] =	ssyncadd.s32 $0xFFFFF9C0;
	(pc) =	sbr.rel @p0 .LBB2_2-.Ltmp1, $4  }
0x5f: {  	[hbm4b:s28+s0] =	stream.linear.scatter [tilespmem:s31], [sflag:$0x11], $0x640, $0x38;
	[tilespmem:$0x1CE40] =	vst v63  }
0x60: {  	_ =	swait.ge [sflag:s30], $0x640  }
0x61: {  	[sflag:s30] =	ssyncset.done $0x0  }
0x62: {  	[sflag:s30] =	ssyncadd.s32 $0xFFFFF9C0  }
0x63: {  	s14 =	simm.s32 $0x0  }
.LBB2_6:
0x64: {  	s16 =	smul.u32 $0x19, s14;
	_ =	sdelay $0x1  }
0x65: {  	s16 =	sadd.s32 s13, s16  }
0x66: {  	s17 =	sshll.u32 s16, $0x4  }
0x67: {  	s17 =	sadd.s32 s2, s17  }
0x68: {  	[tilespmem:s29], [sflag:$0x11] =	stream.linear.gather [hbm4b:s17+s0], $0xC80, $0x38;
	[tilespmem:$0x1CE40] =	vst v63  }
0x69: {  	_ =	swait.ge [sflag:s30], $0xC80  }
0x6a: {  	[sflag:s30] =	ssyncset.done $0x0  }
0x6b: {  	s17 =	simm.s32 $0x8340;
	[sflag:s30] =	ssyncadd.s32 $0xFFFFF380  }
0x6c: {  	v5 =	vld [tilespmem:s17+$0xFFFFFFC0]  }
0x6d: {  	v6 =	vld [tilespmem:s17+$0xFFFFFFD0];
	_ =	sdelay $0x4  }
0x6e: {  	v5 =	vadd.s32 $0x8000, v5;
	v6 =	vadd.s32 $0x8000, v6  }
0x6f: {  	v5 =	vshrl.u32 v5, $0x10;
	v6 =	vand.u32 $0xFFFF0000, v6  }
0x70: {  	s18 =	simm.s32 $0x0;
	v5 =	vor.u32 v5, v6  }
0x71: {  	[tilespmem:s18+$0x8F80] =	vst v5  }
0x72: {  	v5 =	vld [tilespmem:s17+$0xFFFFFFE0]  }
0x73: {  	v6 =	vld [tilespmem:s17+$0xFFFFFFF0];
	_ =	sdelay $0x4  }
0x74: {  	v5 =	vadd.s32 $0x8000, v5;
	v6 =	vadd.s32 $0x8000, v6  }
0x75: {  	v5 =	vshrl.u32 v5, $0x10;
	v6 =	vand.u32 $0xFFFF0000, v6  }
0x76: {  	v5 =	vor.u32 v5, v6  }
0x77: {  	[tilespmem:s18+$0x8F90] =	vst v5  }
0x78: {  	v5 =	vld [tilespmem:s17+$0x0]  }
0x79: {  	v6 =	vld [tilespmem:s17+$0x10];
	_ =	sdelay $0x4  }
0x7a: {  	v5 =	vadd.s32 $0x8000, v5;
	v6 =	vadd.s32 $0x8000, v6  }
0x7b: {  	v5 =	vshrl.u32 v5, $0x10;
	v6 =	vand.u32 $0xFFFF0000, v6  }
0x7c: {  	v5 =	vor.u32 v5, v6  }
0x7d: {  	[tilespmem:s18+$0x8FA0] =	vst v5  }
0x7e: {  	v6 =	vld [tilespmem:s17+$0x20];
	_ =	sdelay $0x1  }
0x7f: {  	v5 =	vld [tilespmem:s17+$0x30];
	_ =	sdelay $0x2  }
0x80: {  	s19 =	simm.s32 $0x100;
	v6 =	vadd.s32 $0x8000, v6  }
.LBB2_7:
0x81: {  	p0 =	sne.s32 s19, $0x1800  }
0x82: {  	v6 =	vshrl.u32 v6, $0x10;
	v5 =	vadd.s32 $0x8000, v5;
	s17 =	sadd.s32 $0x80, s17;
	s20 =	smov.u32 s19;
	s19 =	sadd.s32 $0x100, s19  }
0x83: {  	v5 =	vand.u32 $0xFFFF0000, v5  }
0x84: {  	v5 =	vor.u32 v6, v5  }
0x85: {  	[tilespmem:s18+$0x8FB0] =	vst v5  }
0x86: {  	v5 =	vld [tilespmem:s17+$0xFFFFFFC0]  }
0x87: {  	v6 =	vld [tilespmem:s17+$0xFFFFFFD0];
	_ =	sdelay $0x3  }
0x88: {  	v5 =	vadd.s32 $0x8000, v5  }
0x89: {  	v6 =	vadd.s32 $0x8000, v6  }
0x8a: {  	v5 =	vshrl.u32 v5, $0x10;
	v6 =	vand.u32 $0xFFFF0000, v6  }
0x8b: {  	s18 =	sshra.s32 s20, $0x2;
	v5 =	vor.u32 v5, v6  }
0x8c: {  	[tilespmem:s18+$0x8F80] =	vst v5  }
0x8d: {  	v5 =	vld [tilespmem:s17+$0xFFFFFFE0]  }
0x8e: {  	v6 =	vld [tilespmem:s17+$0xFFFFFFF0];
	_ =	sdelay $0x3  }
0x8f: {  	v5 =	vadd.s32 $0x8000, v5  }
0x90: {  	v5 =	vshrl.u32 v5, $0x10;
	v6 =	vadd.s32 $0x8000, v6  }
0x91: {  	v6 =	vand.u32 $0xFFFF0000, v6  }
0x92: {  	v5 =	vor.u32 v5, v6  }
0x93: {  	[tilespmem:s18+$0x8F90] =	vst v5  }
0x94: {  	v5 =	vld [tilespmem:s17+$0x0]  }
0x95: {  	v6 =	vld [tilespmem:s17+$0x10];
	_ =	sdelay $0x3  }
0x96: {  	v5 =	vadd.s32 $0x8000, v5  }
0x97: {  	v5 =	vshrl.u32 v5, $0x10;
	v6 =	vadd.s32 $0x8000, v6  }
0x98: {  	v6 =	vand.u32 $0xFFFF0000, v6  }
0x99: {  	v5 =	vor.u32 v5, v6  }
0x9a: {  	[tilespmem:s18+$0x8FA0] =	vst v5  }
0x9b: {  	v6 =	vld [tilespmem:s17+$0x20]  }
.Ltmp2:
0x9c: {  	v5 =	vld [tilespmem:s17+$0x30];
	(pc) =	sbr.rel @p0 .LBB2_7-.Ltmp2, $2  }
0x9d: {  	_ =	sdelay $0x2  }
0x9e: {  	v6 =	vadd.s32 $0x8000, v6  }
0x9f: {  	v5 =	vadd.s32 $0x8000, v5  }
0xa0: {  	v6 =	vshrl.u32 v6, $0x10;
	v5 =	vand.u32 $0xFFFF0000, v5  }
0xa1: {  	s16 =	sshll.u32 s16, $0x6;
	v5 =	vor.u32 v6, v5  }
0xa2: {  	s17 =	sadd.s32 s16, s4;
	[tilespmem:s18+$0x8FB0] =	vst v5  }
0xa3: {  	[spmem:s17] =	stream.linear.scatter [tilespmem:s31], [sflag:$0x11], $0x640, $0x38;
	[tilespmem:$0x1CE40] =	vst v63  }
0xa4: {  	s14 =	sadd.s32 $0x1, s14;
	s16 =	sadd.s32 s15, s16;
	_ =	swait.ge [sflag:s30], $0x640  }
0xa5: {  	p0 =	sne.s32 s14, $0x19;
	s16 =	sshrl.u32 s16, $0x3;
	[sflag:s30] =	ssyncset.done $0x0  }
.Ltmp3:
0xa6: {  	s16 =	sadd.s32 s10, s16;
	[sflag:s30] =	ssyncadd.s32 $0xFFFFF9C0;
	(pc) =	sbr.rel @p0 .LBB2_6-.Ltmp3, $4  }
0xa7: {  	[hbm4b:s16+s5] =	stream.linear.scatter [tilespmem:s31], [sflag:$0x11], $0x640, $0x38;
	[tilespmem:$0x1CE40] =	vst v63  }
0xa8: {  	_ =	swait.ge [sflag:s30], $0x640  }
0xa9: {  	[sflag:s30] =	ssyncset.done $0x0  }
0xaa: {  	[sflag:s30] =	ssyncadd.s32 $0xFFFFF9C0  }
0xab: {  	[bflag:$0x0] =	sbarrier.arrive $0xFFFF  }
0xac: {  	s0 =	simm.s32 $0x0;
	s14 =	rddreg [dreg:$0x6]  }
0xad: {  	[tilespmem:s0], [sflag:$0x1] =	stream.linear.gather [hbm4b:s14+s0], $0x40, $0x38;
	[tilespmem:$0x1CE40] =	vst v63  }
0xae: {  	s16 =	simm.s32 $0x100;
	s19 =	rddreg [dreg:$0x7]  }
0xaf: {  	[tilespmem:s16], [sflag:$0x1] =	stream.linear.gather [hbm4b:s19+s0], $0x40, $0x38;
	[tilespmem:$0x1CE40] =	vst v63  }
0xb0: {  	s20 =	rddreg [dreg:$0x8]  }
0xb1: {  	[tilespmem:s6], [sflag:$0x2] =	stream.linear.gather [hbm4b:s20+s0], $0x40, $0x38;
	[tilespmem:$0x1CE40] =	vst v63  }
0xb2: {  	s17 =	simm.s32 $0x140;
	s21 =	rddreg [dreg:$0x9]  }
0xb3: {  	[tilespmem:s17], [sflag:$0x2] =	stream.linear.gather [hbm4b:s21+s0], $0x40, $0x38;
	[tilespmem:$0x1CE40] =	vst v63  }
0xb4: {  	s18 =	simm.s32 $0x80;
	s22 =	rddreg [dreg:$0xf]  }
0xb5: {  	[tilespmem:s18], [sflag:$0x3] =	stream.linear.gather [hbm4b:s22+s0], $0x40, $0x38;
	[tilespmem:$0x1CE40] =	vst v63  }
0xb6: {  	s23 =	rddreg [dreg:$0xa];
	s19 =	simm.s32 $0x180  }
0xb7: {  	[tilespmem:s19], [sflag:$0x3] =	stream.linear.gather [hbm4b:s23+s0], $0x40, $0x38;
	[tilespmem:$0x1CE40] =	vst v63  }
0xb8: {  	s24 =	rddreg [dreg:$0x11];
	s20 =	simm.s32 $0xC0  }
0xb9: {  	[tilespmem:s20], [sflag:$0x4] =	stream.linear.gather [hbm4b:s24+s0], $0x40, $0x38;
	[tilespmem:$0x1CE40] =	vst v63  }
0xba: {  	s21 =	simm.s32 $0x1C0;
	s22 =	simm.s32 $0x1;
	s20 =	rddreg [dreg:$0x12]  }
0xbb: {  	[tilespmem:s21], [sflag:$0x4] =	stream.linear.gather [hbm4b:s20+s0], $0x40, $0x38;
	[tilespmem:$0x1CE40] =	vst v63  }
0xbc: {  	_ =	swait.ge [sflag:s22], $0x40  }
0xbd: {  	[sflag:s22] =	ssyncset.done $0x0  }
0xbe: {  	[sflag:s22] =	ssyncadd.s32 $0xFFFFFFC0  }
0xbf: {  	_ =	swait.ge [sflag:s22], $0x40  }
0xc0: {  	[sflag:s22] =	ssyncset.done $0x0  }
0xc1: {  	s23 =	simm.s32 $0x200;
	[sflag:s22] =	ssyncadd.s32 $0xFFFFFFC0  }
0xc2: {  	[tilespmem:s23], [sflag:$0x5] =	stream.indirect.gather [spmem:s3], $0x40, s0, s6, $0xb8;
	[tilespmem:$0x1CE40] =	vst v63  }
0xc3: {  	s24 =	simm.s32 $0x4200;
	s20 =	simm.s32 $0x2  }
0xc4: {  	[tilespmem:s24], [sflag:$0x9] =	stream.indirect.gather [spmem:s4], $0x40, s16, s6, $0xb8;
	[tilespmem:$0x1CE40] =	vst v63  }
0xc5: {  	_ =	swait.ge [sflag:s20], $0x40  }
0xc6: {  	[sflag:s20] =	ssyncset.done $0x0  }
0xc7: {  	[sflag:s20] =	ssyncadd.s32 $0xFFFFFFC0  }
0xc8: {  	_ =	swait.ge [sflag:s20], $0x40  }
0xc9: {  	[sflag:s20] =	ssyncset.done $0x0  }
0xca: {  	s21 =	simm.s32 $0x1200;
	[sflag:s20] =	ssyncadd.s32 $0xFFFFFFC0  }
0xcb: {  	[tilespmem:s21], [sflag:$0x6] =	stream.indirect.gather [spmem:s3], $0x40, s6, s6, $0xb8;
	[tilespmem:$0x1CE40] =	vst v63  }
0xcc: {  	s22 =	simm.s32 $0x5200  }
0xcd: {  	[tilespmem:s22], [sflag:$0xA] =	stream.indirect.gather [spmem:s4], $0x40, s17, s6, $0xb8;
	[tilespmem:$0x1CE40] =	vst v63  }
0xce: {  	_ =	swait.ge [sflag:s25], $0x40  }
0xcf: {  	[sflag:s25] =	ssyncset.done $0x0  }
0xd0: {  	[sflag:s25] =	ssyncadd.s32 $0xFFFFFFC0  }
0xd1: {  	_ =	swait.ge [sflag:s25], $0x40  }
0xd2: {  	[sflag:s25] =	ssyncset.done $0x0  }
0xd3: {  	s23 =	simm.s32 $0x2200;
	[sflag:s25] =	ssyncadd.s32 $0xFFFFFFC0  }
0xd4: {  	[tilespmem:s23], [sflag:$0x7] =	stream.indirect.gather [spmem:s3], $0x40, s18, s6, $0xb8;
	[tilespmem:$0x1CE40] =	vst v63  }
0xd5: {  	s28 =	simm.s32 $0x0;
	s24 =	simm.s32 $0x6200  }
0xd6: {  	[tilespmem:s24], [sflag:$0xB] =	stream.indirect.gather [spmem:s4], $0x40, s19, s6, $0xb8;
	[tilespmem:$0x1CE40] =	vst v63  }
.LBB2_10:
0xd7: {  	s16 =	sand.u32 $0x3, s28  }
0xd8: {  	s14 =	sadd.s32 $0x5, s16  }
0xd9: {  	_ =	swait.ge [sflag:s14], $0x1000  }
0xda: {  	[sflag:s14] =	ssyncset.done $0x0  }
0xdb: {  	s22 =	sadd.s32 $0x9, s16;
	[sflag:s14] =	ssyncadd.s32 $0xFFFFF000  }
0xdc: {  	_ =	swait.ge [sflag:s22], $0x1000  }
0xdd: {  	p0 =	slt.u32 s28, $0x4;
	[sflag:s22] =	ssyncset.done $0x0  }
0xde: {  	s17 =	sshll.u32 s0, $0xC;
	s19 =	sadd.s32 @!p0 $0xD, s16;
	[sflag:s22] =	ssyncadd.s32 $0xFFFFF000  }
0xdf: {  	s20 =	simm.s32 $0x0;
	s24 =	sshll.u32 s16, $0x6;
	_ =	swait.ge @!p0 [sflag:s19], $0x40  }
0xe0: {  	s23 =	sand.u32 $0x3000, s17;
	s17 =	sor.u32 $0x8200, s24;
	[sflag:s19] =	ssyncset.done @!p0 $0x0  }
0xe1: {  	s18 =	sor.u32 $0x220, s23;
	v5 =	vmov s17;
	s14 =	sor.u32 $0x4220, s23;
	[sflag:s19] =	ssyncadd.s32 @!p0 $0xFFFFFFC0  }
.LBB2_11:
0xe2: {  	v6 =	vld [tilespmem:s18+$0xFFFFFFE0]  }
0xe3: {  	v7 =	vld [tilespmem:s14+$0xFFFFFFE0]  }
0xe4: {  	v8 =	vld [tilespmem:s18+$0xFFFFFFF0]  }
0xe5: {  	v9 =	vld [tilespmem:s14+$0xFFFFFFF0]  }
0xe6: {  	v10 =	vld [tilespmem:s18+$0x0]  }
0xe7: {  	v11 =	vld [tilespmem:s14+$0x0]  }
0xe8: {  	v13 =	vld [tilespmem:s18+$0x10];
	v12 =	vshll.u32 v6, $0x10  }
0xe9: {  	v15 =	vld [tilespmem:s14+$0x10];
	v6 =	vand.u32 $0xFFFF0000, v6;
	v14 =	vshll.u32 v7, $0x10;
	v7 =	vand.u32 $0xFFFF0000, v7  }
0xea: {  	v16 =	vshll.u32 v8, $0x10;
	v8 =	vand.u32 $0xFFFF0000, v8;
	v17 =	vshll.u32 v9, $0x10  }
0xeb: {  	v9 =	vand.u32 $0xFFFF0000, v9;
	v18 =	vshll.u32 v10, $0x10;
	v10 =	vand.u32 $0xFFFF0000, v10  }
0xec: {  	v19 =	vshll.u32 v11, $0x10;
	v11 =	vand.u32 $0xFFFF0000, v11;
	v12 =	vmul.f32 v14, v12  }
0xed: {  	s19 =	sadd.s32 $0x40, s18;
	v14 =	vshll.u32 v13, $0x10;
	v6 =	vmul.f32 v7, v6;
	v7 =	vmul.f32 v17, v16  }
0xee: {  	s22 =	sadd.s32 $0x40, s14;
	v13 =	vand.u32 $0xFFFF0000, v13;
	v8 =	vmul.f32 v9, v8;
	v9 =	vshll.u32 v15, $0x10;
	v16 =	vld [tilespmem:s19+$0xFFFFFFE0]  }
0xef: {  	v17 =	vmul.f32 v19, v18;
	v10 =	vmul.f32 v11, v10;
	v11 =	vand.u32 $0xFFFF0000, v15;
	v15 =	vld [tilespmem:s22+$0xFFFFFFE0]  }
0xf0: {  	v9 =	vmul.f32 v9, v14;
	v11 =	vmul.f32 v11, v13;
	v13 =	vld [tilespmem:s19+$0xFFFFFFF0]  }
0xf1: {  	v6 =	vadd.f32 v6, v12;
	v7 =	vadd.f32 v8, v7;
	v8 =	vld [tilespmem:s22+$0xFFFFFFF0]  }
0xf2: {  	v10 =	vadd.f32 v10, v17;
	v12 =	vld [tilespmem:s22+$0x0];
	v9 =	vadd.f32 v11, v9  }
0xf3: {  	v11 =	vld [tilespmem:s19+$0x0];
	v7 =	vadd.f32 v7, v6  }
0xf4: {  	v9 =	vadd.f32 v9, v10;
	v10 =	vshll.u32 v16, $0x10;
	v17 =	vshll.u32 v15, $0x10  }
0xf5: {  	v19 =	vld [tilespmem:s22+$0x10];
	v14 =	vand.u32 $0xFFFF0000, v16;
	v15 =	vand.u32 $0xFFFF0000, v15;
	v10 =	vmul.f32 v17, v10  }
0xf6: {  	v16 =	vld [tilespmem:s19+$0x10];
	v14 =	vmul.f32 v15, v14;
	v7 =	vadd.f32 v9, v7;
	v9 =	vshll.u32 v13, $0x10  }
0xf7: {  	v13 =	vand.u32 $0xFFFF0000, v13;
	v18 =	vshll.u32 v8, $0x10;
	v8 =	vand.u32 $0xFFFF0000, v8  }
0xf8: {  	v22 =	vshll.u32 v12, $0x10;
	v12 =	vand.u32 $0xFFFF0000, v12;
	v20 =	vshll.u32 v11, $0x10  }
0xf9: {  	v11 =	vand.u32 $0xFFFF0000, v11;
	v9 =	vmul.f32 v18, v9;
	v21 =	vperm.xlane v7, v0  }
0xfa: {  	v8 =	vmul.f32 v8, v13;
	v13 =	vshll.u32 v19, $0x10;
	v18 =	vmul.f32 v22, v20  }
0xfb: {  	v11 =	vmul.f32 v12, v11;
	v23 =	vshll.u32 v16, $0x10;
	v7 =	vadd.f32 v7, v21  }
0xfc: {  	s21 =	sadd.s32 $0x40, s19;
	v12 =	vand.u32 $0xFFFF0000, v19;
	v15 =	vand.u32 $0xFFFF0000, v16;
	v13 =	vmul.f32 v13, v23  }
0xfd: {  	v10 =	vadd.f32 v14, v10;
	v16 =	vld [tilespmem:s21+$0xFFFFFFE0];
	v12 =	vmul.f32 v12, v15;
	v17 =	vperm.xlane v7, v1  }
0xfe: {  	s24 =	simm.s32 $0x0;
	s23 =	sadd.s32 $0x40, s22;
	v19 =	vld [tilespmem:s21+$0xFFFFFFF0];
	v8 =	vadd.f32 v8, v9;
	v11 =	vadd.f32 v11, v18  }
0xff: {  	v9 =	vmov s24;
	v21 =	vld [tilespmem:s23+$0xFFFFFFE0];
	v12 =	vadd.f32 v12, v13;
	v15 =	vadd.f32 v7, v17  }
0x100: {  	v22 =	vld [tilespmem:s21+$0x0];
	vm0 =	veq.s32 v9, v4  }
0x101: {  	v10 =	vadd.f32 v8, v10;
	v17 =	vld [tilespmem:s23+$0xFFFFFFF0];
	v9 =	vadd.f32 v12, v11;
	v13 =	vperm.xlane v15, v2  }
0x102: {  	v7 =	vshll.u32 v16, $0x10;
	v8 =	vand.u32 $0xFFFF0000, v16;
	v16 =	vld [tilespmem:s23+$0x0]  }
0x103: {  	v9 =	vadd.f32 v9, v10;
	v10 =	vld [tilespmem:s21+$0x10];
	v23 =	vadd.f32 v15, v13  }
0x104: {  	v6 =	vimm.f32 $0.0e+00;
	v11 =	vand.u32 $0xFFFF0000, v19;
	v18 =	vshll.u32 v21, $0x10  }
0x105: {  	v12 =	vand.u32 $0xFFFF0000, v21;
	v13 =	vshll.u32 v19, $0x10;
	v24 =	vperm.xlane v23, v3  }
0x106: {  	v14 =	vld [tilespmem:s23+$0x10];
	v15 =	vshll.u32 v22, $0x10;
	v19 =	vand.u32 $0xFFFF0000, v22;
	v22 =	vperm.xlane v9, v0  }
0x107: {  	s22 =	simm.s32 $0x2;
	s19 =	simm.s32 $0x1;
	s24 =	simm.s32 $0x3;
	v21 =	vshll.u32 v17, $0x10;
	v20 =	vand.u32 $0xFFFF0000, v17;
	v17 =	vadd.f32 v23, v24  }
.LBB2_12:
0x108: {  	p0 =	sne.s32 s24, $0xF;
	v23 =	vshll.u32 v16, $0x10;
	v16 =	vand.u32 $0xFFFF0000, v16;
	v24 =	vshll.u32 v10, $0x10  }
0x109: {  	v7 =	vmul.f32 v18, v7;
	v9 =	vadd.f32 v9, v22;
	v6 =	vsel vm0, v17, v6  }
0x10a: {  	v8 =	vmul.f32 v12, v8;
	v12 =	vmul.f32 v21, v13;
	v10 =	vand.u32 $0xFFFF0000, v10;
	s21 =	sadd.s32 $0x40, s21  }
0x10b: {  	v11 =	vmul.f32 v20, v11;
	s23 =	sadd.s32 $0x40, s23;
	v13 =	vld [tilespmem:s21+$0xFFFFFFE0];
	v17 =	vshll.u32 v14, $0x10;
	v18 =	vperm.xlane v9, v1  }
0x10c: {  	v15 =	vmul.f32 v23, v15;
	v16 =	vmul.f32 v16, v19;
	v14 =	vand.u32 $0xFFFF0000, v14;
	v20 =	vld [tilespmem:s23+$0xFFFFFFE0]  }
0x10d: {  	v17 =	vmul.f32 v17, v24;
	v10 =	vmul.f32 v14, v10;
	v19 =	vld [tilespmem:s21+$0xFFFFFFF0];
	v9 =	vadd.f32 v9, v18  }
0x10e: {  	v8 =	vadd.f32 v8, v7;
	v11 =	vadd.f32 v11, v12;
	v12 =	vmov s19;
	s19 =	smov.u32 s22;
	s22 =	smov.u32 s24;
	v14 =	vld [tilespmem:s23+$0xFFFFFFF0]  }
0x10f: {  	v15 =	vadd.f32 v16, v15;
	v17 =	vadd.f32 v10, v17;
	v22 =	vld [tilespmem:s21+$0x0];
	v18 =	vperm.xlane v9, v2  }
0x110: {  	vm0 =	veq.s32 v12, v4;
	v21 =	vadd.f32 v11, v8;
	v7 =	vshll.u32 v13, $0x10;
	v16 =	vld [tilespmem:s23+$0x0]  }
.Ltmp4:
0x111: {  	v8 =	vand.u32 $0xFFFF0000, v13;
	v15 =	vadd.f32 v17, v15;
	v10 =	vld [tilespmem:s21+$0x10];
	v17 =	vadd.f32 v9, v18;
	(pc) =	sbr.rel @p0 .LBB2_12-.Ltmp4, $4  }
0x112: {  	v18 =	vshll.u32 v20, $0x10;
	v12 =	vand.u32 $0xFFFF0000, v20;
	v13 =	vshll.u32 v19, $0x10  }
0x113: {  	v11 =	vand.u32 $0xFFFF0000, v19;
	v9 =	vadd.f32 v15, v21;
	v23 =	vperm.xlane v17, v3  }
0x114: {  	v21 =	vshll.u32 v14, $0x10;
	v20 =	vand.u32 $0xFFFF0000, v14;
	v15 =	vshll.u32 v22, $0x10;
	v14 =	vld [tilespmem:s23+$0x10]  }
0x115: {  	s24 =	sadd.s32 $0x1, s24;
	v19 =	vand.u32 $0xFFFF0000, v22;
	v22 =	vperm.xlane v9, v0;
	v17 =	vadd.f32 v17, v23  }
0x116: {  	v23 =	vshll.u32 v16, $0x10;
	v51 =	vand.u32 $0xFFFF0000, v16;
	v7 =	vmul.f32 v18, v7  }
0x117: {  	v52 =	vshll.u32 v10, $0x10;
	v8 =	vmul.f32 v12, v8;
	v53 =	vmul.f32 v21, v13  }
0x118: {  	v54 =	vand.u32 $0xFFFF0000, v10;
	v11 =	vmul.f32 v20, v11;
	v15 =	vmul.f32 v23, v15  }
0x119: {  	v16 =	vmul.f32 v51, v19;
	v55 =	vshll.u32 v14, $0x10;
	v56 =	vand.u32 $0xFFFF0000, v14  }
0x11a: {  	v13 =	vmul.f32 v55, v52;
	v10 =	vmul.f32 v56, v54  }
0x11b: {  	v7 =	vadd.f32 v8, v7;
	v57 =	vadd.f32 v11, v53  }
0x11c: {  	v58 =	vadd.f32 v16, v15;
	v10 =	vadd.f32 v10, v13;
	_ =	sdelay $0x1  }
0x11d: {  	v7 =	vadd.f32 v57, v7;
	v59 =	vadd.f32 v10, v58;
	_ =	sdelay $0x1  }
0x11e: {  	v7 =	vadd.f32 v59, v7;
	_ =	sdelay $0x1  }
0x11f: {  	v8 =	vperm.xlane v7, v0  }
0x120: {  	v9 =	vadd.f32 v9, v22  }
0x121: {  	v7 =	vadd.f32 v7, v8  }
0x122: {  	v60 =	vperm.xlane v9, v1  }
0x123: {  	v61 =	vperm.xlane v7, v1  }
0x124: {  	v8 =	vadd.f32 v9, v60  }
0x125: {  	v7 =	vadd.f32 v7, v61  }
0x126: {  	v9 =	vperm.xlane v8, v2  }
0x127: {  	v10 =	vperm.xlane v7, v2  }
0x128: {  	v8 =	vadd.f32 v8, v9  }
0x129: {  	v7 =	vadd.f32 v7, v10  }
0x12a: {  	s24 =	sshll.u32 s20, $0x4;
	s20 =	sadd.s32 $0x1, s20;
	v9 =	vperm.xlane v8, v3  }
0x12b: {  	p0 =	sne.s32 s20, $0x4;
	v10 =	vperm.xlane v7, v3  }
.Ltmp5:
0x12c: {  	v62 =	vmov s19;
	v63 =	vmov s22;
	v8 =	vadd.f32 v8, v9;
	(pc) =	sbr.rel @p0 .LBB2_11-.Ltmp5, $4  }
0x12d: {  	v6 =	vsel vm0, v17, v6;
	vm14 =	veq.s32 v62, v4;
	v7 =	vadd.f32 v7, v10  }
0x12e: {  	vm15 =	veq.s32 v63, v4;
	v6 =	vsel vm14, v8, v6  }
0x12f: {  	s19 =	sand.u32 $0x3FFFFFF0, s24;
	v6 =	vsel vm15, v7, v6  }
0x130: {  	s18 =	sadd.s32 $0x400, s18;
	s14 =	sadd.s32 $0x400, s14;
	[tilespmem:v5+s19+$0x0 ss:$0x1] =	vst.idx.msk $0xffff, v6  }
0x131: {  	s14 =	sadd.s32 s11, s28  }
0x132: {  	s14 =	sshll.u32 s14, $0x3  }
0x133: {  	s18 =	sadd.s32 $0xD, s16;
	s14 =	sadd.s32 s8, s14  }
0x134: {  	[hbm4b:s14+s5] =	stream.linear.scatter [tilespmem:s17], [sflag:s18], $0x40, $0x38;
	[tilespmem:$0x1CE40] =	vst v63  }
0x135: {  	s14 =	sadd.s32 $0x4, s28  }
0x136: {  	p0 =	sge.u32 s14, s12  }
0x137: {  	s14 =	sadd.s32 @!p0 s11, s14  }
0x138: {  	s17 =	sadd.s32 @!p0 $0x1, s16;
	s16 =	sshll.u32 @!p0 s16, $0x6;
	s14 =	sshll.u32 @!p0 s14, $0x3  }
0x139: {  	s19 =	simm.s32 @!p0 $0x0;
	s18 =	sadd.s32 @!p0 s7, s14;
	s14 =	sand.u32 @!p0 $0x1FFFFFF8, s14  }
0x13a: {  	[tilespmem:s16], [sflag:s17] =	stream.linear.gather @!p0 [hbm4b:s18+s19], $0x40, $0x38;
	[tilespmem:$0x1CE40] =	vst v63  }
0x13b: {  	s14 =	sadd.s32 @!p0 s7, s14  }
0x13c: {  	s16 =	sor.u32 @!p0 $0x100, s16;
	s14 =	sadd.s32 @!p0 $0x9C40, s14  }
0x13d: {  	[tilespmem:s16], [sflag:s17] =	stream.linear.gather @!p0 [hbm4b:s14+s19], $0x40, $0x38;
	[tilespmem:$0x1CE40] =	vst v63  }
0x13e: {  	s14 =	sadd.s32 $0x3, s28  }
0x13f: {  	p0 =	sge.u32 s14, s12  }
0x140: {  	s14 =	sand.u32 @!p0 $0x3, s14  }
0x141: {  	s16 =	sadd.s32 @!p0 $0x1, s14  }
0x142: {  	_ =	swait.ge @!p0 [sflag:s16], $0x40  }
0x143: {  	[sflag:s16] =	ssyncset.done @!p0 $0x0  }
0x144: {  	[sflag:s16] =	ssyncadd.s32 @!p0 $0xFFFFFFC0  }
0x145: {  	_ =	swait.ge @!p0 [sflag:s16], $0x40  }
0x146: {  	s28 =	sadd.s32 $0x1, s28;
	[sflag:s16] =	ssyncset.done @!p0 $0x0  }
0x147: {  	s20 =	simm.s32 @!p0 $0x40;
	[sflag:s16] =	ssyncadd.s32 @!p0 $0xFFFFFFC0;
	s16 =	sshll.u32 @!p0 s14, $0xC  }
0x148: {  	s17 =	sshll.u32 @!p0 s14, $0x6;
	s19 =	sadd.s32 @!p0 $0x5, s14;
	s18 =	sor.u32 @!p0 $0x200, s16  }
0x149: {  	[tilespmem:s18], [sflag:s19] =	stream.indirect.gather @!p0 [spmem:s3], $0x40, s17, s20, $0xb8;
	[tilespmem:$0x1CE40] =	vst v63  }
0x14a: {  	s14 =	sadd.s32 @!p0 $0x9, s14;
	s16 =	sor.u32 @!p0 $0x4200, s16;
	s17 =	sor.u32 @!p0 $0x100, s17  }
0x14b: {  	[tilespmem:s16], [sflag:s14] =	stream.indirect.gather @!p0 [spmem:s4], $0x40, s17, s20, $0xb8;
	[tilespmem:$0x1CE40] =	vst v63  }
0x14c: {  	p0 =	sne.s32 s28, s12  }
.Ltmp6:
0x14d: {  	_ = 	snop;
	(pc) =	sbr.rel @p0 .LBB2_10-.Ltmp6, $2  }
0x14e: {  	_ =	sdelay $0x2  }
0x14f: {  	s0 =	sadd.s32 $0x1, s0  }
0x150: {  	s0 =	rddreg [dreg:$0xb]  }
0x151: {  	_ =	swait.ge [sflag:s0], $0x40  }
0x152: {  	[sflag:s0] =	ssyncset.done $0x0  }
0x153: {  	s23 =	rddreg [dreg:$0xc];
	[sflag:s0] =	ssyncadd.s32 $0xFFFFFFC0  }
0x154: {  	_ =	swait.ge [sflag:s23], $0x40  }
0x155: {  	[sflag:s23] =	ssyncset.done $0x0  }
0x156: {  	s24 =	rddreg [dreg:$0xd];
	[sflag:s23] =	ssyncadd.s32 $0xFFFFFFC0  }
0x157: {  	_ =	swait.ge [sflag:s24], $0x40  }
0x158: {  	[sflag:s24] =	ssyncset.done $0x0  }
0x159: {  	s28 =	rddreg [dreg:$0xe];
	[sflag:s24] =	ssyncadd.s32 $0xFFFFFFC0  }
0x15a: {  	_ =	swait.ge [sflag:s28], $0x40  }
0x15b: {  	s26 =	sadd.s32 $0x1, s26;
	s14 =	rddreg [dreg:$0x10]  }
0x15c: {  	p0 =	sne.s32 s26, s14  }
.Ltmp7:
0x15d: {  	_ = 	snop;
	(pc) =	sbr.rel @p0 .LBB2_1-.Ltmp7, $3  }
0x15e: {  	_ =	sdelay $0x1  }
0x15f: {  	[sflag:s28] =	ssyncset.done $0x0  }
0x160: {  	[sflag:s28] =	ssyncadd.s32 $0xFFFFFFC0  }
0x161: {  	_ =	sfence.sel $0x180000  }
0x162: {  	[bflag:$0x0] =	sbarrier.arrive $0xFFFF  }
0x163: {  	_ =	strace $0x90000047  }
0x164: {  	s0 =	stileid.u32;
	[bflag:$0x2] =	sbarrier.arrive $0xFFFF  }
0x165: {  	p0 =	sne.s32 s0, $0x0;
	s0 =	rddreg [dreg:$0x5]  }
0x166: {  	s0 =	sadd.s32 @!p0 $0x100000, s0  }
0x167: {  	[sflag:s0] =	ssyncadd.tile.s32 @!p0 $0x1;
	_ =	shalt  }
.Lfunc_end2:
_tile_overlayer_lowered:
.L_overlay_start_2:
0x168: {  	(tag) =	ssettag $0x2  }
0x169: {  	s0 =	rddreg [dreg:$0x0];
	s2 =	stileid.u32  }
0x16a: {  	s1 =	rddreg [dreg:$0x1];
	p0 =	sne.s32 s2, $0x0  }
0x16b: {  	s3 =	rddreg [dreg:$0x2];
	[bflag:$0x3] =	sbarrier.arrive $0xFFFF;
	s2 =	simm.s32 @!p0 $0x1C11  }
0x16c: {  	[timem:s3], [sflag:s2] =	dma.local @!p0 [hbm:s0], s1  }
0x16d: {  	s0 =	simm.s32 @!p0 $0x11  }
0x16e: {  	_ =	swait.ge @!p0 [sflag:s0], s1  }
0x16f: {  	s1 =	ssub.s32 @!p0 $0x0, s1;
	[sflag:s0] =	ssyncset.done @!p0 $0x0  }
0x170: {  	[sflag:s0] =	ssyncadd.s32 @!p0 s1  }
0x171: {  	[bflag:$0x3] =	sbarrier.arrive $0xFFFF  }
0x172: {  	_ =	shalt  }

</sc_bundles>
